<compile_context>
chip_gen: v7x
topology: tpu7x:2x2x1
jax: 0.10.2.dev20260603
libtpu: 0.0.44.dev20260713+nightly
codegen_flags: <defaults>
</compile_context>

<pallas_src>
import functools

import jax
import jax.numpy as jnp
from jax import lax
from jax.experimental import pallas as pl
from jax.experimental.pallas import tpu as pltpu
from jax.experimental.pallas import tpu_sc as plsc

D_MODEL = 64
SCALE = 8.0

NC = 2
NS = 16
NW = NC * NS
LANES = 16

BBLK = 128


def _make_kernel(n_b, n_t):
    assert n_b % (NW * BBLK) == 0 and n_b // BBLK == NW
    dt = D_MODEL // 8

    mesh = plsc.VectorSubcoreMesh(core_axis_name="c", subcore_axis_name="s")

    @functools.partial(
        pl.kernel,
        out_type=jax.ShapeDtypeStruct((n_t, dt, NW, 8, BBLK), jnp.float32),
        mesh=mesh,
        compiler_params=pltpu.CompilerParams(use_tc_tiling_on_sc=True),
        scratch_types=[
            pltpu.VMEM((n_t, BBLK), jnp.int32),
            pltpu.VMEM((D_MODEL, BBLK), jnp.float32),
            pltpu.VMEM((D_MODEL, BBLK), jnp.float32),
            pltpu.SemaphoreType.DMA,
            pltpu.SemaphoreType.DMA,
            pltpu.SemaphoreType.DMA,
            pltpu.SemaphoreType.DMA,
        ],
    )
    def emb_kernel(x_hbm, tab_hbm, out_hbm, idx_all, tp0, tp1,
                   gsem0, gsem1, wsem0, wsem1):
        wid = lax.axis_index("s") * NC + lax.axis_index("c")
        tp_bufs = (tp0, tp1)
        gsems = (gsem0, gsem1)
        wsems = (wsem0, wsem1)

        def fetch_chunk(t, p):
            tp_v, sem = tp_bufs[p], gsems[p]

            def g_body(g, carry):
                vec = idx_all[t, pl.ds(g * LANES, LANES)]
                for j in range(LANES):
                    pltpu.async_copy(
                        tab_hbm.at[vec[j]],
                        tp_v.at[:, g * LANES + j],
                        sem,
                    )
                return carry

            lax.fori_loop(0, BBLK // LANES, g_body, 0)

        def process(t, p):
            tp_v = tp_bufs[p]
            pltpu.make_async_copy(
                x_hbm.at[pl.ds(0, D_MODEL), 0], tp_v, gsems[p]
            ).wait()

            def scale_d(d, carry):
                for bg in range(BBLK // LANES):
                    sl = pl.ds(bg * LANES, LANES)
                    tp_v[d, sl] = tp_v[d, sl] * SCALE
                return carry

            lax.fori_loop(0, D_MODEL, scale_d, 0)

            for dti in range(dt):
                pltpu.async_copy(
                    tp_v.at[pl.ds(dti * 8, 8)],
                    out_hbm.at[t, dti, wid],
                    wsems[p],
                )

        def wait_write(p):
            pltpu.make_async_copy(
                x_hbm.at[pl.ds(0, D_MODEL), 0], tp_bufs[p], wsems[p]
            ).wait()

        def step(t, carry):
            p = lax.rem(t, 2)

            @pl.when(p == 0)
            def _():
                @pl.when(t + 1 < n_t)
                def _():
                    @pl.when(t >= 1)
                    def _():
                        wait_write(1)
                    fetch_chunk(t + 1, 1)
                process(t, 0)

            @pl.when(p == 1)
            def _():
                @pl.when(t + 1 < n_t)
                def _():
                    wait_write(0)
                    fetch_chunk(t + 1, 0)
                process(t, 1)

            return carry

        pltpu.sync_copy(x_hbm.at[:, wid], idx_all)
        fetch_chunk(0, 0)
        lax.fori_loop(0, n_t, step, 0)
        wait_write(0)
        wait_write(1)

    return emb_kernel


def kernel(x, table):
    n_b, n_t = x.shape
    xt = x.T.reshape(n_t, NW, BBLK).astype(jnp.int32)
    out5 = _make_kernel(n_b, n_t)(xt, table)
    return out5.transpose(2, 4, 0, 1, 3).reshape(n_b, n_t, D_MODEL)

# --- scband reference (transcript-rebuilt; emitter-appended) ---
"""Pipeline reference for scband-input-embeddings-8246337208435 (READ-ONLY COPY).

The authoritative reference and input builder live on the scoring server;
editing this copy changes nothing except your own understanding.
"""

import jax, jax.numpy as jnp
import numpy as np

D_MODEL = 64
VOCAB_SIZE = 1000000

def setup_inputs(seed: int = 0) -> dict:
    key = jax.random.key(seed)
    k1, k2 = jax.random.split(key)
    x = jax.random.randint(k1, (4096, 200), 0, VOCAB_SIZE, dtype=jnp.int64 if jax.config.jax_enable_x64 else jnp.int32)
    # Embedding table initialized like keras Embedding (uniform [-0.05, 0.05])
    table = jax.random.uniform(k2, (VOCAB_SIZE, D_MODEL), dtype=jnp.float32, minval=-0.05, maxval=0.05)
    return {"x": x, "table": table}

def reference(x, table):
    # InputEmbeddings.call: embedding lookup scaled by sqrt(d_model)
    emb = jnp.take(table, x, axis=0)
    return emb * np.sqrt(D_MODEL).astype(np.float32)

if __name__ == "__main__":
    import jax
    _d = setup_inputs()
    print(jax.jit(kernel)(*tuple(_d.values())))

</pallas_src>

<mosaic_0001>
#map = affine_map<(d0, d1) -> (0, 0, 0)>
#map1 = affine_map<(d0, d1) -> (0, 0)>
#map2 = affine_map<(d0, d1) -> (0, 0, 0, 0, 0)>
module attributes {stable_mosaic.version = 14 : i64} {
  func.func @emb_kernel(%arg0: i32, %arg1: i32, %arg2: memref<200x32x128xi32, #tpu.memory_space<hbm>>, %arg3: memref<1000000x64xf32, #tpu.memory_space<hbm>>, %arg4: memref<200x8x32x8x128xf32, #tpu.memory_space<hbm>>, %arg5: memref<200x128xi32, #tpu.memory_space<vmem>>, %arg6: memref<64x128xf32, #tpu.memory_space<vmem>>, %arg7: memref<64x128xf32, #tpu.memory_space<vmem>>, %arg8: memref<!tpu.dma_semaphore, #tpu.memory_space<semaphore_mem>>, %arg9: memref<!tpu.dma_semaphore, #tpu.memory_space<semaphore_mem>>, %arg10: memref<!tpu.dma_semaphore, #tpu.memory_space<semaphore_mem>>, %arg11: memref<!tpu.dma_semaphore, #tpu.memory_space<semaphore_mem>>) attributes {dimension_semantics = [#tpu.dimension_semantics<core_parallel>, #tpu.dimension_semantics<subcore_parallel>], iteration_bounds = array<i64: 2, 16>, scalar_prefetch = 0 : i64, scratch_operands = 7 : i64, tpu.core_type = #tpu.core_type<sc_vector_subcore>, window_params = [{transform_indices = #map}, {transform_indices = #map1}, {transform_indices = #map2}]} {
    %mul3A = arith.constant 2 : i32
    %mul3A_0 = arith.muli %arg1, %mul3A : i32
    %add3A = arith.addi %mul3A_0, %arg0 : i32
    "tpu.region"() ({
      %run_scoped3A = tpu.sem_alloc : memref<!tpu.dma_semaphore, #tpu.memory_space<semaphore_mem>>
      %dma_start3A = arith.constant 0 : i32
      %dma_start3A_29 = arith.constant 0 : i32
      %dma_start3A_30 = tpu.memref_slice %arg2[%dma_start3A, %add3A, %dma_start3A_29] : memref<200x32x128xi32, #tpu.memory_space<hbm>> -> memref<200x1x128xi32, #tpu.memory_space<hbm>>
      %dma_start3A_31 = tpu.memref_squeeze %dma_start3A_30 : memref<200x1x128xi32, #tpu.memory_space<hbm>> -> memref<200x128xi32, #tpu.memory_space<hbm>>
      %dma_start3A_32 = arith.constant 0 : i32
      %dma_start3A_33 = arith.constant 0 : i32
      %dma_start3A_34 = tpu.memref_slice %arg2[%dma_start3A_32, %add3A, %dma_start3A_33] : memref<200x32x128xi32, #tpu.memory_space<hbm>> -> memref<200x1x128xi32, #tpu.memory_space<hbm>>
      %dma_start3A_35 = tpu.memref_squeeze %dma_start3A_34 : memref<200x1x128xi32, #tpu.memory_space<hbm>> -> memref<200x128xi32, #tpu.memory_space<hbm>>
      tpu.enqueue_dma source(%dma_start3A_35 : memref<200x128xi32, #tpu.memory_space<hbm>>) target(%arg5 : memref<200x128xi32, #tpu.memory_space<vmem>>) target_semaphore(%run_scoped3A : memref<!tpu.dma_semaphore, #tpu.memory_space<semaphore_mem>>)
      %dma_wait3A_36 = arith.constant 0 : i32
      %dma_wait3A_37 = arith.constant 0 : i32
      %dma_wait3A_38 = tpu.memref_slice %arg2[%dma_wait3A_36, %add3A, %dma_wait3A_37] : memref<200x32x128xi32, #tpu.memory_space<hbm>> -> memref<200x1x128xi32, #tpu.memory_space<hbm>>
      %dma_wait3A_39 = tpu.memref_squeeze %dma_wait3A_38 : memref<200x1x128xi32, #tpu.memory_space<hbm>> -> memref<200x128xi32, #tpu.memory_space<hbm>>
      %dma_wait3A_40 = arith.constant 0 : i32
      %dma_wait3A_41 = arith.constant 0 : i32
      %dma_wait3A_42 = tpu.memref_slice %arg2[%dma_wait3A_40, %add3A, %dma_wait3A_41] : memref<200x32x128xi32, #tpu.memory_space<hbm>> -> memref<200x1x128xi32, #tpu.memory_space<hbm>>
      %dma_wait3A_43 = tpu.memref_squeeze %dma_wait3A_42 : memref<200x1x128xi32, #tpu.memory_space<hbm>> -> memref<200x128xi32, #tpu.memory_space<hbm>>
      tpu.wait_dma2 semaphore(%run_scoped3A : memref<!tpu.dma_semaphore, #tpu.memory_space<semaphore_mem>>) src(%dma_wait3A_43 : memref<200x128xi32, #tpu.memory_space<hbm>>) dst(%arg5 : memref<200x128xi32, #tpu.memory_space<vmem>>)
      tpu.yield
    }) : () -> ()
    %scan3A = arith.constant 0 : i32
    %scan3A_1 = arith.constant 0 : i32
    %scan3A_2 = arith.constant 8 : i32
    %scan3A_3 = arith.addi %scan3A_1, %scan3A_2 : i32
    %scan3A_4 = arith.constant 1 : i32
    scf.for %scan3A_29 = %scan3A_1 to %scan3A_3 step %scan3A_4  : i32 {
      %mul3A_30 = arith.constant 16 : i32
      %mul3A_31 = arith.muli %scan3A_29, %mul3A_30 : i32
      %get3A = arith.constant 0 : i32
      %get3A_32 = arith.index_cast %get3A : i32 to index
      %get3A_33 = arith.index_cast %mul3A_31 : i32 to index
      %get3A_34 = tpu.vector_load %arg5[%get3A_32, %get3A_33] {strides = array<i32>} : memref<200x128xi32, #tpu.memory_space<vmem>>, vector<1x16xi32>,
      %get3A_35 = vector.shape_cast %get3A_34 : vector<1x16xi32> to vector<16xi32>
      %slice3A = vector.extract_strided_slice %get3A_35 {offsets = [0], sizes = [1], strides = [1]} : vector<16xi32> to vector<1xi32>
      %squeeze3A = vector.extract %slice3A[0] : i32 from vector<1xi32>
      %mul3A_36 = arith.constant 16 : i32
      %mul3A_37 = arith.muli %scan3A_29, %mul3A_36 : i32
      %add3A_38 = arith.constant 0 : i32
      %add3A_39 = arith.addi %mul3A_37, %add3A_38 : i32
      %dma_start3A = arith.constant 0 : i32
      %dma_start3A_40 = tpu.memref_slice %arg6[%dma_start3A, %add3A_39] : memref<64x128xf32, #tpu.memory_space<vmem>> -> memref<64x1xf32, #tpu.memory_space<vmem>>
      %dma_start3A_41 = tpu.memref_squeeze %dma_start3A_40 : memref<64x1xf32, #tpu.memory_space<vmem>> -> memref<64xf32, #tpu.memory_space<vmem>>
      %dma_start3A_42 = arith.constant 0 : i32
      %dma_start3A_43 = tpu.memref_slice %arg3[%squeeze3A, %dma_start3A_42] : memref<1000000x64xf32, #tpu.memory_space<hbm>> -> memref<1x64xf32, #tpu.memory_space<hbm>>
      %dma_start3A_44 = tpu.memref_squeeze %dma_start3A_43 : memref<1x64xf32, #tpu.memory_space<hbm>> -> memref<64xf32, #tpu.memory_space<hbm>>
      %dma_start3A_45 = arith.constant 0 : i32
      %dma_start3A_46 = tpu.memref_slice %arg6[%dma_start3A_45, %add3A_39] : memref<64x128xf32, #tpu.memory_space<vmem>> -> memref<64x1xf32, #tpu.memory_space<vmem>>
      %dma_start3A_47 = tpu.memref_squeeze %dma_start3A_46 : memref<64x1xf32, #tpu.memory_space<vmem>> -> memref<64xf32, #tpu.memory_space<vmem>>
      %dma_start3A_48 = arith.constant 0 : i32
      %dma_start3A_49 = tpu.memref_slice %arg3[%squeeze3A, %dma_start3A_48] : memref<1000000x64xf32, #tpu.memory_space<hbm>> -> memref<1x64xf32, #tpu.memory_space<hbm>>
      %dma_start3A_50 = tpu.memref_squeeze %dma_start3A_49 : memref<1x64xf32, #tpu.memory_space<hbm>> -> memref<64xf32, #tpu.memory_space<hbm>>
      tpu.enqueue_dma source(%dma_start3A_50 : memref<64xf32, #tpu.memory_space<hbm>>) target(%dma_start3A_47 : memref<64xf32, #tpu.memory_space<vmem>>) target_semaphore(%arg8 : memref<!tpu.dma_semaphore, #tpu.memory_space<semaphore_mem>>)
      %slice3A_51 = vector.extract_strided_slice %get3A_35 {offsets = [1], sizes = [1], strides = [1]} : vector<16xi32> to vector<1xi32>
      %squeeze3A_52 = vector.extract %slice3A_51[0] : i32 from vector<1xi32>
      %mul3A_53 = arith.constant 16 : i32
      %mul3A_54 = arith.muli %scan3A_29, %mul3A_53 : i32
      %add3A_55 = arith.constant 1 : i32
      %add3A_56 = arith.addi %mul3A_54, %add3A_55 : i32
      %dma_start3A_57 = arith.constant 0 : i32
      %dma_start3A_58 = tpu.memref_slice %arg6[%dma_start3A_57, %add3A_56] : memref<64x128xf32, #tpu.memory_space<vmem>> -> memref<64x1xf32, #tpu.memory_space<vmem>>
      %dma_start3A_59 = tpu.memref_squeeze %dma_start3A_58 : memref<64x1xf32, #tpu.memory_space<vmem>> -> memref<64xf32, #tpu.memory_space<vmem>>
      %dma_start3A_60 = arith.constant 0 : i32
      %dma_start3A_61 = tpu.memref_slice %arg3[%squeeze3A_52, %dma_start3A_60] : memref<1000000x64xf32, #tpu.memory_space<hbm>> -> memref<1x64xf32, #tpu.memory_space<hbm>>
      %dma_start3A_62 = tpu.memref_squeeze %dma_start3A_61 : memref<1x64xf32, #tpu.memory_space<hbm>> -> memref<64xf32, #tpu.memory_space<hbm>>
      %dma_start3A_63 = arith.constant 0 : i32
      %dma_start3A_64 = tpu.memref_slice %arg6[%dma_start3A_63, %add3A_56] : memref<64x128xf32, #tpu.memory_space<vmem>> -> memref<64x1xf32, #tpu.memory_space<vmem>>
      %dma_start3A_65 = tpu.memref_squeeze %dma_start3A_64 : memref<64x1xf32, #tpu.memory_space<vmem>> -> memref<64xf32, #tpu.memory_space<vmem>>
      %dma_start3A_66 = arith.constant 0 : i32
      %dma_start3A_67 = tpu.memref_slice %arg3[%squeeze3A_52, %dma_start3A_66] : memref<1000000x64xf32, #tpu.memory_space<hbm>> -> memref<1x64xf32, #tpu.memory_space<hbm>>
      %dma_start3A_68 = tpu.memref_squeeze %dma_start3A_67 : memref<1x64xf32, #tpu.memory_space<hbm>> -> memref<64xf32, #tpu.memory_space<hbm>>
      tpu.enqueue_dma source(%dma_start3A_68 : memref<64xf32, #tpu.memory_space<hbm>>) target(%dma_start3A_65 : memref<64xf32, #tpu.memory_space<vmem>>) target_semaphore(%arg8 : memref<!tpu.dma_semaphore, #tpu.memory_space<semaphore_mem>>)
      %slice3A_69 = vector.extract_strided_slice %get3A_35 {offsets = [2], sizes = [1], strides = [1]} : vector<16xi32> to vector<1xi32>
      %squeeze3A_70 = vector.extract %slice3A_69[0] : i32 from vector<1xi32>
      %mul3A_71 = arith.constant 16 : i32
      %mul3A_72 = arith.muli %scan3A_29, %mul3A_71 : i32
      %add3A_73 = arith.constant 2 : i32
      %add3A_74 = arith.addi %mul3A_72, %add3A_73 : i32
      %dma_start3A_75 = arith.constant 0 : i32
      %dma_start3A_76 = tpu.memref_slice %arg6[%dma_start3A_75, %add3A_74] : memref<64x128xf32, #tpu.memory_space<vmem>> -> memref<64x1xf32, #tpu.memory_space<vmem>>
      %dma_start3A_77 = tpu.memref_squeeze %dma_start3A_76 : memref<64x1xf32, #tpu.memory_space<vmem>> -> memref<64xf32, #tpu.memory_space<vmem>>
      %dma_start3A_78 = arith.constant 0 : i32
      %dma_start3A_79 = tpu.memref_slice %arg3[%squeeze3A_70, %dma_start3A_78] : memref<1000000x64xf32, #tpu.memory_space<hbm>> -> memref<1x64xf32, #tpu.memory_space<hbm>>
      %dma_start3A_80 = tpu.memref_squeeze %dma_start3A_79 : memref<1x64xf32, #tpu.memory_space<hbm>> -> memref<64xf32, #tpu.memory_space<hbm>>
      %dma_start3A_81 = arith.constant 0 : i32
      %dma_start3A_82 = tpu.memref_slice %arg6[%dma_start3A_81, %add3A_74] : memref<64x128xf32, #tpu.memory_space<vmem>> -> memref<64x1xf32, #tpu.memory_space<vmem>>
      %dma_start3A_83 = tpu.memref_squeeze %dma_start3A_82 : memref<64x1xf32, #tpu.memory_space<vmem>> -> memref<64xf32, #tpu.memory_space<vmem>>
      %dma_start3A_84 = arith.constant 0 : i32
      %dma_start3A_85 = tpu.memref_slice %arg3[%squeeze3A_70, %dma_start3A_84] : memref<1000000x64xf32, #tpu.memory_space<hbm>> -> memref<1x64xf32, #tpu.memory_space<hbm>>
      %dma_start3A_86 = tpu.memref_squeeze %dma_start3A_85 : memref<1x64xf32, #tpu.memory_space<hbm>> -> memref<64xf32, #tpu.memory_space<hbm>>
      tpu.enqueue_dma source(%dma_start3A_86 : memref<64xf32, #tpu.memory_space<hbm>>) target(%dma_start3A_83 : memref<64xf32, #tpu.memory_space<vmem>>) target_semaphore(%arg8 : memref<!tpu.dma_semaphore, #tpu.memory_space<semaphore_mem>>)
      %slice3A_87 = vector.extract_strided_slice %get3A_35 {offsets = [3], sizes = [1], strides = [1]} : vector<16xi32> to vector<1xi32>
      %squeeze3A_88 = vector.extract %slice3A_87[0] : i32 from vector<1xi32>
      %mul3A_89 = arith.constant 16 : i32
      %mul3A_90 = arith.muli %scan3A_29, %mul3A_89 : i32
      %add3A_91 = arith.constant 3 : i32
      %add3A_92 = arith.addi %mul3A_90, %add3A_91 : i32
      %dma_start3A_93 = arith.constant 0 : i32
      %dma_start3A_94 = tpu.memref_slice %arg6[%dma_start3A_93, %add3A_92] : memref<64x128xf32, #tpu.memory_space<vmem>> -> memref<64x1xf32, #tpu.memory_space<vmem>>
      %dma_start3A_95 = tpu.memref_squeeze %dma_start3A_94 : memref<64x1xf32, #tpu.memory_space<vmem>> -> memref<64xf32, #tpu.memory_space<vmem>>
      %dma_start3A_96 = arith.constant 0 : i32
      %dma_start3A_97 = tpu.memref_slice %arg3[%squeeze3A_88, %dma_start3A_96] : memref<1000000x64xf32, #tpu.memory_space<hbm>> -> memref<1x64xf32, #tpu.memory_space<hbm>>
      %dma_start3A_98 = tpu.memref_squeeze %dma_start3A_97 : memref<1x64xf32, #tpu.memory_space<hbm>> -> memref<64xf32, #tpu.memory_space<hbm>>
      %dma_start3A_99 = arith.constant 0 : i32
      %dma_start3A_100 = tpu.memref_slice %arg6[%dma_start3A_99, %add3A_92] : memref<64x128xf32, #tpu.memory_space<vmem>> -> memref<64x1xf32, #tpu.memory_space<vmem>>
      %dma_start3A_101 = tpu.memref_squeeze %dma_start3A_100 : memref<64x1xf32, #tpu.memory_space<vmem>> -> memref<64xf32, #tpu.memory_space<vmem>>
      %dma_start3A_102 = arith.constant 0 : i32
      %dma_start3A_103 = tpu.memref_slice %arg3[%squeeze3A_88, %dma_start3A_102] : memref<1000000x64xf32, #tpu.memory_space<hbm>> -> memref<1x64xf32, #tpu.memory_space<hbm>>
      %dma_start3A_104 = tpu.memref_squeeze %dma_start3A_103 : memref<1x64xf32, #tpu.memory_space<hbm>> -> memref<64xf32, #tpu.memory_space<hbm>>
      tpu.enqueue_dma source(%dma_start3A_104 : memref<64xf32, #tpu.memory_space<hbm>>) target(%dma_start3A_101 : memref<64xf32, #tpu.memory_space<vmem>>) target_semaphore(%arg8 : memref<!tpu.dma_semaphore, #tpu.memory_space<semaphore_mem>>)
      %slice3A_105 = vector.extract_strided_slice %get3A_35 {offsets = [4], sizes = [1], strides = [1]} : vector<16xi32> to vector<1xi32>
      %squeeze3A_106 = vector.extract %slice3A_105[0] : i32 from vector<1xi32>
      %mul3A_107 = arith.constant 16 : i32
      %mul3A_108 = arith.muli %scan3A_29, %mul3A_107 : i32
      %add3A_109 = arith.constant 4 : i32
      %add3A_110 = arith.addi %mul3A_108, %add3A_109 : i32
      %dma_start3A_111 = arith.constant 0 : i32
      %dma_start3A_112 = tpu.memref_slice %arg6[%dma_start3A_111, %add3A_110] : memref<64x128xf32, #tpu.memory_space<vmem>> -> memref<64x1xf32, #tpu.memory_space<vmem>>
      %dma_start3A_113 = tpu.memref_squeeze %dma_start3A_112 : memref<64x1xf32, #tpu.memory_space<vmem>> -> memref<64xf32, #tpu.memory_space<vmem>>
      %dma_start3A_114 = arith.constant 0 : i32
      %dma_start3A_115 = tpu.memref_slice %arg3[%squeeze3A_106, %dma_start3A_114] : memref<1000000x64xf32, #tpu.memory_space<hbm>> -> memref<1x64xf32, #tpu.memory_space<hbm>>
      %dma_start3A_116 = tpu.memref_squeeze %dma_start3A_115 : memref<1x64xf32, #tpu.memory_space<hbm>> -> memref<64xf32, #tpu.memory_space<hbm>>
      %dma_start3A_117 = arith.constant 0 : i32
      %dma_start3A_118 = tpu.memref_slice %arg6[%dma_start3A_117, %add3A_110] : memref<64x128xf32, #tpu.memory_space<vmem>> -> memref<64x1xf32, #tpu.memory_space<vmem>>
      %dma_start3A_119 = tpu.memref_squeeze %dma_start3A_118 : memref<64x1xf32, #tpu.memory_space<vmem>> -> memref<64xf32, #tpu.memory_space<vmem>>
      %dma_start3A_120 = arith.constant 0 : i32
      %dma_start3A_121 = tpu.memref_slice %arg3[%squeeze3A_106, %dma_start3A_120] : memref<1000000x64xf32, #tpu.memory_space<hbm>> -> memref<1x64xf32, #tpu.memory_space<hbm>>
      %dma_start3A_122 = tpu.memref_squeeze %dma_start3A_121 : memref<1x64xf32, #tpu.memory_space<hbm>> -> memref<64xf32, #tpu.memory_space<hbm>>
      tpu.enqueue_dma source(%dma_start3A_122 : memref<64xf32, #tpu.memory_space<hbm>>) target(%dma_start3A_119 : memref<64xf32, #tpu.memory_space<vmem>>) target_semaphore(%arg8 : memref<!tpu.dma_semaphore, #tpu.memory_space<semaphore_mem>>)
      %slice3A_123 = vector.extract_strided_slice %get3A_35 {offsets = [5], sizes = [1], strides = [1]} : vector<16xi32> to vector<1xi32>
      %squeeze3A_124 = vector.extract %slice3A_123[0] : i32 from vector<1xi32>
      %mul3A_125 = arith.constant 16 : i32
      %mul3A_126 = arith.muli %scan3A_29, %mul3A_125 : i32
      %add3A_127 = arith.constant 5 : i32
      %add3A_128 = arith.addi %mul3A_126, %add3A_127 : i32
      %dma_start3A_129 = arith.constant 0 : i32
      %dma_start3A_130 = tpu.memref_slice %arg6[%dma_start3A_129, %add3A_128] : memref<64x128xf32, #tpu.memory_space<vmem>> -> memref<64x1xf32, #tpu.memory_space<vmem>>
      %dma_start3A_131 = tpu.memref_squeeze %dma_start3A_130 : memref<64x1xf32, #tpu.memory_space<vmem>> -> memref<64xf32, #tpu.memory_space<vmem>>
      %dma_start3A_132 = arith.constant 0 : i32
      %dma_start3A_133 = tpu.memref_slice %arg3[%squeeze3A_124, %dma_start3A_132] : memref<1000000x64xf32, #tpu.memory_space<hbm>> -> memref<1x64xf32, #tpu.memory_space<hbm>>
      %dma_start3A_134 = tpu.memref_squeeze %dma_start3A_133 : memref<1x64xf32, #tpu.memory_space<hbm>> -> memref<64xf32, #tpu.memory_space<hbm>>
      %dma_start3A_135 = arith.constant 0 : i32
      %dma_start3A_136 = tpu.memref_slice %arg6[%dma_start3A_135, %add3A_128] : memref<64x128xf32, #tpu.memory_space<vmem>> -> memref<64x1xf32, #tpu.memory_space<vmem>>
      %dma_start3A_137 = tpu.memref_squeeze %dma_start3A_136 : memref<64x1xf32, #tpu.memory_space<vmem>> -> memref<64xf32, #tpu.memory_space<vmem>>
      %dma_start3A_138 = arith.constant 0 : i32
      %dma_start3A_139 = tpu.memref_slice %arg3[%squeeze3A_124, %dma_start3A_138] : memref<1000000x64xf32, #tpu.memory_space<hbm>> -> memref<1x64xf32, #tpu.memory_space<hbm>>
      %dma_start3A_140 = tpu.memref_squeeze %dma_start3A_139 : memref<1x64xf32, #tpu.memory_space<hbm>> -> memref<64xf32, #tpu.memory_space<hbm>>
      tpu.enqueue_dma source(%dma_start3A_140 : memref<64xf32, #tpu.memory_space<hbm>>) target(%dma_start3A_137 : memref<64xf32, #tpu.memory_space<vmem>>) target_semaphore(%arg8 : memref<!tpu.dma_semaphore, #tpu.memory_space<semaphore_mem>>)
      %slice3A_141 = vector.extract_strided_slice %get3A_35 {offsets = [6], sizes = [1], strides = [1]} : vector<16xi32> to vector<1xi32>
      %squeeze3A_142 = vector.extract %slice3A_141[0] : i32 from vector<1xi32>
      %mul3A_143 = arith.constant 16 : i32
      %mul3A_144 = arith.muli %scan3A_29, %mul3A_143 : i32
      %add3A_145 = arith.constant 6 : i32
      %add3A_146 = arith.addi %mul3A_144, %add3A_145 : i32
      %dma_start3A_147 = arith.constant 0 : i32
      %dma_start3A_148 = tpu.memref_slice %arg6[%dma_start3A_147, %add3A_146] : memref<64x128xf32, #tpu.memory_space<vmem>> -> memref<64x1xf32, #tpu.memory_space<vmem>>
      %dma_start3A_149 = tpu.memref_squeeze %dma_start3A_148 : memref<64x1xf32, #tpu.memory_space<vmem>> -> memref<64xf32, #tpu.memory_space<vmem>>
      %dma_start3A_150 = arith.constant 0 : i32
      %dma_start3A_151 = tpu.memref_slice %arg3[%squeeze3A_142, %dma_start3A_150] : memref<1000000x64xf32, #tpu.memory_space<hbm>> -> memref<1x64xf32, #tpu.memory_space<hbm>>
      %dma_start3A_152 = tpu.memref_squeeze %dma_start3A_151 : memref<1x64xf32, #tpu.memory_space<hbm>> -> memref<64xf32, #tpu.memory_space<hbm>>
      %dma_start3A_153 = arith.constant 0 : i32
      %dma_start3A_154 = tpu.memref_slice %arg6[%dma_start3A_153, %add3A_146] : memref<64x128xf32, #tpu.memory_space<vmem>> -> memref<64x1xf32, #tpu.memory_space<vmem>>
      %dma_start3A_155 = tpu.memref_squeeze %dma_start3A_154 : memref<64x1xf32, #tpu.memory_space<vmem>> -> memref<64xf32, #tpu.memory_space<vmem>>
      %dma_start3A_156 = arith.constant 0 : i32
      %dma_start3A_157 = tpu.memref_slice %arg3[%squeeze3A_142, %dma_start3A_156] : memref<1000000x64xf32, #tpu.memory_space<hbm>> -> memref<1x64xf32, #tpu.memory_space<hbm>>
      %dma_start3A_158 = tpu.memref_squeeze %dma_start3A_157 : memref<1x64xf32, #tpu.memory_space<hbm>> -> memref<64xf32, #tpu.memory_space<hbm>>
      tpu.enqueue_dma source(%dma_start3A_158 : memref<64xf32, #tpu.memory_space<hbm>>) target(%dma_start3A_155 : memref<64xf32, #tpu.memory_space<vmem>>) target_semaphore(%arg8 : memref<!tpu.dma_semaphore, #tpu.memory_space<semaphore_mem>>)
      %slice3A_159 = vector.extract_strided_slice %get3A_35 {offsets = [7], sizes = [1], strides = [1]} : vector<16xi32> to vector<1xi32>
      %squeeze3A_160 = vector.extract %slice3A_159[0] : i32 from vector<1xi32>
      %mul3A_161 = arith.constant 16 : i32
      %mul3A_162 = arith.muli %scan3A_29, %mul3A_161 : i32
      %add3A_163 = arith.constant 7 : i32
      %add3A_164 = arith.addi %mul3A_162, %add3A_163 : i32
      %dma_start3A_165 = arith.constant 0 : i32
      %dma_start3A_166 = tpu.memref_slice %arg6[%dma_start3A_165, %add3A_164] : memref<64x128xf32, #tpu.memory_space<vmem>> -> memref<64x1xf32, #tpu.memory_space<vmem>>
      %dma_start3A_167 = tpu.memref_squeeze %dma_start3A_166 : memref<64x1xf32, #tpu.memory_space<vmem>> -> memref<64xf32, #tpu.memory_space<vmem>>
      %dma_start3A_168 = arith.constant 0 : i32
      %dma_start3A_169 = tpu.memref_slice %arg3[%squeeze3A_160, %dma_start3A_168] : memref<1000000x64xf32, #tpu.memory_space<hbm>> -> memref<1x64xf32, #tpu.memory_space<hbm>>
      %dma_start3A_170 = tpu.memref_squeeze %dma_start3A_169 : memref<1x64xf32, #tpu.memory_space<hbm>> -> memref<64xf32, #tpu.memory_space<hbm>>
      %dma_start3A_171 = arith.constant 0 : i32
      %dma_start3A_172 = tpu.memref_slice %arg6[%dma_start3A_171, %add3A_164] : memref<64x128xf32, #tpu.memory_space<vmem>> -> memref<64x1xf32, #tpu.memory_space<vmem>>
      %dma_start3A_173 = tpu.memref_squeeze %dma_start3A_172 : memref<64x1xf32, #tpu.memory_space<vmem>> -> memref<64xf32, #tpu.memory_space<vmem>>
      %dma_start3A_174 = arith.constant 0 : i32
      %dma_start3A_175 = tpu.memref_slice %arg3[%squeeze3A_160, %dma_start3A_174] : memref<1000000x64xf32, #tpu.memory_space<hbm>> -> memref<1x64xf32, #tpu.memory_space<hbm>>
      %dma_start3A_176 = tpu.memref_squeeze %dma_start3A_175 : memref<1x64xf32, #tpu.memory_space<hbm>> -> memref<64xf32, #tpu.memory_space<hbm>>
      tpu.enqueue_dma source(%dma_start3A_176 : memref<64xf32, #tpu.memory_space<hbm>>) target(%dma_start3A_173 : memref<64xf32, #tpu.memory_space<vmem>>) target_semaphore(%arg8 : memref<!tpu.dma_semaphore, #tpu.memory_space<semaphore_mem>>)
      %slice3A_177 = vector.extract_strided_slice %get3A_35 {offsets = [8], sizes = [1], strides = [1]} : vector<16xi32> to vector<1xi32>
      %squeeze3A_178 = vector.extract %slice3A_177[0] : i32 from vector<1xi32>
      %mul3A_179 = arith.constant 16 : i32
      %mul3A_180 = arith.muli %scan3A_29, %mul3A_179 : i32
      %add3A_181 = arith.constant 8 : i32
      %add3A_182 = arith.addi %mul3A_180, %add3A_181 : i32
      %dma_start3A_183 = arith.constant 0 : i32
      %dma_start3A_184 = tpu.memref_slice %arg6[%dma_start3A_183, %add3A_182] : memref<64x128xf32, #tpu.memory_space<vmem>> -> memref<64x1xf32, #tpu.memory_space<vmem>>
      %dma_start3A_185 = tpu.memref_squeeze %dma_start3A_184 : memref<64x1xf32, #tpu.memory_space<vmem>> -> memref<64xf32, #tpu.memory_space<vmem>>
      %dma_start3A_186 = arith.constant 0 : i32
      %dma_start3A_187 = tpu.memref_slice %arg3[%squeeze3A_178, %dma_start3A_186] : memref<1000000x64xf32, #tpu.memory_space<hbm>> -> memref<1x64xf32, #tpu.memory_space<hbm>>
      %dma_start3A_188 = tpu.memref_squeeze %dma_start3A_187 : memref<1x64xf32, #tpu.memory_space<hbm>> -> memref<64xf32, #tpu.memory_space<hbm>>
      %dma_start3A_189 = arith.constant 0 : i32
      %dma_start3A_190 = tpu.memref_slice %arg6[%dma_start3A_189, %add3A_182] : memref<64x128xf32, #tpu.memory_space<vmem>> -> memref<64x1xf32, #tpu.memory_space<vmem>>
      %dma_start3A_191 = tpu.memref_squeeze %dma_start3A_190 : memref<64x1xf32, #tpu.memory_space<vmem>> -> memref<64xf32, #tpu.memory_space<vmem>>
      %dma_start3A_192 = arith.constant 0 : i32
      %dma_start3A_193 = tpu.memref_slice %arg3[%squeeze3A_178, %dma_start3A_192] : memref<1000000x64xf32, #tpu.memory_space<hbm>> -> memref<1x64xf32, #tpu.memory_space<hbm>>
      %dma_start3A_194 = tpu.memref_squeeze %dma_start3A_193 : memref<1x64xf32, #tpu.memory_space<hbm>> -> memref<64xf32, #tpu.memory_space<hbm>>
      tpu.enqueue_dma source(%dma_start3A_194 : memref<64xf32, #tpu.memory_space<hbm>>) target(%dma_start3A_191 : memref<64xf32, #tpu.memory_space<vmem>>) target_semaphore(%arg8 : memref<!tpu.dma_semaphore, #tpu.memory_space<semaphore_mem>>)
      %slice3A_195 = vector.extract_strided_slice %get3A_35 {offsets = [9], sizes = [1], strides = [1]} : vector<16xi32> to vector<1xi32>
      %squeeze3A_196 = vector.extract %slice3A_195[0] : i32 from vector<1xi32>
      %mul3A_197 = arith.constant 16 : i32
      %mul3A_198 = arith.muli %scan3A_29, %mul3A_197 : i32
      %add3A_199 = arith.constant 9 : i32
      %add3A_200 = arith.addi %mul3A_198, %add3A_199 : i32
      %dma_start3A_201 = arith.constant 0 : i32
      %dma_start3A_202 = tpu.memref_slice %arg6[%dma_start3A_201, %add3A_200] : memref<64x128xf32, #tpu.memory_space<vmem>> -> memref<64x1xf32, #tpu.memory_space<vmem>>
      %dma_start3A_203 = tpu.memref_squeeze %dma_start3A_202 : memref<64x1xf32, #tpu.memory_space<vmem>> -> memref<64xf32, #tpu.memory_space<vmem>>
      %dma_start3A_204 = arith.constant 0 : i32
      %dma_start3A_205 = tpu.memref_slice %arg3[%squeeze3A_196, %dma_start3A_204] : memref<1000000x64xf32, #tpu.memory_space<hbm>> -> memref<1x64xf32, #tpu.memory_space<hbm>>
      %dma_start3A_206 = tpu.memref_squeeze %dma_start3A_205 : memref<1x64xf32, #tpu.memory_space<hbm>> -> memref<64xf32, #tpu.memory_space<hbm>>
      %dma_start3A_207 = arith.constant 0 : i32
      %dma_start3A_208 = tpu.memref_slice %arg6[%dma_start3A_207, %add3A_200] : memref<64x128xf32, #tpu.memory_space<vmem>> -> memref<64x1xf32, #tpu.memory_space<vmem>>
      %dma_start3A_209 = tpu.memref_squeeze %dma_start3A_208 : memref<64x1xf32, #tpu.memory_space<vmem>> -> memref<64xf32, #tpu.memory_space<vmem>>
      %dma_start3A_210 = arith.constant 0 : i32
      %dma_start3A_211 = tpu.memref_slice %arg3[%squeeze3A_196, %dma_start3A_210] : memref<1000000x64xf32, #tpu.memory_space<hbm>> -> memref<1x64xf32, #tpu.memory_space<hbm>>
      %dma_start3A_212 = tpu.memref_squeeze %dma_start3A_211 : memref<1x64xf32, #tpu.memory_space<hbm>> -> memref<64xf32, #tpu.memory_space<hbm>>
      tpu.enqueue_dma source(%dma_start3A_212 : memref<64xf32, #tpu.memory_space<hbm>>) target(%dma_start3A_209 : memref<64xf32, #tpu.memory_space<vmem>>) target_semaphore(%arg8 : memref<!tpu.dma_semaphore, #tpu.memory_space<semaphore_mem>>)
      %slice3A_213 = vector.extract_strided_slice %get3A_35 {offsets = [10], sizes = [1], strides = [1]} : vector<16xi32> to vector<1xi32>
      %squeeze3A_214 = vector.extract %slice3A_213[0] : i32 from vector<1xi32>
      %mul3A_215 = arith.constant 16 : i32
      %mul3A_216 = arith.muli %scan3A_29, %mul3A_215 : i32
      %add3A_217 = arith.constant 10 : i32
      %add3A_218 = arith.addi %mul3A_216, %add3A_217 : i32
      %dma_start3A_219 = arith.constant 0 : i32
      %dma_start3A_220 = tpu.memref_slice %arg6[%dma_start3A_219, %add3A_218] : memref<64x128xf32, #tpu.memory_space<vmem>> -> memref<64x1xf32, #tpu.memory_space<vmem>>
      %dma_start3A_221 = tpu.memref_squeeze %dma_start3A_220 : memref<64x1xf32, #tpu.memory_space<vmem>> -> memref<64xf32, #tpu.memory_space<vmem>>
      %dma_start3A_222 = arith.constant 0 : i32
      %dma_start3A_223 = tpu.memref_slice %arg3[%squeeze3A_214, %dma_start3A_222] : memref<1000000x64xf32, #tpu.memory_space<hbm>> -> memref<1x64xf32, #tpu.memory_space<hbm>>
      %dma_start3A_224 = tpu.memref_squeeze %dma_start3A_223 : memref<1x64xf32, #tpu.memory_space<hbm>> -> memref<64xf32, #tpu.memory_space<hbm>>
      %dma_start3A_225 = arith.constant 0 : i32
      %dma_start3A_226 = tpu.memref_slice %arg6[%dma_start3A_225, %add3A_218] : memref<64x128xf32, #tpu.memory_space<vmem>> -> memref<64x1xf32, #tpu.memory_space<vmem>>
      %dma_start3A_227 = tpu.memref_squeeze %dma_start3A_226 : memref<64x1xf32, #tpu.memory_space<vmem>> -> memref<64xf32, #tpu.memory_space<vmem>>
      %dma_start3A_228 = arith.constant 0 : i32
      %dma_start3A_229 = tpu.memref_slice %arg3[%squeeze3A_214, %dma_start3A_228] : memref<1000000x64xf32, #tpu.memory_space<hbm>> -> memref<1x64xf32, #tpu.memory_space<hbm>>
      %dma_start3A_230 = tpu.memref_squeeze %dma_start3A_229 : memref<1x64xf32, #tpu.memory_space<hbm>> -> memref<64xf32, #tpu.memory_space<hbm>>
      tpu.enqueue_dma source(%dma_start3A_230 : memref<64xf32, #tpu.memory_space<hbm>>) target(%dma_start3A_227 : memref<64xf32, #tpu.memory_space<vmem>>) target_semaphore(%arg8 : memref<!tpu.dma_semaphore, #tpu.memory_space<semaphore_mem>>)
      %slice3A_231 = vector.extract_strided_slice %get3A_35 {offsets = [11], sizes = [1], strides = [1]} : vector<16xi32> to vector<1xi32>
      %squeeze3A_232 = vector.extract %slice3A_231[0] : i32 from vector<1xi32>
      %mul3A_233 = arith.constant 16 : i32
      %mul3A_234 = arith.muli %scan3A_29, %mul3A_233 : i32
      %add3A_235 = arith.constant 11 : i32
      %add3A_236 = arith.addi %mul3A_234, %add3A_235 : i32
      %dma_start3A_237 = arith.constant 0 : i32
      %dma_start3A_238 = tpu.memref_slice %arg6[%dma_start3A_237, %add3A_236] : memref<64x128xf32, #tpu.memory_space<vmem>> -> memref<64x1xf32, #tpu.memory_space<vmem>>
      %dma_start3A_239 = tpu.memref_squeeze %dma_start3A_238 : memref<64x1xf32, #tpu.memory_space<vmem>> -> memref<64xf32, #tpu.memory_space<vmem>>
      %dma_start3A_240 = arith.constant 0 : i32
      %dma_start3A_241 = tpu.memref_slice %arg3[%squeeze3A_232, %dma_start3A_240] : memref<1000000x64xf32, #tpu.memory_space<hbm>> -> memref<1x64xf32, #tpu.memory_space<hbm>>
      %dma_start3A_242 = tpu.memref_squeeze %dma_start3A_241 : memref<1x64xf32, #tpu.memory_space<hbm>> -> memref<64xf32, #tpu.memory_space<hbm>>
      %dma_start3A_243 = arith.constant 0 : i32
      %dma_start3A_244 = tpu.memref_slice %arg6[%dma_start3A_243, %add3A_236] : memref<64x128xf32, #tpu.memory_space<vmem>> -> memref<64x1xf32, #tpu.memory_space<vmem>>
      %dma_start3A_245 = tpu.memref_squeeze %dma_start3A_244 : memref<64x1xf32, #tpu.memory_space<vmem>> -> memref<64xf32, #tpu.memory_space<vmem>>
      %dma_start3A_246 = arith.constant 0 : i32
      %dma_start3A_247 = tpu.memref_slice %arg3[%squeeze3A_232, %dma_start3A_246] : memref<1000000x64xf32, #tpu.memory_space<hbm>> -> memref<1x64xf32, #tpu.memory_space<hbm>>
      %dma_start3A_248 = tpu.memref_squeeze %dma_start3A_247 : memref<1x64xf32, #tpu.memory_space<hbm>> -> memref<64xf32, #tpu.memory_space<hbm>>
      tpu.enqueue_dma source(%dma_start3A_248 : memref<64xf32, #tpu.memory_space<hbm>>) target(%dma_start3A_245 : memref<64xf32, #tpu.memory_space<vmem>>) target_semaphore(%arg8 : memref<!tpu.dma_semaphore, #tpu.memory_space<semaphore_mem>>)
      %slice3A_249 = vector.extract_strided_slice %get3A_35 {offsets = [12], sizes = [1], strides = [1]} : vector<16xi32> to vector<1xi32>
      %squeeze3A_250 = vector.extract %slice3A_249[0] : i32 from vector<1xi32>
      %mul3A_251 = arith.constant 16 : i32
      %mul3A_252 = arith.muli %scan3A_29, %mul3A_251 : i32
      %add3A_253 = arith.constant 12 : i32
      %add3A_254 = arith.addi %mul3A_252, %add3A_253 : i32
      %dma_start3A_255 = arith.constant 0 : i32
      %dma_start3A_256 = tpu.memref_slice %arg6[%dma_start3A_255, %add3A_254] : memref<64x128xf32, #tpu.memory_space<vmem>> -> memref<64x1xf32, #tpu.memory_space<vmem>>
      %dma_start3A_257 = tpu.memref_squeeze %dma_start3A_256 : memref<64x1xf32, #tpu.memory_space<vmem>> -> memref<64xf32, #tpu.memory_space<vmem>>
      %dma_start3A_258 = arith.constant 0 : i32
      %dma_start3A_259 = tpu.memref_slice %arg3[%squeeze3A_250, %dma_start3A_258] : memref<1000000x64xf32, #tpu.memory_space<hbm>> -> memref<1x64xf32, #tpu.memory_space<hbm>>
      %dma_start3A_260 = tpu.memref_squeeze %dma_start3A_259 : memref<1x64xf32, #tpu.memory_space<hbm>> -> memref<64xf32, #tpu.memory_space<hbm>>
      %dma_start3A_261 = arith.constant 0 : i32
      %dma_start3A_262 = tpu.memref_slice %arg6[%dma_start3A_261, %add3A_254] : memref<64x128xf32, #tpu.memory_space<vmem>> -> memref<64x1xf32, #tpu.memory_space<vmem>>
      %dma_start3A_263 = tpu.memref_squeeze %dma_start3A_262 : memref<64x1xf32, #tpu.memory_space<vmem>> -> memref<64xf32, #tpu.memory_space<vmem>>
      %dma_start3A_264 = arith.constant 0 : i32
      %dma_start3A_265 = tpu.memref_slice %arg3[%squeeze3A_250, %dma_start3A_264] : memref<1000000x64xf32, #tpu.memory_space<hbm>> -> memref<1x64xf32, #tpu.memory_space<hbm>>
      %dma_start3A_266 = tpu.memref_squeeze %dma_start3A_265 : memref<1x64xf32, #tpu.memory_space<hbm>> -> memref<64xf32, #tpu.memory_space<hbm>>
      tpu.enqueue_dma source(%dma_start3A_266 : memref<64xf32, #tpu.memory_space<hbm>>) target(%dma_start3A_263 : memref<64xf32, #tpu.memory_space<vmem>>) target_semaphore(%arg8 : memref<!tpu.dma_semaphore, #tpu.memory_space<semaphore_mem>>)
      %slice3A_267 = vector.extract_strided_slice %get3A_35 {offsets = [13], sizes = [1], strides = [1]} : vector<16xi32> to vector<1xi32>
      %squeeze3A_268 = vector.extract %slice3A_267[0] : i32 from vector<1xi32>
      %mul3A_269 = arith.constant 16 : i32
      %mul3A_270 = arith.muli %scan3A_29, %mul3A_269 : i32
      %add3A_271 = arith.constant 13 : i32
      %add3A_272 = arith.addi %mul3A_270, %add3A_271 : i32
      %dma_start3A_273 = arith.constant 0 : i32
      %dma_start3A_274 = tpu.memref_slice %arg6[%dma_start3A_273, %add3A_272] : memref<64x128xf32, #tpu.memory_space<vmem>> -> memref<64x1xf32, #tpu.memory_space<vmem>>
      %dma_start3A_275 = tpu.memref_squeeze %dma_start3A_274 : memref<64x1xf32, #tpu.memory_space<vmem>> -> memref<64xf32, #tpu.memory_space<vmem>>
      %dma_start3A_276 = arith.constant 0 : i32
      %dma_start3A_277 = tpu.memref_slice %arg3[%squeeze3A_268, %dma_start3A_276] : memref<1000000x64xf32, #tpu.memory_space<hbm>> -> memref<1x64xf32, #tpu.memory_space<hbm>>
      %dma_start3A_278 = tpu.memref_squeeze %dma_start3A_277 : memref<1x64xf32, #tpu.memory_space<hbm>> -> memref<64xf32, #tpu.memory_space<hbm>>
      %dma_start3A_279 = arith.constant 0 : i32
      %dma_start3A_280 = tpu.memref_slice %arg6[%dma_start3A_279, %add3A_272] : memref<64x128xf32, #tpu.memory_space<vmem>> -> memref<64x1xf32, #tpu.memory_space<vmem>>
      %dma_start3A_281 = tpu.memref_squeeze %dma_start3A_280 : memref<64x1xf32, #tpu.memory_space<vmem>> -> memref<64xf32, #tpu.memory_space<vmem>>
      %dma_start3A_282 = arith.constant 0 : i32
      %dma_start3A_283 = tpu.memref_slice %arg3[%squeeze3A_268, %dma_start3A_282] : memref<1000000x64xf32, #tpu.memory_space<hbm>> -> memref<1x64xf32, #tpu.memory_space<hbm>>
      %dma_start3A_284 = tpu.memref_squeeze %dma_start3A_283 : memref<1x64xf32, #tpu.memory_space<hbm>> -> memref<64xf32, #tpu.memory_space<hbm>>
      tpu.enqueue_dma source(%dma_start3A_284 : memref<64xf32, #tpu.memory_space<hbm>>) target(%dma_start3A_281 : memref<64xf32, #tpu.memory_space<vmem>>) target_semaphore(%arg8 : memref<!tpu.dma_semaphore, #tpu.memory_space<semaphore_mem>>)
      %slice3A_285 = vector.extract_strided_slice %get3A_35 {offsets = [14], sizes = [1], strides = [1]} : vector<16xi32> to vector<1xi32>
      %squeeze3A_286 = vector.extract %slice3A_285[0] : i32 from vector<1xi32>
      %mul3A_287 = arith.constant 16 : i32
      %mul3A_288 = arith.muli %scan3A_29, %mul3A_287 : i32
      %add3A_289 = arith.constant 14 : i32
      %add3A_290 = arith.addi %mul3A_288, %add3A_289 : i32
      %dma_start3A_291 = arith.constant 0 : i32
      %dma_start3A_292 = tpu.memref_slice %arg6[%dma_start3A_291, %add3A_290] : memref<64x128xf32, #tpu.memory_space<vmem>> -> memref<64x1xf32, #tpu.memory_space<vmem>>
      %dma_start3A_293 = tpu.memref_squeeze %dma_start3A_292 : memref<64x1xf32, #tpu.memory_space<vmem>> -> memref<64xf32, #tpu.memory_space<vmem>>
      %dma_start3A_294 = arith.constant 0 : i32
      %dma_start3A_295 = tpu.memref_slice %arg3[%squeeze3A_286, %dma_start3A_294] : memref<1000000x64xf32, #tpu.memory_space<hbm>> -> memref<1x64xf32, #tpu.memory_space<hbm>>
      %dma_start3A_296 = tpu.memref_squeeze %dma_start3A_295 : memref<1x64xf32, #tpu.memory_space<hbm>> -> memref<64xf32, #tpu.memory_space<hbm>>
      %dma_start3A_297 = arith.constant 0 : i32
      %dma_start3A_298 = tpu.memref_slice %arg6[%dma_start3A_297, %add3A_290] : memref<64x128xf32, #tpu.memory_space<vmem>> -> memref<64x1xf32, #tpu.memory_space<vmem>>
      %dma_start3A_299 = tpu.memref_squeeze %dma_start3A_298 : memref<64x1xf32, #tpu.memory_space<vmem>> -> memref<64xf32, #tpu.memory_space<vmem>>
      %dma_start3A_300 = arith.constant 0 : i32
      %dma_start3A_301 = tpu.memref_slice %arg3[%squeeze3A_286, %dma_start3A_300] : memref<1000000x64xf32, #tpu.memory_space<hbm>> -> memref<1x64xf32, #tpu.memory_space<hbm>>
      %dma_start3A_302 = tpu.memref_squeeze %dma_start3A_301 : memref<1x64xf32, #tpu.memory_space<hbm>> -> memref<64xf32, #tpu.memory_space<hbm>>
      tpu.enqueue_dma source(%dma_start3A_302 : memref<64xf32, #tpu.memory_space<hbm>>) target(%dma_start3A_299 : memref<64xf32, #tpu.memory_space<vmem>>) target_semaphore(%arg8 : memref<!tpu.dma_semaphore, #tpu.memory_space<semaphore_mem>>)
      %slice3A_303 = vector.extract_strided_slice %get3A_35 {offsets = [15], sizes = [1], strides = [1]} : vector<16xi32> to vector<1xi32>
      %squeeze3A_304 = vector.extract %slice3A_303[0] : i32 from vector<1xi32>
      %mul3A_305 = arith.constant 16 : i32
      %mul3A_306 = arith.muli %scan3A_29, %mul3A_305 : i32
      %add3A_307 = arith.constant 15 : i32
      %add3A_308 = arith.addi %mul3A_306, %add3A_307 : i32
      %dma_start3A_309 = arith.constant 0 : i32
      %dma_start3A_310 = tpu.memref_slice %arg6[%dma_start3A_309, %add3A_308] : memref<64x128xf32, #tpu.memory_space<vmem>> -> memref<64x1xf32, #tpu.memory_space<vmem>>
      %dma_start3A_311 = tpu.memref_squeeze %dma_start3A_310 : memref<64x1xf32, #tpu.memory_space<vmem>> -> memref<64xf32, #tpu.memory_space<vmem>>
      %dma_start3A_312 = arith.constant 0 : i32
      %dma_start3A_313 = tpu.memref_slice %arg3[%squeeze3A_304, %dma_start3A_312] : memref<1000000x64xf32, #tpu.memory_space<hbm>> -> memref<1x64xf32, #tpu.memory_space<hbm>>
      %dma_start3A_314 = tpu.memref_squeeze %dma_start3A_313 : memref<1x64xf32, #tpu.memory_space<hbm>> -> memref<64xf32, #tpu.memory_space<hbm>>
      %dma_start3A_315 = arith.constant 0 : i32
      %dma_start3A_316 = tpu.memref_slice %arg6[%dma_start3A_315, %add3A_308] : memref<64x128xf32, #tpu.memory_space<vmem>> -> memref<64x1xf32, #tpu.memory_space<vmem>>
      %dma_start3A_317 = tpu.memref_squeeze %dma_start3A_316 : memref<64x1xf32, #tpu.memory_space<vmem>> -> memref<64xf32, #tpu.memory_space<vmem>>
      %dma_start3A_318 = arith.constant 0 : i32
      %dma_start3A_319 = tpu.memref_slice %arg3[%squeeze3A_304, %dma_start3A_318] : memref<1000000x64xf32, #tpu.memory_space<hbm>> -> memref<1x64xf32, #tpu.memory_space<hbm>>
      %dma_start3A_320 = tpu.memref_squeeze %dma_start3A_319 : memref<1x64xf32, #tpu.memory_space<hbm>> -> memref<64xf32, #tpu.memory_space<hbm>>
      tpu.enqueue_dma source(%dma_start3A_320 : memref<64xf32, #tpu.memory_space<hbm>>) target(%dma_start3A_317 : memref<64xf32, #tpu.memory_space<vmem>>) target_semaphore(%arg8 : memref<!tpu.dma_semaphore, #tpu.memory_space<semaphore_mem>>)
    }
    %scan3A_5 = arith.constant 8 : i32
    %scan3A_6 = arith.constant 0 : i32
    %scan3A_7 = arith.constant 0 : i32
    %scan3A_8 = arith.constant 200 : i32
    %scan3A_9 = arith.addi %scan3A_7, %scan3A_8 : i32
    %scan3A_10 = arith.constant 1 : i32
    scf.for %scan3A_29 = %scan3A_7 to %scan3A_9 step %scan3A_10  : i32 {
      %rem3A = arith.constant 2 : i32
      %rem3A_30 = arith.remsi %scan3A_29, %rem3A : i32
      %eq3A = arith.constant 0 : i32
      %eq3A_31 = arith.cmpi eq, %rem3A_30, %eq3A : i32
      %convert_element_type3A = arith.extui %eq3A_31 : i1 to i32
      %cond3A = arith.constant 0 : i32
      %cond3A_32 = arith.cmpi ne, %convert_element_type3A, %cond3A : i32
      scf.if %cond3A_32 {
        %add3A_38 = arith.constant 1 : i32
        %add3A_39 = arith.addi %scan3A_29, %add3A_38 : i32
        %lt3A = arith.constant 200 : i32
        %lt3A_40 = arith.cmpi slt, %add3A_39, %lt3A : i32
        %convert_element_type3A_41 = arith.extui %lt3A_40 : i1 to i32
        %cond3A_42 = arith.constant 0 : i32
        %cond3A_43 = arith.cmpi ne, %convert_element_type3A_41, %cond3A_42 : i32
        scf.if %cond3A_43 {
          %ge3A = arith.constant 1 : i32
          %ge3A_178 = arith.cmpi sge, %scan3A_29, %ge3A : i32
          %convert_element_type3A_179 = arith.extui %ge3A_178 : i1 to i32
          %cond3A_180 = arith.constant 0 : i32
          %cond3A_181 = arith.cmpi ne, %convert_element_type3A_179, %cond3A_180 : i32
          scf.if %cond3A_181 {
            %dma_wait3A_190 = arith.constant 0 : i32
            %dma_wait3A_191 = arith.constant 0 : i32
            %dma_wait3A_192 = arith.constant 0 : i32
            %dma_wait3A_193 = tpu.memref_slice %arg2[%dma_wait3A_191, %dma_wait3A_190, %dma_wait3A_192] : memref<200x32x128xi32, #tpu.memory_space<hbm>> -> memref<64x1x128xi32, #tpu.memory_space<hbm>>
            %dma_wait3A_194 = tpu.memref_squeeze %dma_wait3A_193 : memref<64x1x128xi32, #tpu.memory_space<hbm>> -> memref<64x128xi32, #tpu.memory_space<hbm>>
            %dma_wait3A_195 = arith.constant 0 : i32
            %dma_wait3A_196 = arith.constant 0 : i32
            %dma_wait3A_197 = tpu.memref_slice %arg2[%dma_wait3A_195, %dma_wait3A_190, %dma_wait3A_196] : memref<200x32x128xi32, #tpu.memory_space<hbm>> -> memref<64x1x128xi32, #tpu.memory_space<hbm>>
            %dma_wait3A_198 = tpu.memref_squeeze %dma_wait3A_197 : memref<64x1x128xi32, #tpu.memory_space<hbm>> -> memref<64x128xi32, #tpu.memory_space<hbm>>
            tpu.wait_dma2 semaphore(%arg11 : memref<!tpu.dma_semaphore, #tpu.memory_space<semaphore_mem>>) src(%dma_wait3A_198 : memref<64x128xi32, #tpu.memory_space<hbm>>) dst(%arg7 : memref<64x128xf32, #tpu.memory_space<vmem>>)
          } else {
          }
          %add3A_182 = arith.constant 1 : i32
          %add3A_183 = arith.addi %scan3A_29, %add3A_182 : i32
          %scan3A_184 = arith.constant 0 : i32
          %scan3A_185 = arith.constant 0 : i32
          %scan3A_186 = arith.constant 8 : i32
          %scan3A_187 = arith.addi %scan3A_185, %scan3A_186 : i32
          %scan3A_188 = arith.constant 1 : i32
          scf.for %scan3A_190 = %scan3A_185 to %scan3A_187 step %scan3A_188  : i32 {
            %mul3A_191 = arith.constant 16 : i32
            %mul3A_192 = arith.muli %scan3A_190, %mul3A_191 : i32
            %get3A = arith.index_cast %add3A_183 : i32 to index
            %get3A_193 = arith.index_cast %mul3A_192 : i32 to index
            %get3A_194 = tpu.vector_load %arg5[%get3A, %get3A_193] {strides = array<i32>} : memref<200x128xi32, #tpu.memory_space<vmem>>, vector<1x16xi32>,
            %get3A_195 = vector.shape_cast %get3A_194 : vector<1x16xi32> to vector<16xi32>
            %slice3A = vector.extract_strided_slice %get3A_195 {offsets = [0], sizes = [1], strides = [1]} : vector<16xi32> to vector<1xi32>
            %squeeze3A = vector.extract %slice3A[0] : i32 from vector<1xi32>
            %mul3A_196 = arith.constant 16 : i32
            %mul3A_197 = arith.muli %scan3A_190, %mul3A_196 : i32
            %add3A_198 = arith.constant 0 : i32
            %add3A_199 = arith.addi %mul3A_197, %add3A_198 : i32
            %dma_start3A_200 = arith.constant 0 : i32
            %dma_start3A_201 = tpu.memref_slice %arg7[%dma_start3A_200, %add3A_199] : memref<64x128xf32, #tpu.memory_space<vmem>> -> memref<64x1xf32, #tpu.memory_space<vmem>>
            %dma_start3A_202 = tpu.memref_squeeze %dma_start3A_201 : memref<64x1xf32, #tpu.memory_space<vmem>> -> memref<64xf32, #tpu.memory_space<vmem>>
            %dma_start3A_203 = arith.constant 0 : i32
            %dma_start3A_204 = tpu.memref_slice %arg3[%squeeze3A, %dma_start3A_203] : memref<1000000x64xf32, #tpu.memory_space<hbm>> -> memref<1x64xf32, #tpu.memory_space<hbm>>
            %dma_start3A_205 = tpu.memref_squeeze %dma_start3A_204 : memref<1x64xf32, #tpu.memory_space<hbm>> -> memref<64xf32, #tpu.memory_space<hbm>>
            %dma_start3A_206 = arith.constant 0 : i32
            %dma_start3A_207 = tpu.memref_slice %arg7[%dma_start3A_206, %add3A_199] : memref<64x128xf32, #tpu.memory_space<vmem>> -> memref<64x1xf32, #tpu.memory_space<vmem>>
            %dma_start3A_208 = tpu.memref_squeeze %dma_start3A_207 : memref<64x1xf32, #tpu.memory_space<vmem>> -> memref<64xf32, #tpu.memory_space<vmem>>
            %dma_start3A_209 = arith.constant 0 : i32
            %dma_start3A_210 = tpu.memref_slice %arg3[%squeeze3A, %dma_start3A_209] : memref<1000000x64xf32, #tpu.memory_space<hbm>> -> memref<1x64xf32, #tpu.memory_space<hbm>>
            %dma_start3A_211 = tpu.memref_squeeze %dma_start3A_210 : memref<1x64xf32, #tpu.memory_space<hbm>> -> memref<64xf32, #tpu.memory_space<hbm>>
            tpu.enqueue_dma source(%dma_start3A_211 : memref<64xf32, #tpu.memory_space<hbm>>) target(%dma_start3A_208 : memref<64xf32, #tpu.memory_space<vmem>>) target_semaphore(%arg9 : memref<!tpu.dma_semaphore, #tpu.memory_space<semaphore_mem>>)
            %slice3A_212 = vector.extract_strided_slice %get3A_195 {offsets = [1], sizes = [1], strides = [1]} : vector<16xi32> to vector<1xi32>
            %squeeze3A_213 = vector.extract %slice3A_212[0] : i32 from vector<1xi32>
            %mul3A_214 = arith.constant 16 : i32
            %mul3A_215 = arith.muli %scan3A_190, %mul3A_214 : i32
            %add3A_216 = arith.constant 1 : i32
            %add3A_217 = arith.addi %mul3A_215, %add3A_216 : i32
            %dma_start3A_218 = arith.constant 0 : i32
            %dma_start3A_219 = tpu.memref_slice %arg7[%dma_start3A_218, %add3A_217] : memref<64x128xf32, #tpu.memory_space<vmem>> -> memref<64x1xf32, #tpu.memory_space<vmem>>
            %dma_start3A_220 = tpu.memref_squeeze %dma_start3A_219 : memref<64x1xf32, #tpu.memory_space<vmem>> -> memref<64xf32, #tpu.memory_space<vmem>>
            %dma_start3A_221 = arith.constant 0 : i32
            %dma_start3A_222 = tpu.memref_slice %arg3[%squeeze3A_213, %dma_start3A_221] : memref<1000000x64xf32, #tpu.memory_space<hbm>> -> memref<1x64xf32, #tpu.memory_space<hbm>>
            %dma_start3A_223 = tpu.memref_squeeze %dma_start3A_222 : memref<1x64xf32, #tpu.memory_space<hbm>> -> memref<64xf32, #tpu.memory_space<hbm>>
            %dma_start3A_224 = arith.constant 0 : i32
            %dma_start3A_225 = tpu.memref_slice %arg7[%dma_start3A_224, %add3A_217] : memref<64x128xf32, #tpu.memory_space<vmem>> -> memref<64x1xf32, #tpu.memory_space<vmem>>
            %dma_start3A_226 = tpu.memref_squeeze %dma_start3A_225 : memref<64x1xf32, #tpu.memory_space<vmem>> -> memref<64xf32, #tpu.memory_space<vmem>>
            %dma_start3A_227 = arith.constant 0 : i32
            %dma_start3A_228 = tpu.memref_slice %arg3[%squeeze3A_213, %dma_start3A_227] : memref<1000000x64xf32, #tpu.memory_space<hbm>> -> memref<1x64xf32, #tpu.memory_space<hbm>>
            %dma_start3A_229 = tpu.memref_squeeze %dma_start3A_228 : memref<1x64xf32, #tpu.memory_space<hbm>> -> memref<64xf32, #tpu.memory_space<hbm>>
            tpu.enqueue_dma source(%dma_start3A_229 : memref<64xf32, #tpu.memory_space<hbm>>) target(%dma_start3A_226 : memref<64xf32, #tpu.memory_space<vmem>>) target_semaphore(%arg9 : memref<!tpu.dma_semaphore, #tpu.memory_space<semaphore_mem>>)
            %slice3A_230 = vector.extract_strided_slice %get3A_195 {offsets = [2], sizes = [1], strides = [1]} : vector<16xi32> to vector<1xi32>
            %squeeze3A_231 = vector.extract %slice3A_230[0] : i32 from vector<1xi32>
            %mul3A_232 = arith.constant 16 : i32
            %mul3A_233 = arith.muli %scan3A_190, %mul3A_232 : i32
            %add3A_234 = arith.constant 2 : i32
            %add3A_235 = arith.addi %mul3A_233, %add3A_234 : i32
            %dma_start3A_236 = arith.constant 0 : i32
            %dma_start3A_237 = tpu.memref_slice %arg7[%dma_start3A_236, %add3A_235] : memref<64x128xf32, #tpu.memory_space<vmem>> -> memref<64x1xf32, #tpu.memory_space<vmem>>
            %dma_start3A_238 = tpu.memref_squeeze %dma_start3A_237 : memref<64x1xf32, #tpu.memory_space<vmem>> -> memref<64xf32, #tpu.memory_space<vmem>>
            %dma_start3A_239 = arith.constant 0 : i32
            %dma_start3A_240 = tpu.memref_slice %arg3[%squeeze3A_231, %dma_start3A_239] : memref<1000000x64xf32, #tpu.memory_space<hbm>> -> memref<1x64xf32, #tpu.memory_space<hbm>>
            %dma_start3A_241 = tpu.memref_squeeze %dma_start3A_240 : memref<1x64xf32, #tpu.memory_space<hbm>> -> memref<64xf32, #tpu.memory_space<hbm>>
            %dma_start3A_242 = arith.constant 0 : i32
            %dma_start3A_243 = tpu.memref_slice %arg7[%dma_start3A_242, %add3A_235] : memref<64x128xf32, #tpu.memory_space<vmem>> -> memref<64x1xf32, #tpu.memory_space<vmem>>
            %dma_start3A_244 = tpu.memref_squeeze %dma_start3A_243 : memref<64x1xf32, #tpu.memory_space<vmem>> -> memref<64xf32, #tpu.memory_space<vmem>>
            %dma_start3A_245 = arith.constant 0 : i32
            %dma_start3A_246 = tpu.memref_slice %arg3[%squeeze3A_231, %dma_start3A_245] : memref<1000000x64xf32, #tpu.memory_space<hbm>> -> memref<1x64xf32, #tpu.memory_space<hbm>>
            %dma_start3A_247 = tpu.memref_squeeze %dma_start3A_246 : memref<1x64xf32, #tpu.memory_space<hbm>> -> memref<64xf32, #tpu.memory_space<hbm>>
            tpu.enqueue_dma source(%dma_start3A_247 : memref<64xf32, #tpu.memory_space<hbm>>) target(%dma_start3A_244 : memref<64xf32, #tpu.memory_space<vmem>>) target_semaphore(%arg9 : memref<!tpu.dma_semaphore, #tpu.memory_space<semaphore_mem>>)
            %slice3A_248 = vector.extract_strided_slice %get3A_195 {offsets = [3], sizes = [1], strides = [1]} : vector<16xi32> to vector<1xi32>
            %squeeze3A_249 = vector.extract %slice3A_248[0] : i32 from vector<1xi32>
            %mul3A_250 = arith.constant 16 : i32
            %mul3A_251 = arith.muli %scan3A_190, %mul3A_250 : i32
            %add3A_252 = arith.constant 3 : i32
            %add3A_253 = arith.addi %mul3A_251, %add3A_252 : i32
            %dma_start3A_254 = arith.constant 0 : i32
            %dma_start3A_255 = tpu.memref_slice %arg7[%dma_start3A_254, %add3A_253] : memref<64x128xf32, #tpu.memory_space<vmem>> -> memref<64x1xf32, #tpu.memory_space<vmem>>
            %dma_start3A_256 = tpu.memref_squeeze %dma_start3A_255 : memref<64x1xf32, #tpu.memory_space<vmem>> -> memref<64xf32, #tpu.memory_space<vmem>>
            %dma_start3A_257 = arith.constant 0 : i32
            %dma_start3A_258 = tpu.memref_slice %arg3[%squeeze3A_249, %dma_start3A_257] : memref<1000000x64xf32, #tpu.memory_space<hbm>> -> memref<1x64xf32, #tpu.memory_space<hbm>>
            %dma_start3A_259 = tpu.memref_squeeze %dma_start3A_258 : memref<1x64xf32, #tpu.memory_space<hbm>> -> memref<64xf32, #tpu.memory_space<hbm>>
            %dma_start3A_260 = arith.constant 0 : i32
            %dma_start3A_261 = tpu.memref_slice %arg7[%dma_start3A_260, %add3A_253] : memref<64x128xf32, #tpu.memory_space<vmem>> -> memref<64x1xf32, #tpu.memory_space<vmem>>
            %dma_start3A_262 = tpu.memref_squeeze %dma_start3A_261 : memref<64x1xf32, #tpu.memory_space<vmem>> -> memref<64xf32, #tpu.memory_space<vmem>>
            %dma_start3A_263 = arith.constant 0 : i32
            %dma_start3A_264 = tpu.memref_slice %arg3[%squeeze3A_249, %dma_start3A_263] : memref<1000000x64xf32, #tpu.memory_space<hbm>> -> memref<1x64xf32, #tpu.memory_space<hbm>>
            %dma_start3A_265 = tpu.memref_squeeze %dma_start3A_264 : memref<1x64xf32, #tpu.memory_space<hbm>> -> memref<64xf32, #tpu.memory_space<hbm>>
            tpu.enqueue_dma source(%dma_start3A_265 : memref<64xf32, #tpu.memory_space<hbm>>) target(%dma_start3A_262 : memref<64xf32, #tpu.memory_space<vmem>>) target_semaphore(%arg9 : memref<!tpu.dma_semaphore, #tpu.memory_space<semaphore_mem>>)
            %slice3A_266 = vector.extract_strided_slice %get3A_195 {offsets = [4], sizes = [1], strides = [1]} : vector<16xi32> to vector<1xi32>
            %squeeze3A_267 = vector.extract %slice3A_266[0] : i32 from vector<1xi32>
            %mul3A_268 = arith.constant 16 : i32
            %mul3A_269 = arith.muli %scan3A_190, %mul3A_268 : i32
            %add3A_270 = arith.constant 4 : i32
            %add3A_271 = arith.addi %mul3A_269, %add3A_270 : i32
            %dma_start3A_272 = arith.constant 0 : i32
            %dma_start3A_273 = tpu.memref_slice %arg7[%dma_start3A_272, %add3A_271] : memref<64x128xf32, #tpu.memory_space<vmem>> -> memref<64x1xf32, #tpu.memory_space<vmem>>
            %dma_start3A_274 = tpu.memref_squeeze %dma_start3A_273 : memref<64x1xf32, #tpu.memory_space<vmem>> -> memref<64xf32, #tpu.memory_space<vmem>>
            %dma_start3A_275 = arith.constant 0 : i32
            %dma_start3A_276 = tpu.memref_slice %arg3[%squeeze3A_267, %dma_start3A_275] : memref<1000000x64xf32, #tpu.memory_space<hbm>> -> memref<1x64xf32, #tpu.memory_space<hbm>>
            %dma_start3A_277 = tpu.memref_squeeze %dma_start3A_276 : memref<1x64xf32, #tpu.memory_space<hbm>> -> memref<64xf32, #tpu.memory_space<hbm>>
            %dma_start3A_278 = arith.constant 0 : i32
            %dma_start3A_279 = tpu.memref_slice %arg7[%dma_start3A_278, %add3A_271] : memref<64x128xf32, #tpu.memory_space<vmem>> -> memref<64x1xf32, #tpu.memory_space<vmem>>
            %dma_start3A_280 = tpu.memref_squeeze %dma_start3A_279 : memref<64x1xf32, #tpu.memory_space<vmem>> -> memref<64xf32, #tpu.memory_space<vmem>>
            %dma_start3A_281 = arith.constant 0 : i32
            %dma_start3A_282 = tpu.memref_slice %arg3[%squeeze3A_267, %dma_start3A_281] : memref<1000000x64xf32, #tpu.memory_space<hbm>> -> memref<1x64xf32, #tpu.memory_space<hbm>>
            %dma_start3A_283 = tpu.memref_squeeze %dma_start3A_282 : memref<1x64xf32, #tpu.memory_space<hbm>> -> memref<64xf32, #tpu.memory_space<hbm>>
            tpu.enqueue_dma source(%dma_start3A_283 : memref<64xf32, #tpu.memory_space<hbm>>) target(%dma_start3A_280 : memref<64xf32, #tpu.memory_space<vmem>>) target_semaphore(%arg9 : memref<!tpu.dma_semaphore, #tpu.memory_space<semaphore_mem>>)
            %slice3A_284 = vector.extract_strided_slice %get3A_195 {offsets = [5], sizes = [1], strides = [1]} : vector<16xi32> to vector<1xi32>
            %squeeze3A_285 = vector.extract %slice3A_284[0] : i32 from vector<1xi32>
            %mul3A_286 = arith.constant 16 : i32
            %mul3A_287 = arith.muli %scan3A_190, %mul3A_286 : i32
            %add3A_288 = arith.constant 5 : i32
            %add3A_289 = arith.addi %mul3A_287, %add3A_288 : i32
            %dma_start3A_290 = arith.constant 0 : i32
            %dma_start3A_291 = tpu.memref_slice %arg7[%dma_start3A_290, %add3A_289] : memref<64x128xf32, #tpu.memory_space<vmem>> -> memref<64x1xf32, #tpu.memory_space<vmem>>
            %dma_start3A_292 = tpu.memref_squeeze %dma_start3A_291 : memref<64x1xf32, #tpu.memory_space<vmem>> -> memref<64xf32, #tpu.memory_space<vmem>>
            %dma_start3A_293 = arith.constant 0 : i32
            %dma_start3A_294 = tpu.memref_slice %arg3[%squeeze3A_285, %dma_start3A_293] : memref<1000000x64xf32, #tpu.memory_space<hbm>> -> memref<1x64xf32, #tpu.memory_space<hbm>>
            %dma_start3A_295 = tpu.memref_squeeze %dma_start3A_294 : memref<1x64xf32, #tpu.memory_space<hbm>> -> memref<64xf32, #tpu.memory_space<hbm>>
            %dma_start3A_296 = arith.constant 0 : i32
            %dma_start3A_297 = tpu.memref_slice %arg7[%dma_start3A_296, %add3A_289] : memref<64x128xf32, #tpu.memory_space<vmem>> -> memref<64x1xf32, #tpu.memory_space<vmem>>
            %dma_start3A_298 = tpu.memref_squeeze %dma_start3A_297 : memref<64x1xf32, #tpu.memory_space<vmem>> -> memref<64xf32, #tpu.memory_space<vmem>>
            %dma_start3A_299 = arith.constant 0 : i32
            %dma_start3A_300 = tpu.memref_slice %arg3[%squeeze3A_285, %dma_start3A_299] : memref<1000000x64xf32, #tpu.memory_space<hbm>> -> memref<1x64xf32, #tpu.memory_space<hbm>>
            %dma_start3A_301 = tpu.memref_squeeze %dma_start3A_300 : memref<1x64xf32, #tpu.memory_space<hbm>> -> memref<64xf32, #tpu.memory_space<hbm>>
            tpu.enqueue_dma source(%dma_start3A_301 : memref<64xf32, #tpu.memory_space<hbm>>) target(%dma_start3A_298 : memref<64xf32, #tpu.memory_space<vmem>>) target_semaphore(%arg9 : memref<!tpu.dma_semaphore, #tpu.memory_space<semaphore_mem>>)
            %slice3A_302 = vector.extract_strided_slice %get3A_195 {offsets = [6], sizes = [1], strides = [1]} : vector<16xi32> to vector<1xi32>
            %squeeze3A_303 = vector.extract %slice3A_302[0] : i32 from vector<1xi32>
            %mul3A_304 = arith.constant 16 : i32
            %mul3A_305 = arith.muli %scan3A_190, %mul3A_304 : i32
            %add3A_306 = arith.constant 6 : i32
            %add3A_307 = arith.addi %mul3A_305, %add3A_306 : i32
            %dma_start3A_308 = arith.constant 0 : i32
            %dma_start3A_309 = tpu.memref_slice %arg7[%dma_start3A_308, %add3A_307] : memref<64x128xf32, #tpu.memory_space<vmem>> -> memref<64x1xf32, #tpu.memory_space<vmem>>
            %dma_start3A_310 = tpu.memref_squeeze %dma_start3A_309 : memref<64x1xf32, #tpu.memory_space<vmem>> -> memref<64xf32, #tpu.memory_space<vmem>>
            %dma_start3A_311 = arith.constant 0 : i32
            %dma_start3A_312 = tpu.memref_slice %arg3[%squeeze3A_303, %dma_start3A_311] : memref<1000000x64xf32, #tpu.memory_space<hbm>> -> memref<1x64xf32, #tpu.memory_space<hbm>>
            %dma_start3A_313 = tpu.memref_squeeze %dma_start3A_312 : memref<1x64xf32, #tpu.memory_space<hbm>> -> memref<64xf32, #tpu.memory_space<hbm>>
            %dma_start3A_314 = arith.constant 0 : i32
            %dma_start3A_315 = tpu.memref_slice %arg7[%dma_start3A_314, %add3A_307] : memref<64x128xf32, #tpu.memory_space<vmem>> -> memref<64x1xf32, #tpu.memory_space<vmem>>
            %dma_start3A_316 = tpu.memref_squeeze %dma_start3A_315 : memref<64x1xf32, #tpu.memory_space<vmem>> -> memref<64xf32, #tpu.memory_space<vmem>>
            %dma_start3A_317 = arith.constant 0 : i32
            %dma_start3A_318 = tpu.memref_slice %arg3[%squeeze3A_303, %dma_start3A_317] : memref<1000000x64xf32, #tpu.memory_space<hbm>> -> memref<1x64xf32, #tpu.memory_space<hbm>>
            %dma_start3A_319 = tpu.memref_squeeze %dma_start3A_318 : memref<1x64xf32, #tpu.memory_space<hbm>> -> memref<64xf32, #tpu.memory_space<hbm>>
            tpu.enqueue_dma source(%dma_start3A_319 : memref<64xf32, #tpu.memory_space<hbm>>) target(%dma_start3A_316 : memref<64xf32, #tpu.memory_space<vmem>>) target_semaphore(%arg9 : memref<!tpu.dma_semaphore, #tpu.memory_space<semaphore_mem>>)
            %slice3A_320 = vector.extract_strided_slice %get3A_195 {offsets = [7], sizes = [1], strides = [1]} : vector<16xi32> to vector<1xi32>
            %squeeze3A_321 = vector.extract %slice3A_320[0] : i32 from vector<1xi32>
            %mul3A_322 = arith.constant 16 : i32
            %mul3A_323 = arith.muli %scan3A_190, %mul3A_322 : i32
            %add3A_324 = arith.constant 7 : i32
            %add3A_325 = arith.addi %mul3A_323, %add3A_324 : i32
            %dma_start3A_326 = arith.constant 0 : i32
            %dma_start3A_327 = tpu.memref_slice %arg7[%dma_start3A_326, %add3A_325] : memref<64x128xf32, #tpu.memory_space<vmem>> -> memref<64x1xf32, #tpu.memory_space<vmem>>
            %dma_start3A_328 = tpu.memref_squeeze %dma_start3A_327 : memref<64x1xf32, #tpu.memory_space<vmem>> -> memref<64xf32, #tpu.memory_space<vmem>>
            %dma_start3A_329 = arith.constant 0 : i32
            %dma_start3A_330 = tpu.memref_slice %arg3[%squeeze3A_321, %dma_start3A_329] : memref<1000000x64xf32, #tpu.memory_space<hbm>> -> memref<1x64xf32, #tpu.memory_space<hbm>>
            %dma_start3A_331 = tpu.memref_squeeze %dma_start3A_330 : memref<1x64xf32, #tpu.memory_space<hbm>> -> memref<64xf32, #tpu.memory_space<hbm>>
            %dma_start3A_332 = arith.constant 0 : i32
            %dma_start3A_333 = tpu.memref_slice %arg7[%dma_start3A_332, %add3A_325] : memref<64x128xf32, #tpu.memory_space<vmem>> -> memref<64x1xf32, #tpu.memory_space<vmem>>
            %dma_start3A_334 = tpu.memref_squeeze %dma_start3A_333 : memref<64x1xf32, #tpu.memory_space<vmem>> -> memref<64xf32, #tpu.memory_space<vmem>>
            %dma_start3A_335 = arith.constant 0 : i32
            %dma_start3A_336 = tpu.memref_slice %arg3[%squeeze3A_321, %dma_start3A_335] : memref<1000000x64xf32, #tpu.memory_space<hbm>> -> memref<1x64xf32, #tpu.memory_space<hbm>>
            %dma_start3A_337 = tpu.memref_squeeze %dma_start3A_336 : memref<1x64xf32, #tpu.memory_space<hbm>> -> memref<64xf32, #tpu.memory_space<hbm>>
            tpu.enqueue_dma source(%dma_start3A_337 : memref<64xf32, #tpu.memory_space<hbm>>) target(%dma_start3A_334 : memref<64xf32, #tpu.memory_space<vmem>>) target_semaphore(%arg9 : memref<!tpu.dma_semaphore, #tpu.memory_space<semaphore_mem>>)
            %slice3A_338 = vector.extract_strided_slice %get3A_195 {offsets = [8], sizes = [1], strides = [1]} : vector<16xi32> to vector<1xi32>
            %squeeze3A_339 = vector.extract %slice3A_338[0] : i32 from vector<1xi32>
            %mul3A_340 = arith.constant 16 : i32
            %mul3A_341 = arith.muli %scan3A_190, %mul3A_340 : i32
            %add3A_342 = arith.constant 8 : i32
            %add3A_343 = arith.addi %mul3A_341, %add3A_342 : i32
            %dma_start3A_344 = arith.constant 0 : i32
            %dma_start3A_345 = tpu.memref_slice %arg7[%dma_start3A_344, %add3A_343] : memref<64x128xf32, #tpu.memory_space<vmem>> -> memref<64x1xf32, #tpu.memory_space<vmem>>
            %dma_start3A_346 = tpu.memref_squeeze %dma_start3A_345 : memref<64x1xf32, #tpu.memory_space<vmem>> -> memref<64xf32, #tpu.memory_space<vmem>>
            %dma_start3A_347 = arith.constant 0 : i32
            %dma_start3A_348 = tpu.memref_slice %arg3[%squeeze3A_339, %dma_start3A_347] : memref<1000000x64xf32, #tpu.memory_space<hbm>> -> memref<1x64xf32, #tpu.memory_space<hbm>>
            %dma_start3A_349 = tpu.memref_squeeze %dma_start3A_348 : memref<1x64xf32, #tpu.memory_space<hbm>> -> memref<64xf32, #tpu.memory_space<hbm>>
            %dma_start3A_350 = arith.constant 0 : i32
            %dma_start3A_351 = tpu.memref_slice %arg7[%dma_start3A_350, %add3A_343] : memref<64x128xf32, #tpu.memory_space<vmem>> -> memref<64x1xf32, #tpu.memory_space<vmem>>
            %dma_start3A_352 = tpu.memref_squeeze %dma_start3A_351 : memref<64x1xf32, #tpu.memory_space<vmem>> -> memref<64xf32, #tpu.memory_space<vmem>>
            %dma_start3A_353 = arith.constant 0 : i32
            %dma_start3A_354 = tpu.memref_slice %arg3[%squeeze3A_339, %dma_start3A_353] : memref<1000000x64xf32, #tpu.memory_space<hbm>> -> memref<1x64xf32, #tpu.memory_space<hbm>>
            %dma_start3A_355 = tpu.memref_squeeze %dma_start3A_354 : memref<1x64xf32, #tpu.memory_space<hbm>> -> memref<64xf32, #tpu.memory_space<hbm>>
            tpu.enqueue_dma source(%dma_start3A_355 : memref<64xf32, #tpu.memory_space<hbm>>) target(%dma_start3A_352 : memref<64xf32, #tpu.memory_space<vmem>>) target_semaphore(%arg9 : memref<!tpu.dma_semaphore, #tpu.memory_space<semaphore_mem>>)
            %slice3A_356 = vector.extract_strided_slice %get3A_195 {offsets = [9], sizes = [1], strides = [1]} : vector<16xi32> to vector<1xi32>
            %squeeze3A_357 = vector.extract %slice3A_356[0] : i32 from vector<1xi32>
            %mul3A_358 = arith.constant 16 : i32
            %mul3A_359 = arith.muli %scan3A_190, %mul3A_358 : i32
            %add3A_360 = arith.constant 9 : i32
            %add3A_361 = arith.addi %mul3A_359, %add3A_360 : i32
            %dma_start3A_362 = arith.constant 0 : i32
            %dma_start3A_363 = tpu.memref_slice %arg7[%dma_start3A_362, %add3A_361] : memref<64x128xf32, #tpu.memory_space<vmem>> -> memref<64x1xf32, #tpu.memory_space<vmem>>
            %dma_start3A_364 = tpu.memref_squeeze %dma_start3A_363 : memref<64x1xf32, #tpu.memory_space<vmem>> -> memref<64xf32, #tpu.memory_space<vmem>>
            %dma_start3A_365 = arith.constant 0 : i32
            %dma_start3A_366 = tpu.memref_slice %arg3[%squeeze3A_357, %dma_start3A_365] : memref<1000000x64xf32, #tpu.memory_space<hbm>> -> memref<1x64xf32, #tpu.memory_space<hbm>>
            %dma_start3A_367 = tpu.memref_squeeze %dma_start3A_366 : memref<1x64xf32, #tpu.memory_space<hbm>> -> memref<64xf32, #tpu.memory_space<hbm>>
            %dma_start3A_368 = arith.constant 0 : i32
            %dma_start3A_369 = tpu.memref_slice %arg7[%dma_start3A_368, %add3A_361] : memref<64x128xf32, #tpu.memory_space<vmem>> -> memref<64x1xf32, #tpu.memory_space<vmem>>
            %dma_start3A_370 = tpu.memref_squeeze %dma_start3A_369 : memref<64x1xf32, #tpu.memory_space<vmem>> -> memref<64xf32, #tpu.memory_space<vmem>>
            %dma_start3A_371 = arith.constant 0 : i32
            %dma_start3A_372 = tpu.memref_slice %arg3[%squeeze3A_357, %dma_start3A_371] : memref<1000000x64xf32, #tpu.memory_space<hbm>> -> memref<1x64xf32, #tpu.memory_space<hbm>>
            %dma_start3A_373 = tpu.memref_squeeze %dma_start3A_372 : memref<1x64xf32, #tpu.memory_space<hbm>> -> memref<64xf32, #tpu.memory_space<hbm>>
            tpu.enqueue_dma source(%dma_start3A_373 : memref<64xf32, #tpu.memory_space<hbm>>) target(%dma_start3A_370 : memref<64xf32, #tpu.memory_space<vmem>>) target_semaphore(%arg9 : memref<!tpu.dma_semaphore, #tpu.memory_space<semaphore_mem>>)
            %slice3A_374 = vector.extract_strided_slice %get3A_195 {offsets = [10], sizes = [1], strides = [1]} : vector<16xi32> to vector<1xi32>
            %squeeze3A_375 = vector.extract %slice3A_374[0] : i32 from vector<1xi32>
            %mul3A_376 = arith.constant 16 : i32
            %mul3A_377 = arith.muli %scan3A_190, %mul3A_376 : i32
            %add3A_378 = arith.constant 10 : i32
            %add3A_379 = arith.addi %mul3A_377, %add3A_378 : i32
            %dma_start3A_380 = arith.constant 0 : i32
            %dma_start3A_381 = tpu.memref_slice %arg7[%dma_start3A_380, %add3A_379] : memref<64x128xf32, #tpu.memory_space<vmem>> -> memref<64x1xf32, #tpu.memory_space<vmem>>
            %dma_start3A_382 = tpu.memref_squeeze %dma_start3A_381 : memref<64x1xf32, #tpu.memory_space<vmem>> -> memref<64xf32, #tpu.memory_space<vmem>>
            %dma_start3A_383 = arith.constant 0 : i32
            %dma_start3A_384 = tpu.memref_slice %arg3[%squeeze3A_375, %dma_start3A_383] : memref<1000000x64xf32, #tpu.memory_space<hbm>> -> memref<1x64xf32, #tpu.memory_space<hbm>>
            %dma_start3A_385 = tpu.memref_squeeze %dma_start3A_384 : memref<1x64xf32, #tpu.memory_space<hbm>> -> memref<64xf32, #tpu.memory_space<hbm>>
            %dma_start3A_386 = arith.constant 0 : i32
            %dma_start3A_387 = tpu.memref_slice %arg7[%dma_start3A_386, %add3A_379] : memref<64x128xf32, #tpu.memory_space<vmem>> -> memref<64x1xf32, #tpu.memory_space<vmem>>
            %dma_start3A_388 = tpu.memref_squeeze %dma_start3A_387 : memref<64x1xf32, #tpu.memory_space<vmem>> -> memref<64xf32, #tpu.memory_space<vmem>>
            %dma_start3A_389 = arith.constant 0 : i32
            %dma_start3A_390 = tpu.memref_slice %arg3[%squeeze3A_375, %dma_start3A_389] : memref<1000000x64xf32, #tpu.memory_space<hbm>> -> memref<1x64xf32, #tpu.memory_space<hbm>>
            %dma_start3A_391 = tpu.memref_squeeze %dma_start3A_390 : memref<1x64xf32, #tpu.memory_space<hbm>> -> memref<64xf32, #tpu.memory_space<hbm>>
            tpu.enqueue_dma source(%dma_start3A_391 : memref<64xf32, #tpu.memory_space<hbm>>) target(%dma_start3A_388 : memref<64xf32, #tpu.memory_space<vmem>>) target_semaphore(%arg9 : memref<!tpu.dma_semaphore, #tpu.memory_space<semaphore_mem>>)
            %slice3A_392 = vector.extract_strided_slice %get3A_195 {offsets = [11], sizes = [1], strides = [1]} : vector<16xi32> to vector<1xi32>
            %squeeze3A_393 = vector.extract %slice3A_392[0] : i32 from vector<1xi32>
            %mul3A_394 = arith.constant 16 : i32
            %mul3A_395 = arith.muli %scan3A_190, %mul3A_394 : i32
            %add3A_396 = arith.constant 11 : i32
            %add3A_397 = arith.addi %mul3A_395, %add3A_396 : i32
            %dma_start3A_398 = arith.constant 0 : i32
            %dma_start3A_399 = tpu.memref_slice %arg7[%dma_start3A_398, %add3A_397] : memref<64x128xf32, #tpu.memory_space<vmem>> -> memref<64x1xf32, #tpu.memory_space<vmem>>
            %dma_start3A_400 = tpu.memref_squeeze %dma_start3A_399 : memref<64x1xf32, #tpu.memory_space<vmem>> -> memref<64xf32, #tpu.memory_space<vmem>>
            %dma_start3A_401 = arith.constant 0 : i32
            %dma_start3A_402 = tpu.memref_slice %arg3[%squeeze3A_393, %dma_start3A_401] : memref<1000000x64xf32, #tpu.memory_space<hbm>> -> memref<1x64xf32, #tpu.memory_space<hbm>>
            %dma_start3A_403 = tpu.memref_squeeze %dma_start3A_402 : memref<1x64xf32, #tpu.memory_space<hbm>> -> memref<64xf32, #tpu.memory_space<hbm>>
            %dma_start3A_404 = arith.constant 0 : i32
            %dma_start3A_405 = tpu.memref_slice %arg7[%dma_start3A_404, %add3A_397] : memref<64x128xf32, #tpu.memory_space<vmem>> -> memref<64x1xf32, #tpu.memory_space<vmem>>
            %dma_start3A_406 = tpu.memref_squeeze %dma_start3A_405 : memref<64x1xf32, #tpu.memory_space<vmem>> -> memref<64xf32, #tpu.memory_space<vmem>>
            %dma_start3A_407 = arith.constant 0 : i32
            %dma_start3A_408 = tpu.memref_slice %arg3[%squeeze3A_393, %dma_start3A_407] : memref<1000000x64xf32, #tpu.memory_space<hbm>> -> memref<1x64xf32, #tpu.memory_space<hbm>>
            %dma_start3A_409 = tpu.memref_squeeze %dma_start3A_408 : memref<1x64xf32, #tpu.memory_space<hbm>> -> memref<64xf32, #tpu.memory_space<hbm>>
            tpu.enqueue_dma source(%dma_start3A_409 : memref<64xf32, #tpu.memory_space<hbm>>) target(%dma_start3A_406 : memref<64xf32, #tpu.memory_space<vmem>>) target_semaphore(%arg9 : memref<!tpu.dma_semaphore, #tpu.memory_space<semaphore_mem>>)
            %slice3A_410 = vector.extract_strided_slice %get3A_195 {offsets = [12], sizes = [1], strides = [1]} : vector<16xi32> to vector<1xi32>
            %squeeze3A_411 = vector.extract %slice3A_410[0] : i32 from vector<1xi32>
            %mul3A_412 = arith.constant 16 : i32
            %mul3A_413 = arith.muli %scan3A_190, %mul3A_412 : i32
            %add3A_414 = arith.constant 12 : i32
            %add3A_415 = arith.addi %mul3A_413, %add3A_414 : i32
            %dma_start3A_416 = arith.constant 0 : i32
            %dma_start3A_417 = tpu.memref_slice %arg7[%dma_start3A_416, %add3A_415] : memref<64x128xf32, #tpu.memory_space<vmem>> -> memref<64x1xf32, #tpu.memory_space<vmem>>
            %dma_start3A_418 = tpu.memref_squeeze %dma_start3A_417 : memref<64x1xf32, #tpu.memory_space<vmem>> -> memref<64xf32, #tpu.memory_space<vmem>>
            %dma_start3A_419 = arith.constant 0 : i32
            %dma_start3A_420 = tpu.memref_slice %arg3[%squeeze3A_411, %dma_start3A_419] : memref<1000000x64xf32, #tpu.memory_space<hbm>> -> memref<1x64xf32, #tpu.memory_space<hbm>>
            %dma_start3A_421 = tpu.memref_squeeze %dma_start3A_420 : memref<1x64xf32, #tpu.memory_space<hbm>> -> memref<64xf32, #tpu.memory_space<hbm>>
            %dma_start3A_422 = arith.constant 0 : i32
            %dma_start3A_423 = tpu.memref_slice %arg7[%dma_start3A_422, %add3A_415] : memref<64x128xf32, #tpu.memory_space<vmem>> -> memref<64x1xf32, #tpu.memory_space<vmem>>
            %dma_start3A_424 = tpu.memref_squeeze %dma_start3A_423 : memref<64x1xf32, #tpu.memory_space<vmem>> -> memref<64xf32, #tpu.memory_space<vmem>>
            %dma_start3A_425 = arith.constant 0 : i32
            %dma_start3A_426 = tpu.memref_slice %arg3[%squeeze3A_411, %dma_start3A_425] : memref<1000000x64xf32, #tpu.memory_space<hbm>> -> memref<1x64xf32, #tpu.memory_space<hbm>>
            %dma_start3A_427 = tpu.memref_squeeze %dma_start3A_426 : memref<1x64xf32, #tpu.memory_space<hbm>> -> memref<64xf32, #tpu.memory_space<hbm>>
            tpu.enqueue_dma source(%dma_start3A_427 : memref<64xf32, #tpu.memory_space<hbm>>) target(%dma_start3A_424 : memref<64xf32, #tpu.memory_space<vmem>>) target_semaphore(%arg9 : memref<!tpu.dma_semaphore, #tpu.memory_space<semaphore_mem>>)
            %slice3A_428 = vector.extract_strided_slice %get3A_195 {offsets = [13], sizes = [1], strides = [1]} : vector<16xi32> to vector<1xi32>
            %squeeze3A_429 = vector.extract %slice3A_428[0] : i32 from vector<1xi32>
            %mul3A_430 = arith.constant 16 : i32
            %mul3A_431 = arith.muli %scan3A_190, %mul3A_430 : i32
            %add3A_432 = arith.constant 13 : i32
            %add3A_433 = arith.addi %mul3A_431, %add3A_432 : i32
            %dma_start3A_434 = arith.constant 0 : i32
            %dma_start3A_435 = tpu.memref_slice %arg7[%dma_start3A_434, %add3A_433] : memref<64x128xf32, #tpu.memory_space<vmem>> -> memref<64x1xf32, #tpu.memory_space<vmem>>
            %dma_start3A_436 = tpu.memref_squeeze %dma_start3A_435 : memref<64x1xf32, #tpu.memory_space<vmem>> -> memref<64xf32, #tpu.memory_space<vmem>>
            %dma_start3A_437 = arith.constant 0 : i32
            %dma_start3A_438 = tpu.memref_slice %arg3[%squeeze3A_429, %dma_start3A_437] : memref<1000000x64xf32, #tpu.memory_space<hbm>> -> memref<1x64xf32, #tpu.memory_space<hbm>>
            %dma_start3A_439 = tpu.memref_squeeze %dma_start3A_438 : memref<1x64xf32, #tpu.memory_space<hbm>> -> memref<64xf32, #tpu.memory_space<hbm>>
            %dma_start3A_440 = arith.constant 0 : i32
            %dma_start3A_441 = tpu.memref_slice %arg7[%dma_start3A_440, %add3A_433] : memref<64x128xf32, #tpu.memory_space<vmem>> -> memref<64x1xf32, #tpu.memory_space<vmem>>
            %dma_start3A_442 = tpu.memref_squeeze %dma_start3A_441 : memref<64x1xf32, #tpu.memory_space<vmem>> -> memref<64xf32, #tpu.memory_space<vmem>>
            %dma_start3A_443 = arith.constant 0 : i32
            %dma_start3A_444 = tpu.memref_slice %arg3[%squeeze3A_429, %dma_start3A_443] : memref<1000000x64xf32, #tpu.memory_space<hbm>> -> memref<1x64xf32, #tpu.memory_space<hbm>>
            %dma_start3A_445 = tpu.memref_squeeze %dma_start3A_444 : memref<1x64xf32, #tpu.memory_space<hbm>> -> memref<64xf32, #tpu.memory_space<hbm>>
            tpu.enqueue_dma source(%dma_start3A_445 : memref<64xf32, #tpu.memory_space<hbm>>) target(%dma_start3A_442 : memref<64xf32, #tpu.memory_space<vmem>>) target_semaphore(%arg9 : memref<!tpu.dma_semaphore, #tpu.memory_space<semaphore_mem>>)
            %slice3A_446 = vector.extract_strided_slice %get3A_195 {offsets = [14], sizes = [1], strides = [1]} : vector<16xi32> to vector<1xi32>
            %squeeze3A_447 = vector.extract %slice3A_446[0] : i32 from vector<1xi32>
            %mul3A_448 = arith.constant 16 : i32
            %mul3A_449 = arith.muli %scan3A_190, %mul3A_448 : i32
            %add3A_450 = arith.constant 14 : i32
            %add3A_451 = arith.addi %mul3A_449, %add3A_450 : i32
            %dma_start3A_452 = arith.constant 0 : i32
            %dma_start3A_453 = tpu.memref_slice %arg7[%dma_start3A_452, %add3A_451] : memref<64x128xf32, #tpu.memory_space<vmem>> -> memref<64x1xf32, #tpu.memory_space<vmem>>
            %dma_start3A_454 = tpu.memref_squeeze %dma_start3A_453 : memref<64x1xf32, #tpu.memory_space<vmem>> -> memref<64xf32, #tpu.memory_space<vmem>>
            %dma_start3A_455 = arith.constant 0 : i32
            %dma_start3A_456 = tpu.memref_slice %arg3[%squeeze3A_447, %dma_start3A_455] : memref<1000000x64xf32, #tpu.memory_space<hbm>> -> memref<1x64xf32, #tpu.memory_space<hbm>>
            %dma_start3A_457 = tpu.memref_squeeze %dma_start3A_456 : memref<1x64xf32, #tpu.memory_space<hbm>> -> memref<64xf32, #tpu.memory_space<hbm>>
            %dma_start3A_458 = arith.constant 0 : i32
            %dma_start3A_459 = tpu.memref_slice %arg7[%dma_start3A_458, %add3A_451] : memref<64x128xf32, #tpu.memory_space<vmem>> -> memref<64x1xf32, #tpu.memory_space<vmem>>
            %dma_start3A_460 = tpu.memref_squeeze %dma_start3A_459 : memref<64x1xf32, #tpu.memory_space<vmem>> -> memref<64xf32, #tpu.memory_space<vmem>>
            %dma_start3A_461 = arith.constant 0 : i32
            %dma_start3A_462 = tpu.memref_slice %arg3[%squeeze3A_447, %dma_start3A_461] : memref<1000000x64xf32, #tpu.memory_space<hbm>> -> memref<1x64xf32, #tpu.memory_space<hbm>>
            %dma_start3A_463 = tpu.memref_squeeze %dma_start3A_462 : memref<1x64xf32, #tpu.memory_space<hbm>> -> memref<64xf32, #tpu.memory_space<hbm>>
            tpu.enqueue_dma source(%dma_start3A_463 : memref<64xf32, #tpu.memory_space<hbm>>) target(%dma_start3A_460 : memref<64xf32, #tpu.memory_space<vmem>>) target_semaphore(%arg9 : memref<!tpu.dma_semaphore, #tpu.memory_space<semaphore_mem>>)
            %slice3A_464 = vector.extract_strided_slice %get3A_195 {offsets = [15], sizes = [1], strides = [1]} : vector<16xi32> to vector<1xi32>
            %squeeze3A_465 = vector.extract %slice3A_464[0] : i32 from vector<1xi32>
            %mul3A_466 = arith.constant 16 : i32
            %mul3A_467 = arith.muli %scan3A_190, %mul3A_466 : i32
            %add3A_468 = arith.constant 15 : i32
            %add3A_469 = arith.addi %mul3A_467, %add3A_468 : i32
            %dma_start3A_470 = arith.constant 0 : i32
            %dma_start3A_471 = tpu.memref_slice %arg7[%dma_start3A_470, %add3A_469] : memref<64x128xf32, #tpu.memory_space<vmem>> -> memref<64x1xf32, #tpu.memory_space<vmem>>
            %dma_start3A_472 = tpu.memref_squeeze %dma_start3A_471 : memref<64x1xf32, #tpu.memory_space<vmem>> -> memref<64xf32, #tpu.memory_space<vmem>>
            %dma_start3A_473 = arith.constant 0 : i32
            %dma_start3A_474 = tpu.memref_slice %arg3[%squeeze3A_465, %dma_start3A_473] : memref<1000000x64xf32, #tpu.memory_space<hbm>> -> memref<1x64xf32, #tpu.memory_space<hbm>>
            %dma_start3A_475 = tpu.memref_squeeze %dma_start3A_474 : memref<1x64xf32, #tpu.memory_space<hbm>> -> memref<64xf32, #tpu.memory_space<hbm>>
            %dma_start3A_476 = arith.constant 0 : i32
            %dma_start3A_477 = tpu.memref_slice %arg7[%dma_start3A_476, %add3A_469] : memref<64x128xf32, #tpu.memory_space<vmem>> -> memref<64x1xf32, #tpu.memory_space<vmem>>
            %dma_start3A_478 = tpu.memref_squeeze %dma_start3A_477 : memref<64x1xf32, #tpu.memory_space<vmem>> -> memref<64xf32, #tpu.memory_space<vmem>>
            %dma_start3A_479 = arith.constant 0 : i32
            %dma_start3A_480 = tpu.memref_slice %arg3[%squeeze3A_465, %dma_start3A_479] : memref<1000000x64xf32, #tpu.memory_space<hbm>> -> memref<1x64xf32, #tpu.memory_space<hbm>>
            %dma_start3A_481 = tpu.memref_squeeze %dma_start3A_480 : memref<1x64xf32, #tpu.memory_space<hbm>> -> memref<64xf32, #tpu.memory_space<hbm>>
            tpu.enqueue_dma source(%dma_start3A_481 : memref<64xf32, #tpu.memory_space<hbm>>) target(%dma_start3A_478 : memref<64xf32, #tpu.memory_space<vmem>>) target_semaphore(%arg9 : memref<!tpu.dma_semaphore, #tpu.memory_space<semaphore_mem>>)
          }
          %scan3A_189 = arith.constant 8 : i32
        } else {
        }
        %dma_wait3A_44 = arith.constant 0 : i32
        %dma_wait3A_45 = arith.constant 0 : i32
        %dma_wait3A_46 = arith.constant 0 : i32
        %dma_wait3A_47 = tpu.memref_slice %arg2[%dma_wait3A_45, %dma_wait3A_44, %dma_wait3A_46] : memref<200x32x128xi32, #tpu.memory_space<hbm>> -> memref<64x1x128xi32, #tpu.memory_space<hbm>>
        %dma_wait3A_48 = tpu.memref_squeeze %dma_wait3A_47 : memref<64x1x128xi32, #tpu.memory_space<hbm>> -> memref<64x128xi32, #tpu.memory_space<hbm>>
        %dma_wait3A_49 = arith.constant 0 : i32
        %dma_wait3A_50 = arith.constant 0 : i32
        %dma_wait3A_51 = tpu.memref_slice %arg2[%dma_wait3A_49, %dma_wait3A_44, %dma_wait3A_50] : memref<200x32x128xi32, #tpu.memory_space<hbm>> -> memref<64x1x128xi32, #tpu.memory_space<hbm>>
        %dma_wait3A_52 = tpu.memref_squeeze %dma_wait3A_51 : memref<64x1x128xi32, #tpu.memory_space<hbm>> -> memref<64x128xi32, #tpu.memory_space<hbm>>
        tpu.wait_dma2 semaphore(%arg8 : memref<!tpu.dma_semaphore, #tpu.memory_space<semaphore_mem>>) src(%dma_wait3A_52 : memref<64x128xi32, #tpu.memory_space<hbm>>) dst(%arg6 : memref<64x128xf32, #tpu.memory_space<vmem>>)
        %scan3A_53 = arith.constant 0 : i32
        %scan3A_54 = arith.constant 0 : i32
        %scan3A_55 = arith.constant 64 : i32
        %scan3A_56 = arith.addi %scan3A_54, %scan3A_55 : i32
        %scan3A_57 = arith.constant 1 : i32
        scf.for %scan3A_178 = %scan3A_54 to %scan3A_56 step %scan3A_57  : i32 {
          %get3A = arith.index_cast %scan3A_178 : i32 to index
          %get3A_179 = arith.constant 0 : index
          %get3A_180 = tpu.vector_load %arg6[%get3A, %get3A_179] {strides = array<i32>} : memref<64x128xf32, #tpu.memory_space<vmem>>, vector<1x16xf32>,
          %get3A_181 = vector.shape_cast %get3A_180 : vector<1x16xf32> to vector<16xf32>
          %mul3A_182 = arith.constant 8.000000e+00 : f32
          %mul3A_183 = vector.broadcast %mul3A_182 : f32 to vector<16xf32>
          %mul3A_184 = arith.mulf %get3A_181, %mul3A_183 : vector<16xf32>
          %swap3A = arith.index_cast %scan3A_178 : i32 to index
          %swap3A_185 = arith.constant 0 : index
          %swap3A_186 = tpu.vector_load %arg6[%swap3A, %swap3A_185] {strides = array<i32>} : memref<64x128xf32, #tpu.memory_space<vmem>>, vector<1x16xf32>,
          %swap3A_187 = vector.shape_cast %swap3A_186 : vector<1x16xf32> to vector<16xf32>
          %swap3A_188 = vector.shape_cast %mul3A_184 : vector<16xf32> to vector<1x16xf32>
          tpu.vector_store %arg6[%swap3A, %swap3A_185], %swap3A_188 {strides = array<i32>} : memref<64x128xf32, #tpu.memory_space<vmem>>, vector<1x16xf32>,
          %get3A_189 = arith.index_cast %scan3A_178 : i32 to index
          %get3A_190 = arith.constant 16 : index
          %get3A_191 = tpu.vector_load %arg6[%get3A_189, %get3A_190] {strides = array<i32>} : memref<64x128xf32, #tpu.memory_space<vmem>>, vector<1x16xf32>,
          %get3A_192 = vector.shape_cast %get3A_191 : vector<1x16xf32> to vector<16xf32>
          %mul3A_193 = arith.constant 8.000000e+00 : f32
          %mul3A_194 = vector.broadcast %mul3A_193 : f32 to vector<16xf32>
          %mul3A_195 = arith.mulf %get3A_192, %mul3A_194 : vector<16xf32>
          %swap3A_196 = arith.index_cast %scan3A_178 : i32 to index
          %swap3A_197 = arith.constant 16 : index
          %swap3A_198 = tpu.vector_load %arg6[%swap3A_196, %swap3A_197] {strides = array<i32>} : memref<64x128xf32, #tpu.memory_space<vmem>>, vector<1x16xf32>,
          %swap3A_199 = vector.shape_cast %swap3A_198 : vector<1x16xf32> to vector<16xf32>
          %swap3A_200 = vector.shape_cast %mul3A_195 : vector<16xf32> to vector<1x16xf32>
          tpu.vector_store %arg6[%swap3A_196, %swap3A_197], %swap3A_200 {strides = array<i32>} : memref<64x128xf32, #tpu.memory_space<vmem>>, vector<1x16xf32>,
          %get3A_201 = arith.index_cast %scan3A_178 : i32 to index
          %get3A_202 = arith.constant 32 : index
          %get3A_203 = tpu.vector_load %arg6[%get3A_201, %get3A_202] {strides = array<i32>} : memref<64x128xf32, #tpu.memory_space<vmem>>, vector<1x16xf32>,
          %get3A_204 = vector.shape_cast %get3A_203 : vector<1x16xf32> to vector<16xf32>
          %mul3A_205 = arith.constant 8.000000e+00 : f32
          %mul3A_206 = vector.broadcast %mul3A_205 : f32 to vector<16xf32>
          %mul3A_207 = arith.mulf %get3A_204, %mul3A_206 : vector<16xf32>
          %swap3A_208 = arith.index_cast %scan3A_178 : i32 to index
          %swap3A_209 = arith.constant 32 : index
          %swap3A_210 = tpu.vector_load %arg6[%swap3A_208, %swap3A_209] {strides = array<i32>} : memref<64x128xf32, #tpu.memory_space<vmem>>, vector<1x16xf32>,
          %swap3A_211 = vector.shape_cast %swap3A_210 : vector<1x16xf32> to vector<16xf32>
          %swap3A_212 = vector.shape_cast %mul3A_207 : vector<16xf32> to vector<1x16xf32>
          tpu.vector_store %arg6[%swap3A_208, %swap3A_209], %swap3A_212 {strides = array<i32>} : memref<64x128xf32, #tpu.memory_space<vmem>>, vector<1x16xf32>,
          %get3A_213 = arith.index_cast %scan3A_178 : i32 to index
          %get3A_214 = arith.constant 48 : index
          %get3A_215 = tpu.vector_load %arg6[%get3A_213, %get3A_214] {strides = array<i32>} : memref<64x128xf32, #tpu.memory_space<vmem>>, vector<1x16xf32>,
          %get3A_216 = vector.shape_cast %get3A_215 : vector<1x16xf32> to vector<16xf32>
          %mul3A_217 = arith.constant 8.000000e+00 : f32
          %mul3A_218 = vector.broadcast %mul3A_217 : f32 to vector<16xf32>
          %mul3A_219 = arith.mulf %get3A_216, %mul3A_218 : vector<16xf32>
          %swap3A_220 = arith.index_cast %scan3A_178 : i32 to index
          %swap3A_221 = arith.constant 48 : index
          %swap3A_222 = tpu.vector_load %arg6[%swap3A_220, %swap3A_221] {strides = array<i32>} : memref<64x128xf32, #tpu.memory_space<vmem>>, vector<1x16xf32>,
          %swap3A_223 = vector.shape_cast %swap3A_222 : vector<1x16xf32> to vector<16xf32>
          %swap3A_224 = vector.shape_cast %mul3A_219 : vector<16xf32> to vector<1x16xf32>
          tpu.vector_store %arg6[%swap3A_220, %swap3A_221], %swap3A_224 {strides = array<i32>} : memref<64x128xf32, #tpu.memory_space<vmem>>, vector<1x16xf32>,
          %get3A_225 = arith.index_cast %scan3A_178 : i32 to index
          %get3A_226 = arith.constant 64 : index
          %get3A_227 = tpu.vector_load %arg6[%get3A_225, %get3A_226] {strides = array<i32>} : memref<64x128xf32, #tpu.memory_space<vmem>>, vector<1x16xf32>,
          %get3A_228 = vector.shape_cast %get3A_227 : vector<1x16xf32> to vector<16xf32>
          %mul3A_229 = arith.constant 8.000000e+00 : f32
          %mul3A_230 = vector.broadcast %mul3A_229 : f32 to vector<16xf32>
          %mul3A_231 = arith.mulf %get3A_228, %mul3A_230 : vector<16xf32>
          %swap3A_232 = arith.index_cast %scan3A_178 : i32 to index
          %swap3A_233 = arith.constant 64 : index
          %swap3A_234 = tpu.vector_load %arg6[%swap3A_232, %swap3A_233] {strides = array<i32>} : memref<64x128xf32, #tpu.memory_space<vmem>>, vector<1x16xf32>,
          %swap3A_235 = vector.shape_cast %swap3A_234 : vector<1x16xf32> to vector<16xf32>
          %swap3A_236 = vector.shape_cast %mul3A_231 : vector<16xf32> to vector<1x16xf32>
          tpu.vector_store %arg6[%swap3A_232, %swap3A_233], %swap3A_236 {strides = array<i32>} : memref<64x128xf32, #tpu.memory_space<vmem>>, vector<1x16xf32>,
          %get3A_237 = arith.index_cast %scan3A_178 : i32 to index
          %get3A_238 = arith.constant 80 : index
          %get3A_239 = tpu.vector_load %arg6[%get3A_237, %get3A_238] {strides = array<i32>} : memref<64x128xf32, #tpu.memory_space<vmem>>, vector<1x16xf32>,
          %get3A_240 = vector.shape_cast %get3A_239 : vector<1x16xf32> to vector<16xf32>
          %mul3A_241 = arith.constant 8.000000e+00 : f32
          %mul3A_242 = vector.broadcast %mul3A_241 : f32 to vector<16xf32>
          %mul3A_243 = arith.mulf %get3A_240, %mul3A_242 : vector<16xf32>
          %swap3A_244 = arith.index_cast %scan3A_178 : i32 to index
          %swap3A_245 = arith.constant 80 : index
          %swap3A_246 = tpu.vector_load %arg6[%swap3A_244, %swap3A_245] {strides = array<i32>} : memref<64x128xf32, #tpu.memory_space<vmem>>, vector<1x16xf32>,
          %swap3A_247 = vector.shape_cast %swap3A_246 : vector<1x16xf32> to vector<16xf32>
          %swap3A_248 = vector.shape_cast %mul3A_243 : vector<16xf32> to vector<1x16xf32>
          tpu.vector_store %arg6[%swap3A_244, %swap3A_245], %swap3A_248 {strides = array<i32>} : memref<64x128xf32, #tpu.memory_space<vmem>>, vector<1x16xf32>,
          %get3A_249 = arith.index_cast %scan3A_178 : i32 to index
          %get3A_250 = arith.constant 96 : index
          %get3A_251 = tpu.vector_load %arg6[%get3A_249, %get3A_250] {strides = array<i32>} : memref<64x128xf32, #tpu.memory_space<vmem>>, vector<1x16xf32>,
          %get3A_252 = vector.shape_cast %get3A_251 : vector<1x16xf32> to vector<16xf32>
          %mul3A_253 = arith.constant 8.000000e+00 : f32
          %mul3A_254 = vector.broadcast %mul3A_253 : f32 to vector<16xf32>
          %mul3A_255 = arith.mulf %get3A_252, %mul3A_254 : vector<16xf32>
          %swap3A_256 = arith.index_cast %scan3A_178 : i32 to index
          %swap3A_257 = arith.constant 96 : index
          %swap3A_258 = tpu.vector_load %arg6[%swap3A_256, %swap3A_257] {strides = array<i32>} : memref<64x128xf32, #tpu.memory_space<vmem>>, vector<1x16xf32>,
          %swap3A_259 = vector.shape_cast %swap3A_258 : vector<1x16xf32> to vector<16xf32>
          %swap3A_260 = vector.shape_cast %mul3A_255 : vector<16xf32> to vector<1x16xf32>
          tpu.vector_store %arg6[%swap3A_256, %swap3A_257], %swap3A_260 {strides = array<i32>} : memref<64x128xf32, #tpu.memory_space<vmem>>, vector<1x16xf32>,
          %get3A_261 = arith.index_cast %scan3A_178 : i32 to index
          %get3A_262 = arith.constant 112 : index
          %get3A_263 = tpu.vector_load %arg6[%get3A_261, %get3A_262] {strides = array<i32>} : memref<64x128xf32, #tpu.memory_space<vmem>>, vector<1x16xf32>,
          %get3A_264 = vector.shape_cast %get3A_263 : vector<1x16xf32> to vector<16xf32>
          %mul3A_265 = arith.constant 8.000000e+00 : f32
          %mul3A_266 = vector.broadcast %mul3A_265 : f32 to vector<16xf32>
          %mul3A_267 = arith.mulf %get3A_264, %mul3A_266 : vector<16xf32>
          %swap3A_268 = arith.index_cast %scan3A_178 : i32 to index
          %swap3A_269 = arith.constant 112 : index
          %swap3A_270 = tpu.vector_load %arg6[%swap3A_268, %swap3A_269] {strides = array<i32>} : memref<64x128xf32, #tpu.memory_space<vmem>>, vector<1x16xf32>,
          %swap3A_271 = vector.shape_cast %swap3A_270 : vector<1x16xf32> to vector<16xf32>
          %swap3A_272 = vector.shape_cast %mul3A_267 : vector<16xf32> to vector<1x16xf32>
          tpu.vector_store %arg6[%swap3A_268, %swap3A_269], %swap3A_272 {strides = array<i32>} : memref<64x128xf32, #tpu.memory_space<vmem>>, vector<1x16xf32>,
        }
        %scan3A_58 = arith.constant 64 : i32
        %dma_start3A = arith.constant 0 : i32
        %dma_start3A_59 = arith.constant 0 : i32
        %dma_start3A_60 = arith.constant 0 : i32
        %dma_start3A_61 = tpu.memref_slice %arg6[%dma_start3A_59, %dma_start3A_60] : memref<64x128xf32, #tpu.memory_space<vmem>> -> memref<8x128xf32, #tpu.memory_space<vmem>>
        %dma_start3A_62 = arith.constant 0 : i32
        %dma_start3A_63 = arith.constant 0 : i32
        %dma_start3A_64 = tpu.memref_slice %arg4[%scan3A_29, %dma_start3A, %add3A, %dma_start3A_62, %dma_start3A_63] : memref<200x8x32x8x128xf32, #tpu.memory_space<hbm>> -> memref<1x1x1x8x128xf32, #tpu.memory_space<hbm>>
        %dma_start3A_65 = tpu.memref_squeeze %dma_start3A_64 : memref<1x1x1x8x128xf32, #tpu.memory_space<hbm>> -> memref<8x128xf32, #tpu.memory_space<hbm>>
        %dma_start3A_66 = arith.constant 0 : i32
        %dma_start3A_67 = arith.constant 0 : i32
        %dma_start3A_68 = tpu.memref_slice %arg4[%scan3A_29, %dma_start3A, %add3A, %dma_start3A_66, %dma_start3A_67] : memref<200x8x32x8x128xf32, #tpu.memory_space<hbm>> -> memref<1x1x1x8x128xf32, #tpu.memory_space<hbm>>
        %dma_start3A_69 = tpu.memref_squeeze %dma_start3A_68 : memref<1x1x1x8x128xf32, #tpu.memory_space<hbm>> -> memref<8x128xf32, #tpu.memory_space<hbm>>
        %dma_start3A_70 = arith.constant 0 : i32
        %dma_start3A_71 = arith.constant 0 : i32
        %dma_start3A_72 = tpu.memref_slice %arg6[%dma_start3A_70, %dma_start3A_71] : memref<64x128xf32, #tpu.memory_space<vmem>> -> memref<8x128xf32, #tpu.memory_space<vmem>>
        tpu.enqueue_dma source(%dma_start3A_72 : memref<8x128xf32, #tpu.memory_space<vmem>>) target(%dma_start3A_69 : memref<8x128xf32, #tpu.memory_space<hbm>>) target_semaphore(%arg10 : memref<!tpu.dma_semaphore, #tpu.memory_space<semaphore_mem>>)
        %dma_start3A_73 = arith.constant 1 : i32
        %dma_start3A_74 = arith.constant 8 : i32
        %dma_start3A_75 = arith.constant 0 : i32
        %dma_start3A_76 = tpu.memref_slice %arg6[%dma_start3A_74, %dma_start3A_75] : memref<64x128xf32, #tpu.memory_space<vmem>> -> memref<8x128xf32, #tpu.memory_space<vmem>>
        %dma_start3A_77 = arith.constant 0 : i32
        %dma_start3A_78 = arith.constant 0 : i32
        %dma_start3A_79 = tpu.memref_slice %arg4[%scan3A_29, %dma_start3A_73, %add3A, %dma_start3A_77, %dma_start3A_78] : memref<200x8x32x8x128xf32, #tpu.memory_space<hbm>> -> memref<1x1x1x8x128xf32, #tpu.memory_space<hbm>>
        %dma_start3A_80 = tpu.memref_squeeze %dma_start3A_79 : memref<1x1x1x8x128xf32, #tpu.memory_space<hbm>> -> memref<8x128xf32, #tpu.memory_space<hbm>>
        %dma_start3A_81 = arith.constant 0 : i32
        %dma_start3A_82 = arith.constant 0 : i32
        %dma_start3A_83 = tpu.memref_slice %arg4[%scan3A_29, %dma_start3A_73, %add3A, %dma_start3A_81, %dma_start3A_82] : memref<200x8x32x8x128xf32, #tpu.memory_space<hbm>> -> memref<1x1x1x8x128xf32, #tpu.memory_space<hbm>>
        %dma_start3A_84 = tpu.memref_squeeze %dma_start3A_83 : memref<1x1x1x8x128xf32, #tpu.memory_space<hbm>> -> memref<8x128xf32, #tpu.memory_space<hbm>>
        %dma_start3A_85 = arith.constant 8 : i32
        %dma_start3A_86 = arith.constant 0 : i32
        %dma_start3A_87 = tpu.memref_slice %arg6[%dma_start3A_85, %dma_start3A_86] : memref<64x128xf32, #tpu.memory_space<vmem>> -> memref<8x128xf32, #tpu.memory_space<vmem>>
        tpu.enqueue_dma source(%dma_start3A_87 : memref<8x128xf32, #tpu.memory_space<vmem>>) target(%dma_start3A_84 : memref<8x128xf32, #tpu.memory_space<hbm>>) target_semaphore(%arg10 : memref<!tpu.dma_semaphore, #tpu.memory_space<semaphore_mem>>)
        %dma_start3A_88 = arith.constant 2 : i32
        %dma_start3A_89 = arith.constant 16 : i32
        %dma_start3A_90 = arith.constant 0 : i32
        %dma_start3A_91 = tpu.memref_slice %arg6[%dma_start3A_89, %dma_start3A_90] : memref<64x128xf32, #tpu.memory_space<vmem>> -> memref<8x128xf32, #tpu.memory_space<vmem>>
        %dma_start3A_92 = arith.constant 0 : i32
        %dma_start3A_93 = arith.constant 0 : i32
        %dma_start3A_94 = tpu.memref_slice %arg4[%scan3A_29, %dma_start3A_88, %add3A, %dma_start3A_92, %dma_start3A_93] : memref<200x8x32x8x128xf32, #tpu.memory_space<hbm>> -> memref<1x1x1x8x128xf32, #tpu.memory_space<hbm>>
        %dma_start3A_95 = tpu.memref_squeeze %dma_start3A_94 : memref<1x1x1x8x128xf32, #tpu.memory_space<hbm>> -> memref<8x128xf32, #tpu.memory_space<hbm>>
        %dma_start3A_96 = arith.constant 0 : i32
        %dma_start3A_97 = arith.constant 0 : i32
        %dma_start3A_98 = tpu.memref_slice %arg4[%scan3A_29, %dma_start3A_88, %add3A, %dma_start3A_96, %dma_start3A_97] : memref<200x8x32x8x128xf32, #tpu.memory_space<hbm>> -> memref<1x1x1x8x128xf32, #tpu.memory_space<hbm>>
        %dma_start3A_99 = tpu.memref_squeeze %dma_start3A_98 : memref<1x1x1x8x128xf32, #tpu.memory_space<hbm>> -> memref<8x128xf32, #tpu.memory_space<hbm>>
        %dma_start3A_100 = arith.constant 16 : i32
        %dma_start3A_101 = arith.constant 0 : i32
        %dma_start3A_102 = tpu.memref_slice %arg6[%dma_start3A_100, %dma_start3A_101] : memref<64x128xf32, #tpu.memory_space<vmem>> -> memref<8x128xf32, #tpu.memory_space<vmem>>
        tpu.enqueue_dma source(%dma_start3A_102 : memref<8x128xf32, #tpu.memory_space<vmem>>) target(%dma_start3A_99 : memref<8x128xf32, #tpu.memory_space<hbm>>) target_semaphore(%arg10 : memref<!tpu.dma_semaphore, #tpu.memory_space<semaphore_mem>>)
        %dma_start3A_103 = arith.constant 3 : i32
        %dma_start3A_104 = arith.constant 24 : i32
        %dma_start3A_105 = arith.constant 0 : i32
        %dma_start3A_106 = tpu.memref_slice %arg6[%dma_start3A_104, %dma_start3A_105] : memref<64x128xf32, #tpu.memory_space<vmem>> -> memref<8x128xf32, #tpu.memory_space<vmem>>
        %dma_start3A_107 = arith.constant 0 : i32
        %dma_start3A_108 = arith.constant 0 : i32
        %dma_start3A_109 = tpu.memref_slice %arg4[%scan3A_29, %dma_start3A_103, %add3A, %dma_start3A_107, %dma_start3A_108] : memref<200x8x32x8x128xf32, #tpu.memory_space<hbm>> -> memref<1x1x1x8x128xf32, #tpu.memory_space<hbm>>
        %dma_start3A_110 = tpu.memref_squeeze %dma_start3A_109 : memref<1x1x1x8x128xf32, #tpu.memory_space<hbm>> -> memref<8x128xf32, #tpu.memory_space<hbm>>
        %dma_start3A_111 = arith.constant 0 : i32
        %dma_start3A_112 = arith.constant 0 : i32
        %dma_start3A_113 = tpu.memref_slice %arg4[%scan3A_29, %dma_start3A_103, %add3A, %dma_start3A_111, %dma_start3A_112] : memref<200x8x32x8x128xf32, #tpu.memory_space<hbm>> -> memref<1x1x1x8x128xf32, #tpu.memory_space<hbm>>
        %dma_start3A_114 = tpu.memref_squeeze %dma_start3A_113 : memref<1x1x1x8x128xf32, #tpu.memory_space<hbm>> -> memref<8x128xf32, #tpu.memory_space<hbm>>
        %dma_start3A_115 = arith.constant 24 : i32
        %dma_start3A_116 = arith.constant 0 : i32
        %dma_start3A_117 = tpu.memref_slice %arg6[%dma_start3A_115, %dma_start3A_116] : memref<64x128xf32, #tpu.memory_space<vmem>> -> memref<8x128xf32, #tpu.memory_space<vmem>>
        tpu.enqueue_dma source(%dma_start3A_117 : memref<8x128xf32, #tpu.memory_space<vmem>>) target(%dma_start3A_114 : memref<8x128xf32, #tpu.memory_space<hbm>>) target_semaphore(%arg10 : memref<!tpu.dma_semaphore, #tpu.memory_space<semaphore_mem>>)
        %dma_start3A_118 = arith.constant 4 : i32
        %dma_start3A_119 = arith.constant 32 : i32
        %dma_start3A_120 = arith.constant 0 : i32
        %dma_start3A_121 = tpu.memref_slice %arg6[%dma_start3A_119, %dma_start3A_120] : memref<64x128xf32, #tpu.memory_space<vmem>> -> memref<8x128xf32, #tpu.memory_space<vmem>>
        %dma_start3A_122 = arith.constant 0 : i32
        %dma_start3A_123 = arith.constant 0 : i32
        %dma_start3A_124 = tpu.memref_slice %arg4[%scan3A_29, %dma_start3A_118, %add3A, %dma_start3A_122, %dma_start3A_123] : memref<200x8x32x8x128xf32, #tpu.memory_space<hbm>> -> memref<1x1x1x8x128xf32, #tpu.memory_space<hbm>>
        %dma_start3A_125 = tpu.memref_squeeze %dma_start3A_124 : memref<1x1x1x8x128xf32, #tpu.memory_space<hbm>> -> memref<8x128xf32, #tpu.memory_space<hbm>>
        %dma_start3A_126 = arith.constant 0 : i32
        %dma_start3A_127 = arith.constant 0 : i32
        %dma_start3A_128 = tpu.memref_slice %arg4[%scan3A_29, %dma_start3A_118, %add3A, %dma_start3A_126, %dma_start3A_127] : memref<200x8x32x8x128xf32, #tpu.memory_space<hbm>> -> memref<1x1x1x8x128xf32, #tpu.memory_space<hbm>>
        %dma_start3A_129 = tpu.memref_squeeze %dma_start3A_128 : memref<1x1x1x8x128xf32, #tpu.memory_space<hbm>> -> memref<8x128xf32, #tpu.memory_space<hbm>>
        %dma_start3A_130 = arith.constant 32 : i32
        %dma_start3A_131 = arith.constant 0 : i32
        %dma_start3A_132 = tpu.memref_slice %arg6[%dma_start3A_130, %dma_start3A_131] : memref<64x128xf32, #tpu.memory_space<vmem>> -> memref<8x128xf32, #tpu.memory_space<vmem>>
        tpu.enqueue_dma source(%dma_start3A_132 : memref<8x128xf32, #tpu.memory_space<vmem>>) target(%dma_start3A_129 : memref<8x128xf32, #tpu.memory_space<hbm>>) target_semaphore(%arg10 : memref<!tpu.dma_semaphore, #tpu.memory_space<semaphore_mem>>)
        %dma_start3A_133 = arith.constant 5 : i32
        %dma_start3A_134 = arith.constant 40 : i32
        %dma_start3A_135 = arith.constant 0 : i32
        %dma_start3A_136 = tpu.memref_slice %arg6[%dma_start3A_134, %dma_start3A_135] : memref<64x128xf32, #tpu.memory_space<vmem>> -> memref<8x128xf32, #tpu.memory_space<vmem>>
        %dma_start3A_137 = arith.constant 0 : i32
        %dma_start3A_138 = arith.constant 0 : i32
        %dma_start3A_139 = tpu.memref_slice %arg4[%scan3A_29, %dma_start3A_133, %add3A, %dma_start3A_137, %dma_start3A_138] : memref<200x8x32x8x128xf32, #tpu.memory_space<hbm>> -> memref<1x1x1x8x128xf32, #tpu.memory_space<hbm>>
        %dma_start3A_140 = tpu.memref_squeeze %dma_start3A_139 : memref<1x1x1x8x128xf32, #tpu.memory_space<hbm>> -> memref<8x128xf32, #tpu.memory_space<hbm>>
        %dma_start3A_141 = arith.constant 0 : i32
        %dma_start3A_142 = arith.constant 0 : i32
        %dma_start3A_143 = tpu.memref_slice %arg4[%scan3A_29, %dma_start3A_133, %add3A, %dma_start3A_141, %dma_start3A_142] : memref<200x8x32x8x128xf32, #tpu.memory_space<hbm>> -> memref<1x1x1x8x128xf32, #tpu.memory_space<hbm>>
        %dma_start3A_144 = tpu.memref_squeeze %dma_start3A_143 : memref<1x1x1x8x128xf32, #tpu.memory_space<hbm>> -> memref<8x128xf32, #tpu.memory_space<hbm>>
        %dma_start3A_145 = arith.constant 40 : i32
        %dma_start3A_146 = arith.constant 0 : i32
        %dma_start3A_147 = tpu.memref_slice %arg6[%dma_start3A_145, %dma_start3A_146] : memref<64x128xf32, #tpu.memory_space<vmem>> -> memref<8x128xf32, #tpu.memory_space<vmem>>
        tpu.enqueue_dma source(%dma_start3A_147 : memref<8x128xf32, #tpu.memory_space<vmem>>) target(%dma_start3A_144 : memref<8x128xf32, #tpu.memory_space<hbm>>) target_semaphore(%arg10 : memref<!tpu.dma_semaphore, #tpu.memory_space<semaphore_mem>>)
        %dma_start3A_148 = arith.constant 6 : i32
        %dma_start3A_149 = arith.constant 48 : i32
        %dma_start3A_150 = arith.constant 0 : i32
        %dma_start3A_151 = tpu.memref_slice %arg6[%dma_start3A_149, %dma_start3A_150] : memref<64x128xf32, #tpu.memory_space<vmem>> -> memref<8x128xf32, #tpu.memory_space<vmem>>
        %dma_start3A_152 = arith.constant 0 : i32
        %dma_start3A_153 = arith.constant 0 : i32
        %dma_start3A_154 = tpu.memref_slice %arg4[%scan3A_29, %dma_start3A_148, %add3A, %dma_start3A_152, %dma_start3A_153] : memref<200x8x32x8x128xf32, #tpu.memory_space<hbm>> -> memref<1x1x1x8x128xf32, #tpu.memory_space<hbm>>
        %dma_start3A_155 = tpu.memref_squeeze %dma_start3A_154 : memref<1x1x1x8x128xf32, #tpu.memory_space<hbm>> -> memref<8x128xf32, #tpu.memory_space<hbm>>
        %dma_start3A_156 = arith.constant 0 : i32
        %dma_start3A_157 = arith.constant 0 : i32
        %dma_start3A_158 = tpu.memref_slice %arg4[%scan3A_29, %dma_start3A_148, %add3A, %dma_start3A_156, %dma_start3A_157] : memref<200x8x32x8x128xf32, #tpu.memory_space<hbm>> -> memref<1x1x1x8x128xf32, #tpu.memory_space<hbm>>
        %dma_start3A_159 = tpu.memref_squeeze %dma_start3A_158 : memref<1x1x1x8x128xf32, #tpu.memory_space<hbm>> -> memref<8x128xf32, #tpu.memory_space<hbm>>
        %dma_start3A_160 = arith.constant 48 : i32
        %dma_start3A_161 = arith.constant 0 : i32
        %dma_start3A_162 = tpu.memref_slice %arg6[%dma_start3A_160, %dma_start3A_161] : memref<64x128xf32, #tpu.memory_space<vmem>> -> memref<8x128xf32, #tpu.memory_space<vmem>>
        tpu.enqueue_dma source(%dma_start3A_162 : memref<8x128xf32, #tpu.memory_space<vmem>>) target(%dma_start3A_159 : memref<8x128xf32, #tpu.memory_space<hbm>>) target_semaphore(%arg10 : memref<!tpu.dma_semaphore, #tpu.memory_space<semaphore_mem>>)
        %dma_start3A_163 = arith.constant 7 : i32
        %dma_start3A_164 = arith.constant 56 : i32
        %dma_start3A_165 = arith.constant 0 : i32
        %dma_start3A_166 = tpu.memref_slice %arg6[%dma_start3A_164, %dma_start3A_165] : memref<64x128xf32, #tpu.memory_space<vmem>> -> memref<8x128xf32, #tpu.memory_space<vmem>>
        %dma_start3A_167 = arith.constant 0 : i32
        %dma_start3A_168 = arith.constant 0 : i32
        %dma_start3A_169 = tpu.memref_slice %arg4[%scan3A_29, %dma_start3A_163, %add3A, %dma_start3A_167, %dma_start3A_168] : memref<200x8x32x8x128xf32, #tpu.memory_space<hbm>> -> memref<1x1x1x8x128xf32, #tpu.memory_space<hbm>>
        %dma_start3A_170 = tpu.memref_squeeze %dma_start3A_169 : memref<1x1x1x8x128xf32, #tpu.memory_space<hbm>> -> memref<8x128xf32, #tpu.memory_space<hbm>>
        %dma_start3A_171 = arith.constant 0 : i32
        %dma_start3A_172 = arith.constant 0 : i32
        %dma_start3A_173 = tpu.memref_slice %arg4[%scan3A_29, %dma_start3A_163, %add3A, %dma_start3A_171, %dma_start3A_172] : memref<200x8x32x8x128xf32, #tpu.memory_space<hbm>> -> memref<1x1x1x8x128xf32, #tpu.memory_space<hbm>>
        %dma_start3A_174 = tpu.memref_squeeze %dma_start3A_173 : memref<1x1x1x8x128xf32, #tpu.memory_space<hbm>> -> memref<8x128xf32, #tpu.memory_space<hbm>>
        %dma_start3A_175 = arith.constant 56 : i32
        %dma_start3A_176 = arith.constant 0 : i32
        %dma_start3A_177 = tpu.memref_slice %arg6[%dma_start3A_175, %dma_start3A_176] : memref<64x128xf32, #tpu.memory_space<vmem>> -> memref<8x128xf32, #tpu.memory_space<vmem>>
        tpu.enqueue_dma source(%dma_start3A_177 : memref<8x128xf32, #tpu.memory_space<vmem>>) target(%dma_start3A_174 : memref<8x128xf32, #tpu.memory_space<hbm>>) target_semaphore(%arg10 : memref<!tpu.dma_semaphore, #tpu.memory_space<semaphore_mem>>)
      } else {
      }
      %eq3A_33 = arith.constant 1 : i32
      %eq3A_34 = arith.cmpi eq, %rem3A_30, %eq3A_33 : i32
      %convert_element_type3A_35 = arith.extui %eq3A_34 : i1 to i32
      %cond3A_36 = arith.constant 0 : i32
      %cond3A_37 = arith.cmpi ne, %convert_element_type3A_35, %cond3A_36 : i32
      scf.if %cond3A_37 {
        %add3A_38 = arith.constant 1 : i32
        %add3A_39 = arith.addi %scan3A_29, %add3A_38 : i32
        %lt3A = arith.constant 200 : i32
        %lt3A_40 = arith.cmpi slt, %add3A_39, %lt3A : i32
        %convert_element_type3A_41 = arith.extui %lt3A_40 : i1 to i32
        %cond3A_42 = arith.constant 0 : i32
        %cond3A_43 = arith.cmpi ne, %convert_element_type3A_41, %cond3A_42 : i32
        scf.if %cond3A_43 {
          %dma_wait3A_178 = arith.constant 0 : i32
          %dma_wait3A_179 = arith.constant 0 : i32
          %dma_wait3A_180 = arith.constant 0 : i32
          %dma_wait3A_181 = tpu.memref_slice %arg2[%dma_wait3A_179, %dma_wait3A_178, %dma_wait3A_180] : memref<200x32x128xi32, #tpu.memory_space<hbm>> -> memref<64x1x128xi32, #tpu.memory_space<hbm>>
          %dma_wait3A_182 = tpu.memref_squeeze %dma_wait3A_181 : memref<64x1x128xi32, #tpu.memory_space<hbm>> -> memref<64x128xi32, #tpu.memory_space<hbm>>
          %dma_wait3A_183 = arith.constant 0 : i32
          %dma_wait3A_184 = arith.constant 0 : i32
          %dma_wait3A_185 = tpu.memref_slice %arg2[%dma_wait3A_183, %dma_wait3A_178, %dma_wait3A_184] : memref<200x32x128xi32, #tpu.memory_space<hbm>> -> memref<64x1x128xi32, #tpu.memory_space<hbm>>
          %dma_wait3A_186 = tpu.memref_squeeze %dma_wait3A_185 : memref<64x1x128xi32, #tpu.memory_space<hbm>> -> memref<64x128xi32, #tpu.memory_space<hbm>>
          tpu.wait_dma2 semaphore(%arg10 : memref<!tpu.dma_semaphore, #tpu.memory_space<semaphore_mem>>) src(%dma_wait3A_186 : memref<64x128xi32, #tpu.memory_space<hbm>>) dst(%arg6 : memref<64x128xf32, #tpu.memory_space<vmem>>)
          %add3A_187 = arith.constant 1 : i32
          %add3A_188 = arith.addi %scan3A_29, %add3A_187 : i32
          %scan3A_189 = arith.constant 0 : i32
          %scan3A_190 = arith.constant 0 : i32
          %scan3A_191 = arith.constant 8 : i32
          %scan3A_192 = arith.addi %scan3A_190, %scan3A_191 : i32
          %scan3A_193 = arith.constant 1 : i32
          scf.for %scan3A_195 = %scan3A_190 to %scan3A_192 step %scan3A_193  : i32 {
            %mul3A_196 = arith.constant 16 : i32
            %mul3A_197 = arith.muli %scan3A_195, %mul3A_196 : i32
            %get3A = arith.index_cast %add3A_188 : i32 to index
            %get3A_198 = arith.index_cast %mul3A_197 : i32 to index
            %get3A_199 = tpu.vector_load %arg5[%get3A, %get3A_198] {strides = array<i32>} : memref<200x128xi32, #tpu.memory_space<vmem>>, vector<1x16xi32>,
            %get3A_200 = vector.shape_cast %get3A_199 : vector<1x16xi32> to vector<16xi32>
            %slice3A = vector.extract_strided_slice %get3A_200 {offsets = [0], sizes = [1], strides = [1]} : vector<16xi32> to vector<1xi32>
            %squeeze3A = vector.extract %slice3A[0] : i32 from vector<1xi32>
            %mul3A_201 = arith.constant 16 : i32
            %mul3A_202 = arith.muli %scan3A_195, %mul3A_201 : i32
            %add3A_203 = arith.constant 0 : i32
            %add3A_204 = arith.addi %mul3A_202, %add3A_203 : i32
            %dma_start3A_205 = arith.constant 0 : i32
            %dma_start3A_206 = tpu.memref_slice %arg6[%dma_start3A_205, %add3A_204] : memref<64x128xf32, #tpu.memory_space<vmem>> -> memref<64x1xf32, #tpu.memory_space<vmem>>
            %dma_start3A_207 = tpu.memref_squeeze %dma_start3A_206 : memref<64x1xf32, #tpu.memory_space<vmem>> -> memref<64xf32, #tpu.memory_space<vmem>>
            %dma_start3A_208 = arith.constant 0 : i32
            %dma_start3A_209 = tpu.memref_slice %arg3[%squeeze3A, %dma_start3A_208] : memref<1000000x64xf32, #tpu.memory_space<hbm>> -> memref<1x64xf32, #tpu.memory_space<hbm>>
            %dma_start3A_210 = tpu.memref_squeeze %dma_start3A_209 : memref<1x64xf32, #tpu.memory_space<hbm>> -> memref<64xf32, #tpu.memory_space<hbm>>
            %dma_start3A_211 = arith.constant 0 : i32
            %dma_start3A_212 = tpu.memref_slice %arg6[%dma_start3A_211, %add3A_204] : memref<64x128xf32, #tpu.memory_space<vmem>> -> memref<64x1xf32, #tpu.memory_space<vmem>>
            %dma_start3A_213 = tpu.memref_squeeze %dma_start3A_212 : memref<64x1xf32, #tpu.memory_space<vmem>> -> memref<64xf32, #tpu.memory_space<vmem>>
            %dma_start3A_214 = arith.constant 0 : i32
            %dma_start3A_215 = tpu.memref_slice %arg3[%squeeze3A, %dma_start3A_214] : memref<1000000x64xf32, #tpu.memory_space<hbm>> -> memref<1x64xf32, #tpu.memory_space<hbm>>
            %dma_start3A_216 = tpu.memref_squeeze %dma_start3A_215 : memref<1x64xf32, #tpu.memory_space<hbm>> -> memref<64xf32, #tpu.memory_space<hbm>>
            tpu.enqueue_dma source(%dma_start3A_216 : memref<64xf32, #tpu.memory_space<hbm>>) target(%dma_start3A_213 : memref<64xf32, #tpu.memory_space<vmem>>) target_semaphore(%arg8 : memref<!tpu.dma_semaphore, #tpu.memory_space<semaphore_mem>>)
            %slice3A_217 = vector.extract_strided_slice %get3A_200 {offsets = [1], sizes = [1], strides = [1]} : vector<16xi32> to vector<1xi32>
            %squeeze3A_218 = vector.extract %slice3A_217[0] : i32 from vector<1xi32>
            %mul3A_219 = arith.constant 16 : i32
            %mul3A_220 = arith.muli %scan3A_195, %mul3A_219 : i32
            %add3A_221 = arith.constant 1 : i32
            %add3A_222 = arith.addi %mul3A_220, %add3A_221 : i32
            %dma_start3A_223 = arith.constant 0 : i32
            %dma_start3A_224 = tpu.memref_slice %arg6[%dma_start3A_223, %add3A_222] : memref<64x128xf32, #tpu.memory_space<vmem>> -> memref<64x1xf32, #tpu.memory_space<vmem>>
            %dma_start3A_225 = tpu.memref_squeeze %dma_start3A_224 : memref<64x1xf32, #tpu.memory_space<vmem>> -> memref<64xf32, #tpu.memory_space<vmem>>
            %dma_start3A_226 = arith.constant 0 : i32
            %dma_start3A_227 = tpu.memref_slice %arg3[%squeeze3A_218, %dma_start3A_226] : memref<1000000x64xf32, #tpu.memory_space<hbm>> -> memref<1x64xf32, #tpu.memory_space<hbm>>
            %dma_start3A_228 = tpu.memref_squeeze %dma_start3A_227 : memref<1x64xf32, #tpu.memory_space<hbm>> -> memref<64xf32, #tpu.memory_space<hbm>>
            %dma_start3A_229 = arith.constant 0 : i32
            %dma_start3A_230 = tpu.memref_slice %arg6[%dma_start3A_229, %add3A_222] : memref<64x128xf32, #tpu.memory_space<vmem>> -> memref<64x1xf32, #tpu.memory_space<vmem>>
            %dma_start3A_231 = tpu.memref_squeeze %dma_start3A_230 : memref<64x1xf32, #tpu.memory_space<vmem>> -> memref<64xf32, #tpu.memory_space<vmem>>
            %dma_start3A_232 = arith.constant 0 : i32
            %dma_start3A_233 = tpu.memref_slice %arg3[%squeeze3A_218, %dma_start3A_232] : memref<1000000x64xf32, #tpu.memory_space<hbm>> -> memref<1x64xf32, #tpu.memory_space<hbm>>
            %dma_start3A_234 = tpu.memref_squeeze %dma_start3A_233 : memref<1x64xf32, #tpu.memory_space<hbm>> -> memref<64xf32, #tpu.memory_space<hbm>>
            tpu.enqueue_dma source(%dma_start3A_234 : memref<64xf32, #tpu.memory_space<hbm>>) target(%dma_start3A_231 : memref<64xf32, #tpu.memory_space<vmem>>) target_semaphore(%arg8 : memref<!tpu.dma_semaphore, #tpu.memory_space<semaphore_mem>>)
            %slice3A_235 = vector.extract_strided_slice %get3A_200 {offsets = [2], sizes = [1], strides = [1]} : vector<16xi32> to vector<1xi32>
            %squeeze3A_236 = vector.extract %slice3A_235[0] : i32 from vector<1xi32>
            %mul3A_237 = arith.constant 16 : i32
            %mul3A_238 = arith.muli %scan3A_195, %mul3A_237 : i32
            %add3A_239 = arith.constant 2 : i32
            %add3A_240 = arith.addi %mul3A_238, %add3A_239 : i32
            %dma_start3A_241 = arith.constant 0 : i32
            %dma_start3A_242 = tpu.memref_slice %arg6[%dma_start3A_241, %add3A_240] : memref<64x128xf32, #tpu.memory_space<vmem>> -> memref<64x1xf32, #tpu.memory_space<vmem>>
            %dma_start3A_243 = tpu.memref_squeeze %dma_start3A_242 : memref<64x1xf32, #tpu.memory_space<vmem>> -> memref<64xf32, #tpu.memory_space<vmem>>
            %dma_start3A_244 = arith.constant 0 : i32
            %dma_start3A_245 = tpu.memref_slice %arg3[%squeeze3A_236, %dma_start3A_244] : memref<1000000x64xf32, #tpu.memory_space<hbm>> -> memref<1x64xf32, #tpu.memory_space<hbm>>
            %dma_start3A_246 = tpu.memref_squeeze %dma_start3A_245 : memref<1x64xf32, #tpu.memory_space<hbm>> -> memref<64xf32, #tpu.memory_space<hbm>>
            %dma_start3A_247 = arith.constant 0 : i32
            %dma_start3A_248 = tpu.memref_slice %arg6[%dma_start3A_247, %add3A_240] : memref<64x128xf32, #tpu.memory_space<vmem>> -> memref<64x1xf32, #tpu.memory_space<vmem>>
            %dma_start3A_249 = tpu.memref_squeeze %dma_start3A_248 : memref<64x1xf32, #tpu.memory_space<vmem>> -> memref<64xf32, #tpu.memory_space<vmem>>
            %dma_start3A_250 = arith.constant 0 : i32
            %dma_start3A_251 = tpu.memref_slice %arg3[%squeeze3A_236, %dma_start3A_250] : memref<1000000x64xf32, #tpu.memory_space<hbm>> -> memref<1x64xf32, #tpu.memory_space<hbm>>
            %dma_start3A_252 = tpu.memref_squeeze %dma_start3A_251 : memref<1x64xf32, #tpu.memory_space<hbm>> -> memref<64xf32, #tpu.memory_space<hbm>>
            tpu.enqueue_dma source(%dma_start3A_252 : memref<64xf32, #tpu.memory_space<hbm>>) target(%dma_start3A_249 : memref<64xf32, #tpu.memory_space<vmem>>) target_semaphore(%arg8 : memref<!tpu.dma_semaphore, #tpu.memory_space<semaphore_mem>>)
            %slice3A_253 = vector.extract_strided_slice %get3A_200 {offsets = [3], sizes = [1], strides = [1]} : vector<16xi32> to vector<1xi32>
            %squeeze3A_254 = vector.extract %slice3A_253[0] : i32 from vector<1xi32>
            %mul3A_255 = arith.constant 16 : i32
            %mul3A_256 = arith.muli %scan3A_195, %mul3A_255 : i32
            %add3A_257 = arith.constant 3 : i32
            %add3A_258 = arith.addi %mul3A_256, %add3A_257 : i32
            %dma_start3A_259 = arith.constant 0 : i32
            %dma_start3A_260 = tpu.memref_slice %arg6[%dma_start3A_259, %add3A_258] : memref<64x128xf32, #tpu.memory_space<vmem>> -> memref<64x1xf32, #tpu.memory_space<vmem>>
            %dma_start3A_261 = tpu.memref_squeeze %dma_start3A_260 : memref<64x1xf32, #tpu.memory_space<vmem>> -> memref<64xf32, #tpu.memory_space<vmem>>
            %dma_start3A_262 = arith.constant 0 : i32
            %dma_start3A_263 = tpu.memref_slice %arg3[%squeeze3A_254, %dma_start3A_262] : memref<1000000x64xf32, #tpu.memory_space<hbm>> -> memref<1x64xf32, #tpu.memory_space<hbm>>
            %dma_start3A_264 = tpu.memref_squeeze %dma_start3A_263 : memref<1x64xf32, #tpu.memory_space<hbm>> -> memref<64xf32, #tpu.memory_space<hbm>>
            %dma_start3A_265 = arith.constant 0 : i32
            %dma_start3A_266 = tpu.memref_slice %arg6[%dma_start3A_265, %add3A_258] : memref<64x128xf32, #tpu.memory_space<vmem>> -> memref<64x1xf32, #tpu.memory_space<vmem>>
            %dma_start3A_267 = tpu.memref_squeeze %dma_start3A_266 : memref<64x1xf32, #tpu.memory_space<vmem>> -> memref<64xf32, #tpu.memory_space<vmem>>
            %dma_start3A_268 = arith.constant 0 : i32
            %dma_start3A_269 = tpu.memref_slice %arg3[%squeeze3A_254, %dma_start3A_268] : memref<1000000x64xf32, #tpu.memory_space<hbm>> -> memref<1x64xf32, #tpu.memory_space<hbm>>
            %dma_start3A_270 = tpu.memref_squeeze %dma_start3A_269 : memref<1x64xf32, #tpu.memory_space<hbm>> -> memref<64xf32, #tpu.memory_space<hbm>>
            tpu.enqueue_dma source(%dma_start3A_270 : memref<64xf32, #tpu.memory_space<hbm>>) target(%dma_start3A_267 : memref<64xf32, #tpu.memory_space<vmem>>) target_semaphore(%arg8 : memref<!tpu.dma_semaphore, #tpu.memory_space<semaphore_mem>>)
            %slice3A_271 = vector.extract_strided_slice %get3A_200 {offsets = [4], sizes = [1], strides = [1]} : vector<16xi32> to vector<1xi32>
            %squeeze3A_272 = vector.extract %slice3A_271[0] : i32 from vector<1xi32>
            %mul3A_273 = arith.constant 16 : i32
            %mul3A_274 = arith.muli %scan3A_195, %mul3A_273 : i32
            %add3A_275 = arith.constant 4 : i32
            %add3A_276 = arith.addi %mul3A_274, %add3A_275 : i32
            %dma_start3A_277 = arith.constant 0 : i32
            %dma_start3A_278 = tpu.memref_slice %arg6[%dma_start3A_277, %add3A_276] : memref<64x128xf32, #tpu.memory_space<vmem>> -> memref<64x1xf32, #tpu.memory_space<vmem>>
            %dma_start3A_279 = tpu.memref_squeeze %dma_start3A_278 : memref<64x1xf32, #tpu.memory_space<vmem>> -> memref<64xf32, #tpu.memory_space<vmem>>
            %dma_start3A_280 = arith.constant 0 : i32
            %dma_start3A_281 = tpu.memref_slice %arg3[%squeeze3A_272, %dma_start3A_280] : memref<1000000x64xf32, #tpu.memory_space<hbm>> -> memref<1x64xf32, #tpu.memory_space<hbm>>
            %dma_start3A_282 = tpu.memref_squeeze %dma_start3A_281 : memref<1x64xf32, #tpu.memory_space<hbm>> -> memref<64xf32, #tpu.memory_space<hbm>>
            %dma_start3A_283 = arith.constant 0 : i32
            %dma_start3A_284 = tpu.memref_slice %arg6[%dma_start3A_283, %add3A_276] : memref<64x128xf32, #tpu.memory_space<vmem>> -> memref<64x1xf32, #tpu.memory_space<vmem>>
            %dma_start3A_285 = tpu.memref_squeeze %dma_start3A_284 : memref<64x1xf32, #tpu.memory_space<vmem>> -> memref<64xf32, #tpu.memory_space<vmem>>
            %dma_start3A_286 = arith.constant 0 : i32
            %dma_start3A_287 = tpu.memref_slice %arg3[%squeeze3A_272, %dma_start3A_286] : memref<1000000x64xf32, #tpu.memory_space<hbm>> -> memref<1x64xf32, #tpu.memory_space<hbm>>
            %dma_start3A_288 = tpu.memref_squeeze %dma_start3A_287 : memref<1x64xf32, #tpu.memory_space<hbm>> -> memref<64xf32, #tpu.memory_space<hbm>>
            tpu.enqueue_dma source(%dma_start3A_288 : memref<64xf32, #tpu.memory_space<hbm>>) target(%dma_start3A_285 : memref<64xf32, #tpu.memory_space<vmem>>) target_semaphore(%arg8 : memref<!tpu.dma_semaphore, #tpu.memory_space<semaphore_mem>>)
            %slice3A_289 = vector.extract_strided_slice %get3A_200 {offsets = [5], sizes = [1], strides = [1]} : vector<16xi32> to vector<1xi32>
            %squeeze3A_290 = vector.extract %slice3A_289[0] : i32 from vector<1xi32>
            %mul3A_291 = arith.constant 16 : i32
            %mul3A_292 = arith.muli %scan3A_195, %mul3A_291 : i32
            %add3A_293 = arith.constant 5 : i32
            %add3A_294 = arith.addi %mul3A_292, %add3A_293 : i32
            %dma_start3A_295 = arith.constant 0 : i32
            %dma_start3A_296 = tpu.memref_slice %arg6[%dma_start3A_295, %add3A_294] : memref<64x128xf32, #tpu.memory_space<vmem>> -> memref<64x1xf32, #tpu.memory_space<vmem>>
            %dma_start3A_297 = tpu.memref_squeeze %dma_start3A_296 : memref<64x1xf32, #tpu.memory_space<vmem>> -> memref<64xf32, #tpu.memory_space<vmem>>
            %dma_start3A_298 = arith.constant 0 : i32
            %dma_start3A_299 = tpu.memref_slice %arg3[%squeeze3A_290, %dma_start3A_298] : memref<1000000x64xf32, #tpu.memory_space<hbm>> -> memref<1x64xf32, #tpu.memory_space<hbm>>
            %dma_start3A_300 = tpu.memref_squeeze %dma_start3A_299 : memref<1x64xf32, #tpu.memory_space<hbm>> -> memref<64xf32, #tpu.memory_space<hbm>>
            %dma_start3A_301 = arith.constant 0 : i32
            %dma_start3A_302 = tpu.memref_slice %arg6[%dma_start3A_301, %add3A_294] : memref<64x128xf32, #tpu.memory_space<vmem>> -> memref<64x1xf32, #tpu.memory_space<vmem>>
            %dma_start3A_303 = tpu.memref_squeeze %dma_start3A_302 : memref<64x1xf32, #tpu.memory_space<vmem>> -> memref<64xf32, #tpu.memory_space<vmem>>
            %dma_start3A_304 = arith.constant 0 : i32
            %dma_start3A_305 = tpu.memref_slice %arg3[%squeeze3A_290, %dma_start3A_304] : memref<1000000x64xf32, #tpu.memory_space<hbm>> -> memref<1x64xf32, #tpu.memory_space<hbm>>
            %dma_start3A_306 = tpu.memref_squeeze %dma_start3A_305 : memref<1x64xf32, #tpu.memory_space<hbm>> -> memref<64xf32, #tpu.memory_space<hbm>>
            tpu.enqueue_dma source(%dma_start3A_306 : memref<64xf32, #tpu.memory_space<hbm>>) target(%dma_start3A_303 : memref<64xf32, #tpu.memory_space<vmem>>) target_semaphore(%arg8 : memref<!tpu.dma_semaphore, #tpu.memory_space<semaphore_mem>>)
            %slice3A_307 = vector.extract_strided_slice %get3A_200 {offsets = [6], sizes = [1], strides = [1]} : vector<16xi32> to vector<1xi32>
            %squeeze3A_308 = vector.extract %slice3A_307[0] : i32 from vector<1xi32>
            %mul3A_309 = arith.constant 16 : i32
            %mul3A_310 = arith.muli %scan3A_195, %mul3A_309 : i32
            %add3A_311 = arith.constant 6 : i32
            %add3A_312 = arith.addi %mul3A_310, %add3A_311 : i32
            %dma_start3A_313 = arith.constant 0 : i32
            %dma_start3A_314 = tpu.memref_slice %arg6[%dma_start3A_313, %add3A_312] : memref<64x128xf32, #tpu.memory_space<vmem>> -> memref<64x1xf32, #tpu.memory_space<vmem>>
            %dma_start3A_315 = tpu.memref_squeeze %dma_start3A_314 : memref<64x1xf32, #tpu.memory_space<vmem>> -> memref<64xf32, #tpu.memory_space<vmem>>
            %dma_start3A_316 = arith.constant 0 : i32
            %dma_start3A_317 = tpu.memref_slice %arg3[%squeeze3A_308, %dma_start3A_316] : memref<1000000x64xf32, #tpu.memory_space<hbm>> -> memref<1x64xf32, #tpu.memory_space<hbm>>
            %dma_start3A_318 = tpu.memref_squeeze %dma_start3A_317 : memref<1x64xf32, #tpu.memory_space<hbm>> -> memref<64xf32, #tpu.memory_space<hbm>>
            %dma_start3A_319 = arith.constant 0 : i32
            %dma_start3A_320 = tpu.memref_slice %arg6[%dma_start3A_319, %add3A_312] : memref<64x128xf32, #tpu.memory_space<vmem>> -> memref<64x1xf32, #tpu.memory_space<vmem>>
            %dma_start3A_321 = tpu.memref_squeeze %dma_start3A_320 : memref<64x1xf32, #tpu.memory_space<vmem>> -> memref<64xf32, #tpu.memory_space<vmem>>
            %dma_start3A_322 = arith.constant 0 : i32
            %dma_start3A_323 = tpu.memref_slice %arg3[%squeeze3A_308, %dma_start3A_322] : memref<1000000x64xf32, #tpu.memory_space<hbm>> -> memref<1x64xf32, #tpu.memory_space<hbm>>
            %dma_start3A_324 = tpu.memref_squeeze %dma_start3A_323 : memref<1x64xf32, #tpu.memory_space<hbm>> -> memref<64xf32, #tpu.memory_space<hbm>>
            tpu.enqueue_dma source(%dma_start3A_324 : memref<64xf32, #tpu.memory_space<hbm>>) target(%dma_start3A_321 : memref<64xf32, #tpu.memory_space<vmem>>) target_semaphore(%arg8 : memref<!tpu.dma_semaphore, #tpu.memory_space<semaphore_mem>>)
            %slice3A_325 = vector.extract_strided_slice %get3A_200 {offsets = [7], sizes = [1], strides = [1]} : vector<16xi32> to vector<1xi32>
            %squeeze3A_326 = vector.extract %slice3A_325[0] : i32 from vector<1xi32>
            %mul3A_327 = arith.constant 16 : i32
            %mul3A_328 = arith.muli %scan3A_195, %mul3A_327 : i32
            %add3A_329 = arith.constant 7 : i32
            %add3A_330 = arith.addi %mul3A_328, %add3A_329 : i32
            %dma_start3A_331 = arith.constant 0 : i32
            %dma_start3A_332 = tpu.memref_slice %arg6[%dma_start3A_331, %add3A_330] : memref<64x128xf32, #tpu.memory_space<vmem>> -> memref<64x1xf32, #tpu.memory_space<vmem>>
            %dma_start3A_333 = tpu.memref_squeeze %dma_start3A_332 : memref<64x1xf32, #tpu.memory_space<vmem>> -> memref<64xf32, #tpu.memory_space<vmem>>
            %dma_start3A_334 = arith.constant 0 : i32
            %dma_start3A_335 = tpu.memref_slice %arg3[%squeeze3A_326, %dma_start3A_334] : memref<1000000x64xf32, #tpu.memory_space<hbm>> -> memref<1x64xf32, #tpu.memory_space<hbm>>
            %dma_start3A_336 = tpu.memref_squeeze %dma_start3A_335 : memref<1x64xf32, #tpu.memory_space<hbm>> -> memref<64xf32, #tpu.memory_space<hbm>>
            %dma_start3A_337 = arith.constant 0 : i32
            %dma_start3A_338 = tpu.memref_slice %arg6[%dma_start3A_337, %add3A_330] : memref<64x128xf32, #tpu.memory_space<vmem>> -> memref<64x1xf32, #tpu.memory_space<vmem>>
            %dma_start3A_339 = tpu.memref_squeeze %dma_start3A_338 : memref<64x1xf32, #tpu.memory_space<vmem>> -> memref<64xf32, #tpu.memory_space<vmem>>
            %dma_start3A_340 = arith.constant 0 : i32
            %dma_start3A_341 = tpu.memref_slice %arg3[%squeeze3A_326, %dma_start3A_340] : memref<1000000x64xf32, #tpu.memory_space<hbm>> -> memref<1x64xf32, #tpu.memory_space<hbm>>
            %dma_start3A_342 = tpu.memref_squeeze %dma_start3A_341 : memref<1x64xf32, #tpu.memory_space<hbm>> -> memref<64xf32, #tpu.memory_space<hbm>>
            tpu.enqueue_dma source(%dma_start3A_342 : memref<64xf32, #tpu.memory_space<hbm>>) target(%dma_start3A_339 : memref<64xf32, #tpu.memory_space<vmem>>) target_semaphore(%arg8 : memref<!tpu.dma_semaphore, #tpu.memory_space<semaphore_mem>>)
            %slice3A_343 = vector.extract_strided_slice %get3A_200 {offsets = [8], sizes = [1], strides = [1]} : vector<16xi32> to vector<1xi32>
            %squeeze3A_344 = vector.extract %slice3A_343[0] : i32 from vector<1xi32>
            %mul3A_345 = arith.constant 16 : i32
            %mul3A_346 = arith.muli %scan3A_195, %mul3A_345 : i32
            %add3A_347 = arith.constant 8 : i32
            %add3A_348 = arith.addi %mul3A_346, %add3A_347 : i32
            %dma_start3A_349 = arith.constant 0 : i32
            %dma_start3A_350 = tpu.memref_slice %arg6[%dma_start3A_349, %add3A_348] : memref<64x128xf32, #tpu.memory_space<vmem>> -> memref<64x1xf32, #tpu.memory_space<vmem>>
            %dma_start3A_351 = tpu.memref_squeeze %dma_start3A_350 : memref<64x1xf32, #tpu.memory_space<vmem>> -> memref<64xf32, #tpu.memory_space<vmem>>
            %dma_start3A_352 = arith.constant 0 : i32
            %dma_start3A_353 = tpu.memref_slice %arg3[%squeeze3A_344, %dma_start3A_352] : memref<1000000x64xf32, #tpu.memory_space<hbm>> -> memref<1x64xf32, #tpu.memory_space<hbm>>
            %dma_start3A_354 = tpu.memref_squeeze %dma_start3A_353 : memref<1x64xf32, #tpu.memory_space<hbm>> -> memref<64xf32, #tpu.memory_space<hbm>>
            %dma_start3A_355 = arith.constant 0 : i32
            %dma_start3A_356 = tpu.memref_slice %arg6[%dma_start3A_355, %add3A_348] : memref<64x128xf32, #tpu.memory_space<vmem>> -> memref<64x1xf32, #tpu.memory_space<vmem>>
            %dma_start3A_357 = tpu.memref_squeeze %dma_start3A_356 : memref<64x1xf32, #tpu.memory_space<vmem>> -> memref<64xf32, #tpu.memory_space<vmem>>
            %dma_start3A_358 = arith.constant 0 : i32
            %dma_start3A_359 = tpu.memref_slice %arg3[%squeeze3A_344, %dma_start3A_358] : memref<1000000x64xf32, #tpu.memory_space<hbm>> -> memref<1x64xf32, #tpu.memory_space<hbm>>
            %dma_start3A_360 = tpu.memref_squeeze %dma_start3A_359 : memref<1x64xf32, #tpu.memory_space<hbm>> -> memref<64xf32, #tpu.memory_space<hbm>>
            tpu.enqueue_dma source(%dma_start3A_360 : memref<64xf32, #tpu.memory_space<hbm>>) target(%dma_start3A_357 : memref<64xf32, #tpu.memory_space<vmem>>) target_semaphore(%arg8 : memref<!tpu.dma_semaphore, #tpu.memory_space<semaphore_mem>>)
            %slice3A_361 = vector.extract_strided_slice %get3A_200 {offsets = [9], sizes = [1], strides = [1]} : vector<16xi32> to vector<1xi32>
            %squeeze3A_362 = vector.extract %slice3A_361[0] : i32 from vector<1xi32>
            %mul3A_363 = arith.constant 16 : i32
            %mul3A_364 = arith.muli %scan3A_195, %mul3A_363 : i32
            %add3A_365 = arith.constant 9 : i32
            %add3A_366 = arith.addi %mul3A_364, %add3A_365 : i32
            %dma_start3A_367 = arith.constant 0 : i32
            %dma_start3A_368 = tpu.memref_slice %arg6[%dma_start3A_367, %add3A_366] : memref<64x128xf32, #tpu.memory_space<vmem>> -> memref<64x1xf32, #tpu.memory_space<vmem>>
            %dma_start3A_369 = tpu.memref_squeeze %dma_start3A_368 : memref<64x1xf32, #tpu.memory_space<vmem>> -> memref<64xf32, #tpu.memory_space<vmem>>
            %dma_start3A_370 = arith.constant 0 : i32
            %dma_start3A_371 = tpu.memref_slice %arg3[%squeeze3A_362, %dma_start3A_370] : memref<1000000x64xf32, #tpu.memory_space<hbm>> -> memref<1x64xf32, #tpu.memory_space<hbm>>
            %dma_start3A_372 = tpu.memref_squeeze %dma_start3A_371 : memref<1x64xf32, #tpu.memory_space<hbm>> -> memref<64xf32, #tpu.memory_space<hbm>>
            %dma_start3A_373 = arith.constant 0 : i32
            %dma_start3A_374 = tpu.memref_slice %arg6[%dma_start3A_373, %add3A_366] : memref<64x128xf32, #tpu.memory_space<vmem>> -> memref<64x1xf32, #tpu.memory_space<vmem>>
            %dma_start3A_375 = tpu.memref_squeeze %dma_start3A_374 : memref<64x1xf32, #tpu.memory_space<vmem>> -> memref<64xf32, #tpu.memory_space<vmem>>
            %dma_start3A_376 = arith.constant 0 : i32
            %dma_start3A_377 = tpu.memref_slice %arg3[%squeeze3A_362, %dma_start3A_376] : memref<1000000x64xf32, #tpu.memory_space<hbm>> -> memref<1x64xf32, #tpu.memory_space<hbm>>
            %dma_start3A_378 = tpu.memref_squeeze %dma_start3A_377 : memref<1x64xf32, #tpu.memory_space<hbm>> -> memref<64xf32, #tpu.memory_space<hbm>>
            tpu.enqueue_dma source(%dma_start3A_378 : memref<64xf32, #tpu.memory_space<hbm>>) target(%dma_start3A_375 : memref<64xf32, #tpu.memory_space<vmem>>) target_semaphore(%arg8 : memref<!tpu.dma_semaphore, #tpu.memory_space<semaphore_mem>>)
            %slice3A_379 = vector.extract_strided_slice %get3A_200 {offsets = [10], sizes = [1], strides = [1]} : vector<16xi32> to vector<1xi32>
            %squeeze3A_380 = vector.extract %slice3A_379[0] : i32 from vector<1xi32>
            %mul3A_381 = arith.constant 16 : i32
            %mul3A_382 = arith.muli %scan3A_195, %mul3A_381 : i32
            %add3A_383 = arith.constant 10 : i32
            %add3A_384 = arith.addi %mul3A_382, %add3A_383 : i32
            %dma_start3A_385 = arith.constant 0 : i32
            %dma_start3A_386 = tpu.memref_slice %arg6[%dma_start3A_385, %add3A_384] : memref<64x128xf32, #tpu.memory_space<vmem>> -> memref<64x1xf32, #tpu.memory_space<vmem>>
            %dma_start3A_387 = tpu.memref_squeeze %dma_start3A_386 : memref<64x1xf32, #tpu.memory_space<vmem>> -> memref<64xf32, #tpu.memory_space<vmem>>
            %dma_start3A_388 = arith.constant 0 : i32
            %dma_start3A_389 = tpu.memref_slice %arg3[%squeeze3A_380, %dma_start3A_388] : memref<1000000x64xf32, #tpu.memory_space<hbm>> -> memref<1x64xf32, #tpu.memory_space<hbm>>
            %dma_start3A_390 = tpu.memref_squeeze %dma_start3A_389 : memref<1x64xf32, #tpu.memory_space<hbm>> -> memref<64xf32, #tpu.memory_space<hbm>>
            %dma_start3A_391 = arith.constant 0 : i32
            %dma_start3A_392 = tpu.memref_slice %arg6[%dma_start3A_391, %add3A_384] : memref<64x128xf32, #tpu.memory_space<vmem>> -> memref<64x1xf32, #tpu.memory_space<vmem>>
            %dma_start3A_393 = tpu.memref_squeeze %dma_start3A_392 : memref<64x1xf32, #tpu.memory_space<vmem>> -> memref<64xf32, #tpu.memory_space<vmem>>
            %dma_start3A_394 = arith.constant 0 : i32
            %dma_start3A_395 = tpu.memref_slice %arg3[%squeeze3A_380, %dma_start3A_394] : memref<1000000x64xf32, #tpu.memory_space<hbm>> -> memref<1x64xf32, #tpu.memory_space<hbm>>
            %dma_start3A_396 = tpu.memref_squeeze %dma_start3A_395 : memref<1x64xf32, #tpu.memory_space<hbm>> -> memref<64xf32, #tpu.memory_space<hbm>>
            tpu.enqueue_dma source(%dma_start3A_396 : memref<64xf32, #tpu.memory_space<hbm>>) target(%dma_start3A_393 : memref<64xf32, #tpu.memory_space<vmem>>) target_semaphore(%arg8 : memref<!tpu.dma_semaphore, #tpu.memory_space<semaphore_mem>>)
            %slice3A_397 = vector.extract_strided_slice %get3A_200 {offsets = [11], sizes = [1], strides = [1]} : vector<16xi32> to vector<1xi32>
            %squeeze3A_398 = vector.extract %slice3A_397[0] : i32 from vector<1xi32>
            %mul3A_399 = arith.constant 16 : i32
            %mul3A_400 = arith.muli %scan3A_195, %mul3A_399 : i32
            %add3A_401 = arith.constant 11 : i32
            %add3A_402 = arith.addi %mul3A_400, %add3A_401 : i32
            %dma_start3A_403 = arith.constant 0 : i32
            %dma_start3A_404 = tpu.memref_slice %arg6[%dma_start3A_403, %add3A_402] : memref<64x128xf32, #tpu.memory_space<vmem>> -> memref<64x1xf32, #tpu.memory_space<vmem>>
            %dma_start3A_405 = tpu.memref_squeeze %dma_start3A_404 : memref<64x1xf32, #tpu.memory_space<vmem>> -> memref<64xf32, #tpu.memory_space<vmem>>
            %dma_start3A_406 = arith.constant 0 : i32
            %dma_start3A_407 = tpu.memref_slice %arg3[%squeeze3A_398, %dma_start3A_406] : memref<1000000x64xf32, #tpu.memory_space<hbm>> -> memref<1x64xf32, #tpu.memory_space<hbm>>
            %dma_start3A_408 = tpu.memref_squeeze %dma_start3A_407 : memref<1x64xf32, #tpu.memory_space<hbm>> -> memref<64xf32, #tpu.memory_space<hbm>>
            %dma_start3A_409 = arith.constant 0 : i32
            %dma_start3A_410 = tpu.memref_slice %arg6[%dma_start3A_409, %add3A_402] : memref<64x128xf32, #tpu.memory_space<vmem>> -> memref<64x1xf32, #tpu.memory_space<vmem>>
            %dma_start3A_411 = tpu.memref_squeeze %dma_start3A_410 : memref<64x1xf32, #tpu.memory_space<vmem>> -> memref<64xf32, #tpu.memory_space<vmem>>
            %dma_start3A_412 = arith.constant 0 : i32
            %dma_start3A_413 = tpu.memref_slice %arg3[%squeeze3A_398, %dma_start3A_412] : memref<1000000x64xf32, #tpu.memory_space<hbm>> -> memref<1x64xf32, #tpu.memory_space<hbm>>
            %dma_start3A_414 = tpu.memref_squeeze %dma_start3A_413 : memref<1x64xf32, #tpu.memory_space<hbm>> -> memref<64xf32, #tpu.memory_space<hbm>>
            tpu.enqueue_dma source(%dma_start3A_414 : memref<64xf32, #tpu.memory_space<hbm>>) target(%dma_start3A_411 : memref<64xf32, #tpu.memory_space<vmem>>) target_semaphore(%arg8 : memref<!tpu.dma_semaphore, #tpu.memory_space<semaphore_mem>>)
            %slice3A_415 = vector.extract_strided_slice %get3A_200 {offsets = [12], sizes = [1], strides = [1]} : vector<16xi32> to vector<1xi32>
            %squeeze3A_416 = vector.extract %slice3A_415[0] : i32 from vector<1xi32>
            %mul3A_417 = arith.constant 16 : i32
            %mul3A_418 = arith.muli %scan3A_195, %mul3A_417 : i32
            %add3A_419 = arith.constant 12 : i32
            %add3A_420 = arith.addi %mul3A_418, %add3A_419 : i32
            %dma_start3A_421 = arith.constant 0 : i32
            %dma_start3A_422 = tpu.memref_slice %arg6[%dma_start3A_421, %add3A_420] : memref<64x128xf32, #tpu.memory_space<vmem>> -> memref<64x1xf32, #tpu.memory_space<vmem>>
            %dma_start3A_423 = tpu.memref_squeeze %dma_start3A_422 : memref<64x1xf32, #tpu.memory_space<vmem>> -> memref<64xf32, #tpu.memory_space<vmem>>
            %dma_start3A_424 = arith.constant 0 : i32
            %dma_start3A_425 = tpu.memref_slice %arg3[%squeeze3A_416, %dma_start3A_424] : memref<1000000x64xf32, #tpu.memory_space<hbm>> -> memref<1x64xf32, #tpu.memory_space<hbm>>
            %dma_start3A_426 = tpu.memref_squeeze %dma_start3A_425 : memref<1x64xf32, #tpu.memory_space<hbm>> -> memref<64xf32, #tpu.memory_space<hbm>>
            %dma_start3A_427 = arith.constant 0 : i32
            %dma_start3A_428 = tpu.memref_slice %arg6[%dma_start3A_427, %add3A_420] : memref<64x128xf32, #tpu.memory_space<vmem>> -> memref<64x1xf32, #tpu.memory_space<vmem>>
            %dma_start3A_429 = tpu.memref_squeeze %dma_start3A_428 : memref<64x1xf32, #tpu.memory_space<vmem>> -> memref<64xf32, #tpu.memory_space<vmem>>
            %dma_start3A_430 = arith.constant 0 : i32
            %dma_start3A_431 = tpu.memref_slice %arg3[%squeeze3A_416, %dma_start3A_430] : memref<1000000x64xf32, #tpu.memory_space<hbm>> -> memref<1x64xf32, #tpu.memory_space<hbm>>
            %dma_start3A_432 = tpu.memref_squeeze %dma_start3A_431 : memref<1x64xf32, #tpu.memory_space<hbm>> -> memref<64xf32, #tpu.memory_space<hbm>>
            tpu.enqueue_dma source(%dma_start3A_432 : memref<64xf32, #tpu.memory_space<hbm>>) target(%dma_start3A_429 : memref<64xf32, #tpu.memory_space<vmem>>) target_semaphore(%arg8 : memref<!tpu.dma_semaphore, #tpu.memory_space<semaphore_mem>>)
            %slice3A_433 = vector.extract_strided_slice %get3A_200 {offsets = [13], sizes = [1], strides = [1]} : vector<16xi32> to vector<1xi32>
            %squeeze3A_434 = vector.extract %slice3A_433[0] : i32 from vector<1xi32>
            %mul3A_435 = arith.constant 16 : i32
            %mul3A_436 = arith.muli %scan3A_195, %mul3A_435 : i32
            %add3A_437 = arith.constant 13 : i32
            %add3A_438 = arith.addi %mul3A_436, %add3A_437 : i32
            %dma_start3A_439 = arith.constant 0 : i32
            %dma_start3A_440 = tpu.memref_slice %arg6[%dma_start3A_439, %add3A_438] : memref<64x128xf32, #tpu.memory_space<vmem>> -> memref<64x1xf32, #tpu.memory_space<vmem>>
            %dma_start3A_441 = tpu.memref_squeeze %dma_start3A_440 : memref<64x1xf32, #tpu.memory_space<vmem>> -> memref<64xf32, #tpu.memory_space<vmem>>
            %dma_start3A_442 = arith.constant 0 : i32
            %dma_start3A_443 = tpu.memref_slice %arg3[%squeeze3A_434, %dma_start3A_442] : memref<1000000x64xf32, #tpu.memory_space<hbm>> -> memref<1x64xf32, #tpu.memory_space<hbm>>
            %dma_start3A_444 = tpu.memref_squeeze %dma_start3A_443 : memref<1x64xf32, #tpu.memory_space<hbm>> -> memref<64xf32, #tpu.memory_space<hbm>>
            %dma_start3A_445 = arith.constant 0 : i32
            %dma_start3A_446 = tpu.memref_slice %arg6[%dma_start3A_445, %add3A_438] : memref<64x128xf32, #tpu.memory_space<vmem>> -> memref<64x1xf32, #tpu.memory_space<vmem>>
            %dma_start3A_447 = tpu.memref_squeeze %dma_start3A_446 : memref<64x1xf32, #tpu.memory_space<vmem>> -> memref<64xf32, #tpu.memory_space<vmem>>
            %dma_start3A_448 = arith.constant 0 : i32
            %dma_start3A_449 = tpu.memref_slice %arg3[%squeeze3A_434, %dma_start3A_448] : memref<1000000x64xf32, #tpu.memory_space<hbm>> -> memref<1x64xf32, #tpu.memory_space<hbm>>
            %dma_start3A_450 = tpu.memref_squeeze %dma_start3A_449 : memref<1x64xf32, #tpu.memory_space<hbm>> -> memref<64xf32, #tpu.memory_space<hbm>>
            tpu.enqueue_dma source(%dma_start3A_450 : memref<64xf32, #tpu.memory_space<hbm>>) target(%dma_start3A_447 : memref<64xf32, #tpu.memory_space<vmem>>) target_semaphore(%arg8 : memref<!tpu.dma_semaphore, #tpu.memory_space<semaphore_mem>>)
            %slice3A_451 = vector.extract_strided_slice %get3A_200 {offsets = [14], sizes = [1], strides = [1]} : vector<16xi32> to vector<1xi32>
            %squeeze3A_452 = vector.extract %slice3A_451[0] : i32 from vector<1xi32>
            %mul3A_453 = arith.constant 16 : i32
            %mul3A_454 = arith.muli %scan3A_195, %mul3A_453 : i32
            %add3A_455 = arith.constant 14 : i32
            %add3A_456 = arith.addi %mul3A_454, %add3A_455 : i32
            %dma_start3A_457 = arith.constant 0 : i32
            %dma_start3A_458 = tpu.memref_slice %arg6[%dma_start3A_457, %add3A_456] : memref<64x128xf32, #tpu.memory_space<vmem>> -> memref<64x1xf32, #tpu.memory_space<vmem>>
            %dma_start3A_459 = tpu.memref_squeeze %dma_start3A_458 : memref<64x1xf32, #tpu.memory_space<vmem>> -> memref<64xf32, #tpu.memory_space<vmem>>
            %dma_start3A_460 = arith.constant 0 : i32
            %dma_start3A_461 = tpu.memref_slice %arg3[%squeeze3A_452, %dma_start3A_460] : memref<1000000x64xf32, #tpu.memory_space<hbm>> -> memref<1x64xf32, #tpu.memory_space<hbm>>
            %dma_start3A_462 = tpu.memref_squeeze %dma_start3A_461 : memref<1x64xf32, #tpu.memory_space<hbm>> -> memref<64xf32, #tpu.memory_space<hbm>>
            %dma_start3A_463 = arith.constant 0 : i32
            %dma_start3A_464 = tpu.memref_slice %arg6[%dma_start3A_463, %add3A_456] : memref<64x128xf32, #tpu.memory_space<vmem>> -> memref<64x1xf32, #tpu.memory_space<vmem>>
            %dma_start3A_465 = tpu.memref_squeeze %dma_start3A_464 : memref<64x1xf32, #tpu.memory_space<vmem>> -> memref<64xf32, #tpu.memory_space<vmem>>
            %dma_start3A_466 = arith.constant 0 : i32
            %dma_start3A_467 = tpu.memref_slice %arg3[%squeeze3A_452, %dma_start3A_466] : memref<1000000x64xf32, #tpu.memory_space<hbm>> -> memref<1x64xf32, #tpu.memory_space<hbm>>
            %dma_start3A_468 = tpu.memref_squeeze %dma_start3A_467 : memref<1x64xf32, #tpu.memory_space<hbm>> -> memref<64xf32, #tpu.memory_space<hbm>>
            tpu.enqueue_dma source(%dma_start3A_468 : memref<64xf32, #tpu.memory_space<hbm>>) target(%dma_start3A_465 : memref<64xf32, #tpu.memory_space<vmem>>) target_semaphore(%arg8 : memref<!tpu.dma_semaphore, #tpu.memory_space<semaphore_mem>>)
            %slice3A_469 = vector.extract_strided_slice %get3A_200 {offsets = [15], sizes = [1], strides = [1]} : vector<16xi32> to vector<1xi32>
            %squeeze3A_470 = vector.extract %slice3A_469[0] : i32 from vector<1xi32>
            %mul3A_471 = arith.constant 16 : i32
            %mul3A_472 = arith.muli %scan3A_195, %mul3A_471 : i32
            %add3A_473 = arith.constant 15 : i32
            %add3A_474 = arith.addi %mul3A_472, %add3A_473 : i32
            %dma_start3A_475 = arith.constant 0 : i32
            %dma_start3A_476 = tpu.memref_slice %arg6[%dma_start3A_475, %add3A_474] : memref<64x128xf32, #tpu.memory_space<vmem>> -> memref<64x1xf32, #tpu.memory_space<vmem>>
            %dma_start3A_477 = tpu.memref_squeeze %dma_start3A_476 : memref<64x1xf32, #tpu.memory_space<vmem>> -> memref<64xf32, #tpu.memory_space<vmem>>
            %dma_start3A_478 = arith.constant 0 : i32
            %dma_start3A_479 = tpu.memref_slice %arg3[%squeeze3A_470, %dma_start3A_478] : memref<1000000x64xf32, #tpu.memory_space<hbm>> -> memref<1x64xf32, #tpu.memory_space<hbm>>
            %dma_start3A_480 = tpu.memref_squeeze %dma_start3A_479 : memref<1x64xf32, #tpu.memory_space<hbm>> -> memref<64xf32, #tpu.memory_space<hbm>>
            %dma_start3A_481 = arith.constant 0 : i32
            %dma_start3A_482 = tpu.memref_slice %arg6[%dma_start3A_481, %add3A_474] : memref<64x128xf32, #tpu.memory_space<vmem>> -> memref<64x1xf32, #tpu.memory_space<vmem>>
            %dma_start3A_483 = tpu.memref_squeeze %dma_start3A_482 : memref<64x1xf32, #tpu.memory_space<vmem>> -> memref<64xf32, #tpu.memory_space<vmem>>
            %dma_start3A_484 = arith.constant 0 : i32
            %dma_start3A_485 = tpu.memref_slice %arg3[%squeeze3A_470, %dma_start3A_484] : memref<1000000x64xf32, #tpu.memory_space<hbm>> -> memref<1x64xf32, #tpu.memory_space<hbm>>
            %dma_start3A_486 = tpu.memref_squeeze %dma_start3A_485 : memref<1x64xf32, #tpu.memory_space<hbm>> -> memref<64xf32, #tpu.memory_space<hbm>>
            tpu.enqueue_dma source(%dma_start3A_486 : memref<64xf32, #tpu.memory_space<hbm>>) target(%dma_start3A_483 : memref<64xf32, #tpu.memory_space<vmem>>) target_semaphore(%arg8 : memref<!tpu.dma_semaphore, #tpu.memory_space<semaphore_mem>>)
          }
          %scan3A_194 = arith.constant 8 : i32
        } else {
        }
        %dma_wait3A_44 = arith.constant 0 : i32
        %dma_wait3A_45 = arith.constant 0 : i32
        %dma_wait3A_46 = arith.constant 0 : i32
        %dma_wait3A_47 = tpu.memref_slice %arg2[%dma_wait3A_45, %dma_wait3A_44, %dma_wait3A_46] : memref<200x32x128xi32, #tpu.memory_space<hbm>> -> memref<64x1x128xi32, #tpu.memory_space<hbm>>
        %dma_wait3A_48 = tpu.memref_squeeze %dma_wait3A_47 : memref<64x1x128xi32, #tpu.memory_space<hbm>> -> memref<64x128xi32, #tpu.memory_space<hbm>>
        %dma_wait3A_49 = arith.constant 0 : i32
        %dma_wait3A_50 = arith.constant 0 : i32
        %dma_wait3A_51 = tpu.memref_slice %arg2[%dma_wait3A_49, %dma_wait3A_44, %dma_wait3A_50] : memref<200x32x128xi32, #tpu.memory_space<hbm>> -> memref<64x1x128xi32, #tpu.memory_space<hbm>>
        %dma_wait3A_52 = tpu.memref_squeeze %dma_wait3A_51 : memref<64x1x128xi32, #tpu.memory_space<hbm>> -> memref<64x128xi32, #tpu.memory_space<hbm>>
        tpu.wait_dma2 semaphore(%arg9 : memref<!tpu.dma_semaphore, #tpu.memory_space<semaphore_mem>>) src(%dma_wait3A_52 : memref<64x128xi32, #tpu.memory_space<hbm>>) dst(%arg7 : memref<64x128xf32, #tpu.memory_space<vmem>>)
        %scan3A_53 = arith.constant 0 : i32
        %scan3A_54 = arith.constant 0 : i32
        %scan3A_55 = arith.constant 64 : i32
        %scan3A_56 = arith.addi %scan3A_54, %scan3A_55 : i32
        %scan3A_57 = arith.constant 1 : i32
        scf.for %scan3A_178 = %scan3A_54 to %scan3A_56 step %scan3A_57  : i32 {
          %get3A = arith.index_cast %scan3A_178 : i32 to index
          %get3A_179 = arith.constant 0 : index
          %get3A_180 = tpu.vector_load %arg7[%get3A, %get3A_179] {strides = array<i32>} : memref<64x128xf32, #tpu.memory_space<vmem>>, vector<1x16xf32>,
          %get3A_181 = vector.shape_cast %get3A_180 : vector<1x16xf32> to vector<16xf32>
          %mul3A_182 = arith.constant 8.000000e+00 : f32
          %mul3A_183 = vector.broadcast %mul3A_182 : f32 to vector<16xf32>
          %mul3A_184 = arith.mulf %get3A_181, %mul3A_183 : vector<16xf32>
          %swap3A = arith.index_cast %scan3A_178 : i32 to index
          %swap3A_185 = arith.constant 0 : index
          %swap3A_186 = tpu.vector_load %arg7[%swap3A, %swap3A_185] {strides = array<i32>} : memref<64x128xf32, #tpu.memory_space<vmem>>, vector<1x16xf32>,
          %swap3A_187 = vector.shape_cast %swap3A_186 : vector<1x16xf32> to vector<16xf32>
          %swap3A_188 = vector.shape_cast %mul3A_184 : vector<16xf32> to vector<1x16xf32>
          tpu.vector_store %arg7[%swap3A, %swap3A_185], %swap3A_188 {strides = array<i32>} : memref<64x128xf32, #tpu.memory_space<vmem>>, vector<1x16xf32>,
          %get3A_189 = arith.index_cast %scan3A_178 : i32 to index
          %get3A_190 = arith.constant 16 : index
          %get3A_191 = tpu.vector_load %arg7[%get3A_189, %get3A_190] {strides = array<i32>} : memref<64x128xf32, #tpu.memory_space<vmem>>, vector<1x16xf32>,
          %get3A_192 = vector.shape_cast %get3A_191 : vector<1x16xf32> to vector<16xf32>
          %mul3A_193 = arith.constant 8.000000e+00 : f32
          %mul3A_194 = vector.broadcast %mul3A_193 : f32 to vector<16xf32>
          %mul3A_195 = arith.mulf %get3A_192, %mul3A_194 : vector<16xf32>
          %swap3A_196 = arith.index_cast %scan3A_178 : i32 to index
          %swap3A_197 = arith.constant 16 : index
          %swap3A_198 = tpu.vector_load %arg7[%swap3A_196, %swap3A_197] {strides = array<i32>} : memref<64x128xf32, #tpu.memory_space<vmem>>, vector<1x16xf32>,
          %swap3A_199 = vector.shape_cast %swap3A_198 : vector<1x16xf32> to vector<16xf32>
          %swap3A_200 = vector.shape_cast %mul3A_195 : vector<16xf32> to vector<1x16xf32>
          tpu.vector_store %arg7[%swap3A_196, %swap3A_197], %swap3A_200 {strides = array<i32>} : memref<64x128xf32, #tpu.memory_space<vmem>>, vector<1x16xf32>,
          %get3A_201 = arith.index_cast %scan3A_178 : i32 to index
          %get3A_202 = arith.constant 32 : index
          %get3A_203 = tpu.vector_load %arg7[%get3A_201, %get3A_202] {strides = array<i32>} : memref<64x128xf32, #tpu.memory_space<vmem>>, vector<1x16xf32>,
          %get3A_204 = vector.shape_cast %get3A_203 : vector<1x16xf32> to vector<16xf32>
          %mul3A_205 = arith.constant 8.000000e+00 : f32
          %mul3A_206 = vector.broadcast %mul3A_205 : f32 to vector<16xf32>
          %mul3A_207 = arith.mulf %get3A_204, %mul3A_206 : vector<16xf32>
          %swap3A_208 = arith.index_cast %scan3A_178 : i32 to index
          %swap3A_209 = arith.constant 32 : index
          %swap3A_210 = tpu.vector_load %arg7[%swap3A_208, %swap3A_209] {strides = array<i32>} : memref<64x128xf32, #tpu.memory_space<vmem>>, vector<1x16xf32>,
          %swap3A_211 = vector.shape_cast %swap3A_210 : vector<1x16xf32> to vector<16xf32>
          %swap3A_212 = vector.shape_cast %mul3A_207 : vector<16xf32> to vector<1x16xf32>
          tpu.vector_store %arg7[%swap3A_208, %swap3A_209], %swap3A_212 {strides = array<i32>} : memref<64x128xf32, #tpu.memory_space<vmem>>, vector<1x16xf32>,
          %get3A_213 = arith.index_cast %scan3A_178 : i32 to index
          %get3A_214 = arith.constant 48 : index
          %get3A_215 = tpu.vector_load %arg7[%get3A_213, %get3A_214] {strides = array<i32>} : memref<64x128xf32, #tpu.memory_space<vmem>>, vector<1x16xf32>,
          %get3A_216 = vector.shape_cast %get3A_215 : vector<1x16xf32> to vector<16xf32>
          %mul3A_217 = arith.constant 8.000000e+00 : f32
          %mul3A_218 = vector.broadcast %mul3A_217 : f32 to vector<16xf32>
          %mul3A_219 = arith.mulf %get3A_216, %mul3A_218 : vector<16xf32>
          %swap3A_220 = arith.index_cast %scan3A_178 : i32 to index
          %swap3A_221 = arith.constant 48 : index
          %swap3A_222 = tpu.vector_load %arg7[%swap3A_220, %swap3A_221] {strides = array<i32>} : memref<64x128xf32, #tpu.memory_space<vmem>>, vector<1x16xf32>,
          %swap3A_223 = vector.shape_cast %swap3A_222 : vector<1x16xf32> to vector<16xf32>
          %swap3A_224 = vector.shape_cast %mul3A_219 : vector<16xf32> to vector<1x16xf32>
          tpu.vector_store %arg7[%swap3A_220, %swap3A_221], %swap3A_224 {strides = array<i32>} : memref<64x128xf32, #tpu.memory_space<vmem>>, vector<1x16xf32>,
          %get3A_225 = arith.index_cast %scan3A_178 : i32 to index
          %get3A_226 = arith.constant 64 : index
          %get3A_227 = tpu.vector_load %arg7[%get3A_225, %get3A_226] {strides = array<i32>} : memref<64x128xf32, #tpu.memory_space<vmem>>, vector<1x16xf32>,
          %get3A_228 = vector.shape_cast %get3A_227 : vector<1x16xf32> to vector<16xf32>
          %mul3A_229 = arith.constant 8.000000e+00 : f32
          %mul3A_230 = vector.broadcast %mul3A_229 : f32 to vector<16xf32>
          %mul3A_231 = arith.mulf %get3A_228, %mul3A_230 : vector<16xf32>
          %swap3A_232 = arith.index_cast %scan3A_178 : i32 to index
          %swap3A_233 = arith.constant 64 : index
          %swap3A_234 = tpu.vector_load %arg7[%swap3A_232, %swap3A_233] {strides = array<i32>} : memref<64x128xf32, #tpu.memory_space<vmem>>, vector<1x16xf32>,
          %swap3A_235 = vector.shape_cast %swap3A_234 : vector<1x16xf32> to vector<16xf32>
          %swap3A_236 = vector.shape_cast %mul3A_231 : vector<16xf32> to vector<1x16xf32>
          tpu.vector_store %arg7[%swap3A_232, %swap3A_233], %swap3A_236 {strides = array<i32>} : memref<64x128xf32, #tpu.memory_space<vmem>>, vector<1x16xf32>,
          %get3A_237 = arith.index_cast %scan3A_178 : i32 to index
          %get3A_238 = arith.constant 80 : index
          %get3A_239 = tpu.vector_load %arg7[%get3A_237, %get3A_238] {strides = array<i32>} : memref<64x128xf32, #tpu.memory_space<vmem>>, vector<1x16xf32>,
          %get3A_240 = vector.shape_cast %get3A_239 : vector<1x16xf32> to vector<16xf32>
          %mul3A_241 = arith.constant 8.000000e+00 : f32
          %mul3A_242 = vector.broadcast %mul3A_241 : f32 to vector<16xf32>
          %mul3A_243 = arith.mulf %get3A_240, %mul3A_242 : vector<16xf32>
          %swap3A_244 = arith.index_cast %scan3A_178 : i32 to index
          %swap3A_245 = arith.constant 80 : index
          %swap3A_246 = tpu.vector_load %arg7[%swap3A_244, %swap3A_245] {strides = array<i32>} : memref<64x128xf32, #tpu.memory_space<vmem>>, vector<1x16xf32>,
          %swap3A_247 = vector.shape_cast %swap3A_246 : vector<1x16xf32> to vector<16xf32>
          %swap3A_248 = vector.shape_cast %mul3A_243 : vector<16xf32> to vector<1x16xf32>
          tpu.vector_store %arg7[%swap3A_244, %swap3A_245], %swap3A_248 {strides = array<i32>} : memref<64x128xf32, #tpu.memory_space<vmem>>, vector<1x16xf32>,
          %get3A_249 = arith.index_cast %scan3A_178 : i32 to index
          %get3A_250 = arith.constant 96 : index
          %get3A_251 = tpu.vector_load %arg7[%get3A_249, %get3A_250] {strides = array<i32>} : memref<64x128xf32, #tpu.memory_space<vmem>>, vector<1x16xf32>,
          %get3A_252 = vector.shape_cast %get3A_251 : vector<1x16xf32> to vector<16xf32>
          %mul3A_253 = arith.constant 8.000000e+00 : f32
          %mul3A_254 = vector.broadcast %mul3A_253 : f32 to vector<16xf32>
          %mul3A_255 = arith.mulf %get3A_252, %mul3A_254 : vector<16xf32>
          %swap3A_256 = arith.index_cast %scan3A_178 : i32 to index
          %swap3A_257 = arith.constant 96 : index
          %swap3A_258 = tpu.vector_load %arg7[%swap3A_256, %swap3A_257] {strides = array<i32>} : memref<64x128xf32, #tpu.memory_space<vmem>>, vector<1x16xf32>,
          %swap3A_259 = vector.shape_cast %swap3A_258 : vector<1x16xf32> to vector<16xf32>
          %swap3A_260 = vector.shape_cast %mul3A_255 : vector<16xf32> to vector<1x16xf32>
          tpu.vector_store %arg7[%swap3A_256, %swap3A_257], %swap3A_260 {strides = array<i32>} : memref<64x128xf32, #tpu.memory_space<vmem>>, vector<1x16xf32>,
          %get3A_261 = arith.index_cast %scan3A_178 : i32 to index
          %get3A_262 = arith.constant 112 : index
          %get3A_263 = tpu.vector_load %arg7[%get3A_261, %get3A_262] {strides = array<i32>} : memref<64x128xf32, #tpu.memory_space<vmem>>, vector<1x16xf32>,
          %get3A_264 = vector.shape_cast %get3A_263 : vector<1x16xf32> to vector<16xf32>
          %mul3A_265 = arith.constant 8.000000e+00 : f32
          %mul3A_266 = vector.broadcast %mul3A_265 : f32 to vector<16xf32>
          %mul3A_267 = arith.mulf %get3A_264, %mul3A_266 : vector<16xf32>
          %swap3A_268 = arith.index_cast %scan3A_178 : i32 to index
          %swap3A_269 = arith.constant 112 : index
          %swap3A_270 = tpu.vector_load %arg7[%swap3A_268, %swap3A_269] {strides = array<i32>} : memref<64x128xf32, #tpu.memory_space<vmem>>, vector<1x16xf32>,
          %swap3A_271 = vector.shape_cast %swap3A_270 : vector<1x16xf32> to vector<16xf32>
          %swap3A_272 = vector.shape_cast %mul3A_267 : vector<16xf32> to vector<1x16xf32>
          tpu.vector_store %arg7[%swap3A_268, %swap3A_269], %swap3A_272 {strides = array<i32>} : memref<64x128xf32, #tpu.memory_space<vmem>>, vector<1x16xf32>,
        }
        %scan3A_58 = arith.constant 64 : i32
        %dma_start3A = arith.constant 0 : i32
        %dma_start3A_59 = arith.constant 0 : i32
        %dma_start3A_60 = arith.constant 0 : i32
        %dma_start3A_61 = tpu.memref_slice %arg7[%dma_start3A_59, %dma_start3A_60] : memref<64x128xf32, #tpu.memory_space<vmem>> -> memref<8x128xf32, #tpu.memory_space<vmem>>
        %dma_start3A_62 = arith.constant 0 : i32
        %dma_start3A_63 = arith.constant 0 : i32
        %dma_start3A_64 = tpu.memref_slice %arg4[%scan3A_29, %dma_start3A, %add3A, %dma_start3A_62, %dma_start3A_63] : memref<200x8x32x8x128xf32, #tpu.memory_space<hbm>> -> memref<1x1x1x8x128xf32, #tpu.memory_space<hbm>>
        %dma_start3A_65 = tpu.memref_squeeze %dma_start3A_64 : memref<1x1x1x8x128xf32, #tpu.memory_space<hbm>> -> memref<8x128xf32, #tpu.memory_space<hbm>>
        %dma_start3A_66 = arith.constant 0 : i32
        %dma_start3A_67 = arith.constant 0 : i32
        %dma_start3A_68 = tpu.memref_slice %arg4[%scan3A_29, %dma_start3A, %add3A, %dma_start3A_66, %dma_start3A_67] : memref<200x8x32x8x128xf32, #tpu.memory_space<hbm>> -> memref<1x1x1x8x128xf32, #tpu.memory_space<hbm>>
        %dma_start3A_69 = tpu.memref_squeeze %dma_start3A_68 : memref<1x1x1x8x128xf32, #tpu.memory_space<hbm>> -> memref<8x128xf32, #tpu.memory_space<hbm>>
        %dma_start3A_70 = arith.constant 0 : i32
        %dma_start3A_71 = arith.constant 0 : i32
        %dma_start3A_72 = tpu.memref_slice %arg7[%dma_start3A_70, %dma_start3A_71] : memref<64x128xf32, #tpu.memory_space<vmem>> -> memref<8x128xf32, #tpu.memory_space<vmem>>
        tpu.enqueue_dma source(%dma_start3A_72 : memref<8x128xf32, #tpu.memory_space<vmem>>) target(%dma_start3A_69 : memref<8x128xf32, #tpu.memory_space<hbm>>) target_semaphore(%arg11 : memref<!tpu.dma_semaphore, #tpu.memory_space<semaphore_mem>>)
        %dma_start3A_73 = arith.constant 1 : i32
        %dma_start3A_74 = arith.constant 8 : i32
        %dma_start3A_75 = arith.constant 0 : i32
        %dma_start3A_76 = tpu.memref_slice %arg7[%dma_start3A_74, %dma_start3A_75] : memref<64x128xf32, #tpu.memory_space<vmem>> -> memref<8x128xf32, #tpu.memory_space<vmem>>
        %dma_start3A_77 = arith.constant 0 : i32
        %dma_start3A_78 = arith.constant 0 : i32
        %dma_start3A_79 = tpu.memref_slice %arg4[%scan3A_29, %dma_start3A_73, %add3A, %dma_start3A_77, %dma_start3A_78] : memref<200x8x32x8x128xf32, #tpu.memory_space<hbm>> -> memref<1x1x1x8x128xf32, #tpu.memory_space<hbm>>
        %dma_start3A_80 = tpu.memref_squeeze %dma_start3A_79 : memref<1x1x1x8x128xf32, #tpu.memory_space<hbm>> -> memref<8x128xf32, #tpu.memory_space<hbm>>
        %dma_start3A_81 = arith.constant 0 : i32
        %dma_start3A_82 = arith.constant 0 : i32
        %dma_start3A_83 = tpu.memref_slice %arg4[%scan3A_29, %dma_start3A_73, %add3A, %dma_start3A_81, %dma_start3A_82] : memref<200x8x32x8x128xf32, #tpu.memory_space<hbm>> -> memref<1x1x1x8x128xf32, #tpu.memory_space<hbm>>
        %dma_start3A_84 = tpu.memref_squeeze %dma_start3A_83 : memref<1x1x1x8x128xf32, #tpu.memory_space<hbm>> -> memref<8x128xf32, #tpu.memory_space<hbm>>
        %dma_start3A_85 = arith.constant 8 : i32
        %dma_start3A_86 = arith.constant 0 : i32
        %dma_start3A_87 = tpu.memref_slice %arg7[%dma_start3A_85, %dma_start3A_86] : memref<64x128xf32, #tpu.memory_space<vmem>> -> memref<8x128xf32, #tpu.memory_space<vmem>>
        tpu.enqueue_dma source(%dma_start3A_87 : memref<8x128xf32, #tpu.memory_space<vmem>>) target(%dma_start3A_84 : memref<8x128xf32, #tpu.memory_space<hbm>>) target_semaphore(%arg11 : memref<!tpu.dma_semaphore, #tpu.memory_space<semaphore_mem>>)
        %dma_start3A_88 = arith.constant 2 : i32
        %dma_start3A_89 = arith.constant 16 : i32
        %dma_start3A_90 = arith.constant 0 : i32
        %dma_start3A_91 = tpu.memref_slice %arg7[%dma_start3A_89, %dma_start3A_90] : memref<64x128xf32, #tpu.memory_space<vmem>> -> memref<8x128xf32, #tpu.memory_space<vmem>>
        %dma_start3A_92 = arith.constant 0 : i32
        %dma_start3A_93 = arith.constant 0 : i32
        %dma_start3A_94 = tpu.memref_slice %arg4[%scan3A_29, %dma_start3A_88, %add3A, %dma_start3A_92, %dma_start3A_93] : memref<200x8x32x8x128xf32, #tpu.memory_space<hbm>> -> memref<1x1x1x8x128xf32, #tpu.memory_space<hbm>>
        %dma_start3A_95 = tpu.memref_squeeze %dma_start3A_94 : memref<1x1x1x8x128xf32, #tpu.memory_space<hbm>> -> memref<8x128xf32, #tpu.memory_space<hbm>>
        %dma_start3A_96 = arith.constant 0 : i32
        %dma_start3A_97 = arith.constant 0 : i32
        %dma_start3A_98 = tpu.memref_slice %arg4[%scan3A_29, %dma_start3A_88, %add3A, %dma_start3A_96, %dma_start3A_97] : memref<200x8x32x8x128xf32, #tpu.memory_space<hbm>> -> memref<1x1x1x8x128xf32, #tpu.memory_space<hbm>>
        %dma_start3A_99 = tpu.memref_squeeze %dma_start3A_98 : memref<1x1x1x8x128xf32, #tpu.memory_space<hbm>> -> memref<8x128xf32, #tpu.memory_space<hbm>>
        %dma_start3A_100 = arith.constant 16 : i32
        %dma_start3A_101 = arith.constant 0 : i32
        %dma_start3A_102 = tpu.memref_slice %arg7[%dma_start3A_100, %dma_start3A_101] : memref<64x128xf32, #tpu.memory_space<vmem>> -> memref<8x128xf32, #tpu.memory_space<vmem>>
        tpu.enqueue_dma source(%dma_start3A_102 : memref<8x128xf32, #tpu.memory_space<vmem>>) target(%dma_start3A_99 : memref<8x128xf32, #tpu.memory_space<hbm>>) target_semaphore(%arg11 : memref<!tpu.dma_semaphore, #tpu.memory_space<semaphore_mem>>)
        %dma_start3A_103 = arith.constant 3 : i32
        %dma_start3A_104 = arith.constant 24 : i32
        %dma_start3A_105 = arith.constant 0 : i32
        %dma_start3A_106 = tpu.memref_slice %arg7[%dma_start3A_104, %dma_start3A_105] : memref<64x128xf32, #tpu.memory_space<vmem>> -> memref<8x128xf32, #tpu.memory_space<vmem>>
        %dma_start3A_107 = arith.constant 0 : i32
        %dma_start3A_108 = arith.constant 0 : i32
        %dma_start3A_109 = tpu.memref_slice %arg4[%scan3A_29, %dma_start3A_103, %add3A, %dma_start3A_107, %dma_start3A_108] : memref<200x8x32x8x128xf32, #tpu.memory_space<hbm>> -> memref<1x1x1x8x128xf32, #tpu.memory_space<hbm>>
        %dma_start3A_110 = tpu.memref_squeeze %dma_start3A_109 : memref<1x1x1x8x128xf32, #tpu.memory_space<hbm>> -> memref<8x128xf32, #tpu.memory_space<hbm>>
        %dma_start3A_111 = arith.constant 0 : i32
        %dma_start3A_112 = arith.constant 0 : i32
        %dma_start3A_113 = tpu.memref_slice %arg4[%scan3A_29, %dma_start3A_103, %add3A, %dma_start3A_111, %dma_start3A_112] : memref<200x8x32x8x128xf32, #tpu.memory_space<hbm>> -> memref<1x1x1x8x128xf32, #tpu.memory_space<hbm>>
        %dma_start3A_114 = tpu.memref_squeeze %dma_start3A_113 : memref<1x1x1x8x128xf32, #tpu.memory_space<hbm>> -> memref<8x128xf32, #tpu.memory_space<hbm>>
        %dma_start3A_115 = arith.constant 24 : i32
        %dma_start3A_116 = arith.constant 0 : i32
        %dma_start3A_117 = tpu.memref_slice %arg7[%dma_start3A_115, %dma_start3A_116] : memref<64x128xf32, #tpu.memory_space<vmem>> -> memref<8x128xf32, #tpu.memory_space<vmem>>
        tpu.enqueue_dma source(%dma_start3A_117 : memref<8x128xf32, #tpu.memory_space<vmem>>) target(%dma_start3A_114 : memref<8x128xf32, #tpu.memory_space<hbm>>) target_semaphore(%arg11 : memref<!tpu.dma_semaphore, #tpu.memory_space<semaphore_mem>>)
        %dma_start3A_118 = arith.constant 4 : i32
        %dma_start3A_119 = arith.constant 32 : i32
        %dma_start3A_120 = arith.constant 0 : i32
        %dma_start3A_121 = tpu.memref_slice %arg7[%dma_start3A_119, %dma_start3A_120] : memref<64x128xf32, #tpu.memory_space<vmem>> -> memref<8x128xf32, #tpu.memory_space<vmem>>
        %dma_start3A_122 = arith.constant 0 : i32
        %dma_start3A_123 = arith.constant 0 : i32
        %dma_start3A_124 = tpu.memref_slice %arg4[%scan3A_29, %dma_start3A_118, %add3A, %dma_start3A_122, %dma_start3A_123] : memref<200x8x32x8x128xf32, #tpu.memory_space<hbm>> -> memref<1x1x1x8x128xf32, #tpu.memory_space<hbm>>
        %dma_start3A_125 = tpu.memref_squeeze %dma_start3A_124 : memref<1x1x1x8x128xf32, #tpu.memory_space<hbm>> -> memref<8x128xf32, #tpu.memory_space<hbm>>
        %dma_start3A_126 = arith.constant 0 : i32
        %dma_start3A_127 = arith.constant 0 : i32
        %dma_start3A_128 = tpu.memref_slice %arg4[%scan3A_29, %dma_start3A_118, %add3A, %dma_start3A_126, %dma_start3A_127] : memref<200x8x32x8x128xf32, #tpu.memory_space<hbm>> -> memref<1x1x1x8x128xf32, #tpu.memory_space<hbm>>
        %dma_start3A_129 = tpu.memref_squeeze %dma_start3A_128 : memref<1x1x1x8x128xf32, #tpu.memory_space<hbm>> -> memref<8x128xf32, #tpu.memory_space<hbm>>
        %dma_start3A_130 = arith.constant 32 : i32
        %dma_start3A_131 = arith.constant 0 : i32
        %dma_start3A_132 = tpu.memref_slice %arg7[%dma_start3A_130, %dma_start3A_131] : memref<64x128xf32, #tpu.memory_space<vmem>> -> memref<8x128xf32, #tpu.memory_space<vmem>>
        tpu.enqueue_dma source(%dma_start3A_132 : memref<8x128xf32, #tpu.memory_space<vmem>>) target(%dma_start3A_129 : memref<8x128xf32, #tpu.memory_space<hbm>>) target_semaphore(%arg11 : memref<!tpu.dma_semaphore, #tpu.memory_space<semaphore_mem>>)
        %dma_start3A_133 = arith.constant 5 : i32
        %dma_start3A_134 = arith.constant 40 : i32
        %dma_start3A_135 = arith.constant 0 : i32
        %dma_start3A_136 = tpu.memref_slice %arg7[%dma_start3A_134, %dma_start3A_135] : memref<64x128xf32, #tpu.memory_space<vmem>> -> memref<8x128xf32, #tpu.memory_space<vmem>>
        %dma_start3A_137 = arith.constant 0 : i32
        %dma_start3A_138 = arith.constant 0 : i32
        %dma_start3A_139 = tpu.memref_slice %arg4[%scan3A_29, %dma_start3A_133, %add3A, %dma_start3A_137, %dma_start3A_138] : memref<200x8x32x8x128xf32, #tpu.memory_space<hbm>> -> memref<1x1x1x8x128xf32, #tpu.memory_space<hbm>>
        %dma_start3A_140 = tpu.memref_squeeze %dma_start3A_139 : memref<1x1x1x8x128xf32, #tpu.memory_space<hbm>> -> memref<8x128xf32, #tpu.memory_space<hbm>>
        %dma_start3A_141 = arith.constant 0 : i32
        %dma_start3A_142 = arith.constant 0 : i32
        %dma_start3A_143 = tpu.memref_slice %arg4[%scan3A_29, %dma_start3A_133, %add3A, %dma_start3A_141, %dma_start3A_142] : memref<200x8x32x8x128xf32, #tpu.memory_space<hbm>> -> memref<1x1x1x8x128xf32, #tpu.memory_space<hbm>>
        %dma_start3A_144 = tpu.memref_squeeze %dma_start3A_143 : memref<1x1x1x8x128xf32, #tpu.memory_space<hbm>> -> memref<8x128xf32, #tpu.memory_space<hbm>>
        %dma_start3A_145 = arith.constant 40 : i32
        %dma_start3A_146 = arith.constant 0 : i32
        %dma_start3A_147 = tpu.memref_slice %arg7[%dma_start3A_145, %dma_start3A_146] : memref<64x128xf32, #tpu.memory_space<vmem>> -> memref<8x128xf32, #tpu.memory_space<vmem>>
        tpu.enqueue_dma source(%dma_start3A_147 : memref<8x128xf32, #tpu.memory_space<vmem>>) target(%dma_start3A_144 : memref<8x128xf32, #tpu.memory_space<hbm>>) target_semaphore(%arg11 : memref<!tpu.dma_semaphore, #tpu.memory_space<semaphore_mem>>)
        %dma_start3A_148 = arith.constant 6 : i32
        %dma_start3A_149 = arith.constant 48 : i32
        %dma_start3A_150 = arith.constant 0 : i32
        %dma_start3A_151 = tpu.memref_slice %arg7[%dma_start3A_149, %dma_start3A_150] : memref<64x128xf32, #tpu.memory_space<vmem>> -> memref<8x128xf32, #tpu.memory_space<vmem>>
        %dma_start3A_152 = arith.constant 0 : i32
        %dma_start3A_153 = arith.constant 0 : i32
        %dma_start3A_154 = tpu.memref_slice %arg4[%scan3A_29, %dma_start3A_148, %add3A, %dma_start3A_152, %dma_start3A_153] : memref<200x8x32x8x128xf32, #tpu.memory_space<hbm>> -> memref<1x1x1x8x128xf32, #tpu.memory_space<hbm>>
        %dma_start3A_155 = tpu.memref_squeeze %dma_start3A_154 : memref<1x1x1x8x128xf32, #tpu.memory_space<hbm>> -> memref<8x128xf32, #tpu.memory_space<hbm>>
        %dma_start3A_156 = arith.constant 0 : i32
        %dma_start3A_157 = arith.constant 0 : i32
        %dma_start3A_158 = tpu.memref_slice %arg4[%scan3A_29, %dma_start3A_148, %add3A, %dma_start3A_156, %dma_start3A_157] : memref<200x8x32x8x128xf32, #tpu.memory_space<hbm>> -> memref<1x1x1x8x128xf32, #tpu.memory_space<hbm>>
        %dma_start3A_159 = tpu.memref_squeeze %dma_start3A_158 : memref<1x1x1x8x128xf32, #tpu.memory_space<hbm>> -> memref<8x128xf32, #tpu.memory_space<hbm>>
        %dma_start3A_160 = arith.constant 48 : i32
        %dma_start3A_161 = arith.constant 0 : i32
        %dma_start3A_162 = tpu.memref_slice %arg7[%dma_start3A_160, %dma_start3A_161] : memref<64x128xf32, #tpu.memory_space<vmem>> -> memref<8x128xf32, #tpu.memory_space<vmem>>
        tpu.enqueue_dma source(%dma_start3A_162 : memref<8x128xf32, #tpu.memory_space<vmem>>) target(%dma_start3A_159 : memref<8x128xf32, #tpu.memory_space<hbm>>) target_semaphore(%arg11 : memref<!tpu.dma_semaphore, #tpu.memory_space<semaphore_mem>>)
        %dma_start3A_163 = arith.constant 7 : i32
        %dma_start3A_164 = arith.constant 56 : i32
        %dma_start3A_165 = arith.constant 0 : i32
        %dma_start3A_166 = tpu.memref_slice %arg7[%dma_start3A_164, %dma_start3A_165] : memref<64x128xf32, #tpu.memory_space<vmem>> -> memref<8x128xf32, #tpu.memory_space<vmem>>
        %dma_start3A_167 = arith.constant 0 : i32
        %dma_start3A_168 = arith.constant 0 : i32
        %dma_start3A_169 = tpu.memref_slice %arg4[%scan3A_29, %dma_start3A_163, %add3A, %dma_start3A_167, %dma_start3A_168] : memref<200x8x32x8x128xf32, #tpu.memory_space<hbm>> -> memref<1x1x1x8x128xf32, #tpu.memory_space<hbm>>
        %dma_start3A_170 = tpu.memref_squeeze %dma_start3A_169 : memref<1x1x1x8x128xf32, #tpu.memory_space<hbm>> -> memref<8x128xf32, #tpu.memory_space<hbm>>
        %dma_start3A_171 = arith.constant 0 : i32
        %dma_start3A_172 = arith.constant 0 : i32
        %dma_start3A_173 = tpu.memref_slice %arg4[%scan3A_29, %dma_start3A_163, %add3A, %dma_start3A_171, %dma_start3A_172] : memref<200x8x32x8x128xf32, #tpu.memory_space<hbm>> -> memref<1x1x1x8x128xf32, #tpu.memory_space<hbm>>
        %dma_start3A_174 = tpu.memref_squeeze %dma_start3A_173 : memref<1x1x1x8x128xf32, #tpu.memory_space<hbm>> -> memref<8x128xf32, #tpu.memory_space<hbm>>
        %dma_start3A_175 = arith.constant 56 : i32
        %dma_start3A_176 = arith.constant 0 : i32
        %dma_start3A_177 = tpu.memref_slice %arg7[%dma_start3A_175, %dma_start3A_176] : memref<64x128xf32, #tpu.memory_space<vmem>> -> memref<8x128xf32, #tpu.memory_space<vmem>>
        tpu.enqueue_dma source(%dma_start3A_177 : memref<8x128xf32, #tpu.memory_space<vmem>>) target(%dma_start3A_174 : memref<8x128xf32, #tpu.memory_space<hbm>>) target_semaphore(%arg11 : memref<!tpu.dma_semaphore, #tpu.memory_space<semaphore_mem>>)
      } else {
      }
    }
    %scan3A_11 = arith.constant 200 : i32
    %dma_wait3A = arith.constant 0 : i32
    %dma_wait3A_12 = arith.constant 0 : i32
    %dma_wait3A_13 = arith.constant 0 : i32
    %dma_wait3A_14 = tpu.memref_slice %arg2[%dma_wait3A_12, %dma_wait3A, %dma_wait3A_13] : memref<200x32x128xi32, #tpu.memory_space<hbm>> -> memref<64x1x128xi32, #tpu.memory_space<hbm>>
    %dma_wait3A_15 = tpu.memref_squeeze %dma_wait3A_14 : memref<64x1x128xi32, #tpu.memory_space<hbm>> -> memref<64x128xi32, #tpu.memory_space<hbm>>
    %dma_wait3A_16 = arith.constant 0 : i32
    %dma_wait3A_17 = arith.constant 0 : i32
    %dma_wait3A_18 = tpu.memref_slice %arg2[%dma_wait3A_16, %dma_wait3A, %dma_wait3A_17] : memref<200x32x128xi32, #tpu.memory_space<hbm>> -> memref<64x1x128xi32, #tpu.memory_space<hbm>>
    %dma_wait3A_19 = tpu.memref_squeeze %dma_wait3A_18 : memref<64x1x128xi32, #tpu.memory_space<hbm>> -> memref<64x128xi32, #tpu.memory_space<hbm>>
    tpu.wait_dma2 semaphore(%arg10 : memref<!tpu.dma_semaphore, #tpu.memory_space<semaphore_mem>>) src(%dma_wait3A_19 : memref<64x128xi32, #tpu.memory_space<hbm>>) dst(%arg6 : memref<64x128xf32, #tpu.memory_space<vmem>>)
    %dma_wait3A_20 = arith.constant 0 : i32
    %dma_wait3A_21 = arith.constant 0 : i32
    %dma_wait3A_22 = arith.constant 0 : i32
    %dma_wait3A_23 = tpu.memref_slice %arg2[%dma_wait3A_21, %dma_wait3A_20, %dma_wait3A_22] : memref<200x32x128xi32, #tpu.memory_space<hbm>> -> memref<64x1x128xi32, #tpu.memory_space<hbm>>
    %dma_wait3A_24 = tpu.memref_squeeze %dma_wait3A_23 : memref<64x1x128xi32, #tpu.memory_space<hbm>> -> memref<64x128xi32, #tpu.memory_space<hbm>>
    %dma_wait3A_25 = arith.constant 0 : i32
    %dma_wait3A_26 = arith.constant 0 : i32
    %dma_wait3A_27 = tpu.memref_slice %arg2[%dma_wait3A_25, %dma_wait3A_20, %dma_wait3A_26] : memref<200x32x128xi32, #tpu.memory_space<hbm>> -> memref<64x1x128xi32, #tpu.memory_space<hbm>>
    %dma_wait3A_28 = tpu.memref_squeeze %dma_wait3A_27 : memref<64x1x128xi32, #tpu.memory_space<hbm>> -> memref<64x128xi32, #tpu.memory_space<hbm>>
    tpu.wait_dma2 semaphore(%arg11 : memref<!tpu.dma_semaphore, #tpu.memory_space<semaphore_mem>>) src(%dma_wait3A_28 : memref<64x128xi32, #tpu.memory_space<hbm>>) dst(%arg7 : memref<64x128xf32, #tpu.memory_space<vmem>>)
    return
  }
}

</mosaic_0001>

<sc_bundles>
// kernel: kernel.3.cloned.1.call-start
scs
__scs_entry_jumppad:
0x0: {  	(pc) =	sbr.rel $0x88, $3  }
0x1: {  	(tag) =	ssettag $0x0;
	lr =	simm.s32 $0x1  }
0x2: {  	[smem:$0x3F9F] =	sst lr;
	_ =	strace $0xD0000000  }
0x3: {  	_ = 	snop  }
0x4: {  	_ = 	snop  }
0x5: {  	_ = 	snop  }
0x6: {  	_ = 	snop  }
0x7: {  	_ = 	snop  }
__scs_overlays_trampoline_lowered:
0x8: {  	[smem:$0x3FAE] =	sst s0  }
0x9: {  	[smem:$0x3FAF] =	sst s1  }
0xa: {  	[smem:$0x3FB0] =	sst s2  }
0xb: {  	[smem:$0x3FB1] =	sst s3  }
0xc: {  	[smem:$0x3FB2] =	sst s4  }
0xd: {  	[smem:$0x3FB3] =	sst s5  }
0xe: {  	[smem:$0x3FB4] =	sst s6  }
0xf: {  	[smem:$0x3FB5] =	sst s7  }
0x10: {  	[smem:$0x3FB6] =	sst s8  }
0x11: {  	[smem:$0x3FB7] =	sst s9;
	s0 =	simm.s32 @!p0 $0x0  }
0x12: {  	s1 =	sld [smem:$0x3F9D];
	s0 =	simm.s32 @p0 $0x1  }
0x13: {  	[smem:$0x3FB8] =	sst s0;
	s0 =	simm.s32 @!p1 $0x0  }
0x14: {  	s2 =	sld [smem:$0x3F9C];
	s0 =	simm.s32 @p1 $0x1  }
0x15: {  	[smem:$0x3FB9] =	sst s0;
	s0 =	simm.s32 @!p2 $0x0  }
0x16: {  	s3 =	sld [smem:$0x3FDB];
	s0 =	simm.s32 @p2 $0x1  }
0x17: {  	s4 =	simm.s32 $0x1BF5;
	[smem:$0x3FBB] =	sst s0  }
0x18: {  	s0 =	sld [smem:$0x3F9E];
	_ =	swait.ge [sflag:s4], $0x0  }
0x19: {  	s7 =	sld [smem:$0x3F9F]  }
0x1a: {  	s8 =	sadd.s32 $0xFFFFE003, lr  }
0x1b: {  	s9 =	sadd.s32 $0xFFFFFEF7, lr;
	s5 =	simm.s32 $0xFFFFFFFF;
	p2 =	slt.u32 s8, $0xFFFFF086  }
0x1c: {  	p1 =	slt.u32 s9, $0xF7A;
	s5 =	simm.s32 @!p2 $0x0  }
0x1d: {  	s5 =	simm.s32 @p1 $0x1;
	p0 =	seq.s32 s7, s2  }
0x1e: {  	s7 =	smul.u32 @!p0 $0xF7A, s2;
	p2 =	seq.s32 @!p0 s5, $0x0  }
0x1f: {  	s9 =	smul.u32 $0xF7A, s1;
	s8 =	simm.s32 @!p0 $0x1BF5;
	p2 =	por !p2, p0  }
0x20: {  	[sflag:s8] =	ssyncset.s32 @!p0 $0xFFFFF086;
	s6 =	sadd.s32 @!p0 s3, s7;
	s7 =	simm.s32 @!p0 $0x108  }
0x21: {  	s3 =	sadd.s32 s3, s9;
	s6 =	sadd.s32 @!p0 $0x88, s6;
	s7 =	simm.s32 @p2 $0x1082  }
0x22: {  	[simem:s7], [sflag:s8] =	dma.local @!p0 [hbm:s6], $0xF7A  }
0x23: {  	s9 =	sor.u32 $0xD0000000, s2;
	s6 =	simm.s32 $0x108;
	_ =	swait.ge @!p0 [sflag:s8], $0x0  }
0x24: {  	s3 =	sadd.s32 $0x88, s3;
	s6 =	simm.s32 @!p1 $0x1082;
	[sflag:s4] =	ssyncset.s32 $0xFFFFF086  }
0x25: {  	[simem:s6], [sflag:s4] =	dma.local [hbm:s3], $0xF7A  }
0x26: {  	[smem:$0x3F9F] =	sst s1;
	(tag) =	ssettag s2;
	_ =	strace s9  }
0x27: {  	s1 =	sld [smem:$0x3FAF]  }
0x28: {  	s2 =	sld [smem:$0x3FB0]  }
0x29: {  	s4 =	sld [smem:$0x3FB2]  }
0x2a: {  	p0 =	seq.s32 s5, $0x0;
	s5 =	sld [smem:$0x3FB3]  }
0x2b: {  	s6 =	sld [smem:$0x3FB4]  }
0x2c: {  	s7 =	sld [smem:$0x3FB5]  }
0x2d: {  	s3 =	simm.s32 $0x108;
	s8 =	sld [smem:$0x3FB6]  }
0x2e: {  	s3 =	simm.s32 @!p0 $0x1082;
	s9 =	sld [smem:$0x3FB7]  }
0x2f: {  	lr =	sadd.s32 s0, s3;
	s0 =	sld [smem:$0x3FAE]  }
0x30: {  	s3 =	sld [smem:$0x3FB1]  }
0x31: {  	[smem:$0x3FBA] =	sst s10  }
0x32: {  	s10 =	sld [smem:$0x3FB8];
	_ =	sdelay $0x3  }
0x33: {  	p0 =	seq.s32 s10, $0x1;
	s10 =	sld [smem:$0x3FBA];
	_ =	sdelay $0x3  }
0x34: {  	[smem:$0x3FBA] =	sst s10  }
0x35: {  	s10 =	sld [smem:$0x3FB9];
	_ =	sdelay $0x3  }
0x36: {  	p1 =	seq.s32 s10, $0x1;
	s10 =	sld [smem:$0x3FBA];
	_ =	sdelay $0x3  }
0x37: {  	[smem:$0x3FBA] =	sst s10  }
0x38: {  	s10 =	sld [smem:$0x3FBB]  }
0x39: {  	_ = 	snop;
	(pc) =	sbr.ind lr, $3  }
0x3a: {  	_ = 	snop  }
0x3b: {  	_ = 	snop  }
0x3c: {  	p2 =	seq.s32 s10, $0x1;
	s10 =	sld [smem:$0x3FBA]  }
0x3d: {  	_ =	shalt  }
0x3e: {  	_ =	shalt  }
0x3f: {  	_ =	shalt  }
0x40: {  	_ =	shalt  }
0x41: {  	_ =	shalt  }
0x42: {  	_ =	shalt  }
0x43: {  	_ =	shalt  }
0x44: {  	_ =	shalt  }
0x45: {  	_ =	shalt  }
0x46: {  	_ =	shalt  }
0x47: {  	_ =	shalt  }
0x48: {  	_ =	shalt  }
0x49: {  	_ =	shalt  }
0x4a: {  	_ =	shalt  }
0x4b: {  	_ =	shalt  }
0x4c: {  	_ =	shalt  }
0x4d: {  	_ =	shalt  }
0x4e: {  	_ =	shalt  }
0x4f: {  	_ =	shalt  }
0x50: {  	_ =	shalt  }
0x51: {  	_ =	shalt  }
0x52: {  	_ =	shalt  }
0x53: {  	_ =	shalt  }
0x54: {  	_ =	shalt  }
0x55: {  	_ =	shalt  }
0x56: {  	_ =	shalt  }
0x57: {  	_ =	shalt  }
0x58: {  	_ =	shalt  }
0x59: {  	_ =	shalt  }
0x5a: {  	_ =	shalt  }
0x5b: {  	_ =	shalt  }
0x5c: {  	_ =	shalt  }
0x5d: {  	_ =	shalt  }
0x5e: {  	_ =	shalt  }
0x5f: {  	_ =	shalt  }
0x60: {  	_ =	shalt  }
0x61: {  	_ =	shalt  }
0x62: {  	_ =	shalt  }
0x63: {  	_ =	shalt  }
0x64: {  	_ =	shalt  }
0x65: {  	_ =	shalt  }
0x66: {  	_ =	shalt  }
0x67: {  	_ =	shalt  }
0x68: {  	_ =	shalt  }
0x69: {  	_ =	shalt  }
0x6a: {  	_ =	shalt  }
0x6b: {  	_ =	shalt  }
0x6c: {  	_ =	shalt  }
0x6d: {  	_ =	shalt  }
0x6e: {  	_ =	shalt  }
0x6f: {  	_ =	shalt  }
0x70: {  	_ =	shalt  }
0x71: {  	_ =	shalt  }
0x72: {  	_ =	shalt  }
0x73: {  	_ =	shalt  }
0x74: {  	_ =	shalt  }
0x75: {  	_ =	shalt  }
0x76: {  	_ =	shalt  }
0x77: {  	_ =	shalt  }
0x78: {  	_ =	shalt  }
0x79: {  	_ =	shalt  }
0x7a: {  	_ =	shalt  }
0x7b: {  	_ =	shalt  }
0x7c: {  	_ =	shalt  }
0x7d: {  	_ =	shalt  }
0x7e: {  	_ =	shalt  }
0x7f: {  	_ =	shalt  }
0x80: {  	_ =	shalt  }
0x81: {  	_ =	shalt  }
0x82: {  	_ =	shalt  }
0x83: {  	_ =	shalt  }
0x84: {  	_ =	shalt  }
0x85: {  	_ =	shalt  }
0x86: {  	_ =	shalt  }
0x87: {  	_ =	shalt  }
.Lfunc_end0:
.L_simem_size_0:
called_computation_lowered:
.L_overlay_start_0:
0x88: {  	s2 =	sld [smem:$0x3FD9]  }
0x89: {  	s3 =	sld [smem:$0x3FFE];
	_ =	sdelay $0x1  }
0x8a: {  	s1 =	srdreg.scid  }
0x8b: {  	s0 =	sand.u32 $0x1, s1  }
0x8c: {  	s17 =	sshll.u32 s0, $0xA;
	s2 =	sadd.s32 s3, s2  }
0x8d: {  	s2 =	sadd.s32 s2, s17  }
0x8e: {  	[smem:$0x3FC6] =	sst s2  }
0x8f: {  	_ = 	snop  }
0x90: {  	s2 =	sld [smem:$0x3FD0];
	(tm) =	ssettm $0x1  }
0x91: {  	s18 =	sld [smem:$0x3FFB];
	_ =	sdelay $0x3  }
0x92: {  	_ =	strace s18  }
0x93: {  	s3 =	sld [smem:$0x3FFC];
	_ =	sdelay $0x3  }
0x94: {  	_ =	strace s3  }
0x95: {  	s3 =	sld [smem:$0x3FFD];
	_ =	sdelay $0x3  }
0x96: {  	_ =	strace s3  }
0x97: {  	_ =	strace $0x8FFFFFFF  }
0x98: {  	s19 =	sld [smem:$0x3FDB];
	_ =	sdelay $0x1  }
0x99: {  	s4 =	simm.s32 $_scs_section_size  }
0x9a: {  	s5 =	simm.s32 $_size__tile_overlayer_lowered;
	s6 =	simm.s32 $_tile_overlayer_lowered  }
0x9b: {  	s22 =	simm.s32 $0x1BFF;
	s21 =	sshll.u32 s6, $0x1;
	s3 =	sadd.s32 s4, s19  }
0x9c: {  	s7 =	simm.s32 $0x0;
	s20 =	sshll.u32 s5, $0x1;
	s5 =	sadd.s32 s21, s3  }
0x9d: {  	[timem:s7], [sflag:s22] =	dma.local [hbm:s5], s20  }
0x9e: {  	_ =	swait.ge [sflag:s22], s20  }
0x9f: {  	s4 =	ssub.s32 $0x0, s20;
	[sflag:s22] =	ssyncset.done $0x0  }
0xa0: {  	[sflag:s22] =	ssyncadd.s32 s4;
	_ =	sdelay $0x1  }
0xa1: {  	s23 =	simm.s32 $0x1B8B  }
0xa2: {  	_ =	swait.ge [sflag:s23], $0x1  }
0xa3: {  	[sflag:s23] =	ssyncset.done $0x0  }
0xa4: {  	s25 =	simm.s32 $0x1B8E;
	s24 =	sld [smem:$0x3FFE];
	[sflag:s23] =	ssyncadd.s32 $0xFFFFFFFF  }
0xa5: {  	s26 =	simm.s32 $execute0_lowered;
	[smem:$0x3FD2] =	sst s25  }
0xa6: {  	s5 =	sshll.u32 s26, $0x1;
	_ =	strace $0x80000046;
	[dreg:$0x1] =	wrdreg $0xFFFFFFFF  }
0xa7: {  	s28 =	simm.s32 $_size_execute0_lowered;
	s3 =	sadd.s32 s3, s5;
	[dreg:$0x0] =	wrdreg $0x0  }
0xa8: {  	s5 =	sshll.u32 s28, $0x1;
	[dreg:$0x2] =	wrdreg s3  }
0xa9: {  	[dreg:$0x3] =	wrdreg s5  }
0xaa: {  	[dreg:$0x4] =	wrdreg $0xC0  }
0xab: {  	_ =	task [dreg:s7], $0x5FFFF  }
0xac: {  	[dreg:$0x1] =	wrdreg $0xFFFFFFFF  }
0xad: {  	[dreg:$0x0] =	wrdreg $0x60  }
0xae: {  	[dreg:$0x2] =	wrdreg s24  }
0xaf: {  	[dreg:$0x3] =	wrdreg s2  }
0xb0: {  	[dreg:$0x4] =	wrdreg $0x9  }
0xb1: {  	_ =	task.clear_ibuf [dreg:s7], $0x5FFFF;
	_ =	strace $0x90000046  }
0xb2: {  	s29 =	simm.s32 $0x9;
	_ =	strace $0x80000048  }
0xb3: {  	_ =	swait.ge [sflag:s29], $0x1  }
0xb4: {  	[sflag:s29] =	ssyncadd.s32 $0xFFFFFFFF  }
0xb5: {  	_ =	strace $0x90000048  }
0xb6: {  	_ =	sfence  }
0xb7: {  	s30 =	sld [smem:$0x0];
	_ =	sdelay $0x2  }
0xb8: {  	s31 =	sshll.u32 s1, $0xD;
	s1 =	sshrl.u32 s1, $0x2  }
0xb9: {  	s3 =	sand.u32 $0x4000, s31;
	s1 =	sadd.s32 s1, s30  }
0xba: {  	s0 =	sor.u32 s3, s0;
	s1 =	sshll.u32 s1, $0x11  }
0xbb: {  	s0 =	sor.u32 s1, s0  }
0xbc: {  	s0 =	sadd.s32 $0x8F2B, s0  }
0xbd: {  	[sflag:s0] =	ssyncadd.remote.s32 $0x1  }
0xbe: {  	_ =	sfence.sel $0xFFFF  }
0xbf: {  	[dreg:$0x0] =	wrdreg $0xFFFFFFFF;
	(pc) =	sbr.abs _section_cstart, $3  }
0xc0: {  	[dreg:$0x1] =	wrdreg $0xFFFFFFFF  }
0xc1: {  	_ =	task.clear_ibuf [dreg:s7], $0x2FFFF;
	_ =	strace $0x9FFFFFFF  }
0xc2: {  	(tm) =	ssettm $0x7FFFFFFF  }
0xc3: {  	_ =	shalt  }
tec
execute0_lowered:
.L_overlay_start_1:
0x0: {  	(tag) =	ssettag $0x1  }
0x1: {  	s0 =	rddreg [dreg:$0x0];
	s1 =	srdreg.scid  }
0x2: {  	s2 =	stileid.u32;
	s13 =	rddreg [dreg:$0x1]  }
0x3: {  	s3 =	simm.s32 $0x0;
	s1 =	sand.u32 $0x1, s1;
	s2 =	sshll.u32 s2, $0x1  }
0x4: {  	[smem:$0x7FF] =	sst s3;
	s7 =	sadd.s32 $0x1000, s13;
	s8 =	sadd.s32 $0x2000, s13  }
0x5: {  	s9 =	sadd.s32 $0x3000, s13;
	s10 =	sadd.s32 $0x4000, s13;
	s11 =	sadd.s32 $0x5000, s13  }
0x6: {  	s12 =	sadd.s32 $0x6000, s13;
	s2 =	sor.u32 s1, s2;
	s1 =	ssub.s32 $0x2, s1  }
.Ltmp0:
0x7: {  	_ =	strace $0x80000047;
	s4 =	sshll.u32 s2, $0x4;
	(pc) =	sbr.rel .LBB2_1-.Ltmp0, $4  }
0x8: {  	s6 =	sshrl.u32 s1, $0x1;
	s31 =	sshll.u32 s2, $0x7;
	s5 =	sadd.s32 s4, s0  }
0x9: {  	s29 =	ssub.s32 s1, s6;
	[dreg:$0x4] =	wrdreg s31;
	s30 =	sadd.s32 $0x400, s5  }
0xa: {  	s4 =	sadd.s32 $0x19400, s0;
	s0 =	smax.u32 s29, $0x1;
	[dreg:$0x3] =	wrdreg s30  }
0xb: {  	s13 =	sadd.s32 $0x7000, s13;
	s2 =	simm.s32 $0x0;
	[dreg:$0x5] =	wrdreg s0  }
.LBB2_116:
0xc: {  	s0 =	simm.s32 $0x3  }
0xd: {  	_ =	swait.ge [sflag:s0], $0x2000  }
0xe: {  	[sflag:s0] =	ssyncset.done $0x0  }
0xf: {  	s1 =	simm.s32 $0x4;
	[sflag:s0] =	ssyncadd.s32 $0xFFFFE000  }
0x10: {  	_ =	swait.ge [sflag:s1], $0x2000  }
0x11: {  	s2 =	rddreg [dreg:$0x6]  }
0x12: {  	s31 =	rddreg [dreg:$0x5];
	s2 =	sadd.s32 $0x1, s2  }
0x13: {  	p0 =	sne.s32 s2, s31  }
.Ltmp1:
0x14: {  	_ = 	snop;
	(pc) =	sbr.rel @!p0 .LBB2_117-.Ltmp1, $3  }
0x15: {  	_ =	sdelay $0x1  }
0x16: {  	[sflag:s1] =	ssyncset.done $0x0  }
0x17: {  	[sflag:s1] =	ssyncadd.s32 $0xFFFFE000  }
.LBB2_1:
0x18: {  	[dreg:$0x6] =	wrdreg s2  }
0x19: {  	s0 =	rddreg [dreg:$0x3];
	s1 =	simm.s32 $0x80;
	s30 =	simm.s32 $0x1000  }
0x1a: {  	s31 =	simm.s32 $0x5;
	s19 =	simm.s32 $0x6401;
	s20 =	simm.s32 $0x6402  }
0x1b: {  	s21 =	simm.s32 $0x6403;
	s22 =	simm.s32 $0x6404;
	s23 =	simm.s32 $0x6405  }
0x1c: {  	s24 =	simm.s32 $0x6406;
	s25 =	simm.s32 $0x6407;
	s15 =	simm.s32 $0x640A  }
0x1d: {  	s16 =	simm.s32 $0x640B;
	s5 =	simm.s32 $0x640C;
	s14 =	simm.s32 $0x640D  }
0x1e: {  	[tilespmem:s3], [sflag:$0x5] =	stream.strided.gather [hbm4b:s0+s1], $0x6400, s30, s1, $0x38;
	[tilespmem:$0xA400] =	vst v63  }
0x1f: {  	s17 =	simm.s32 $0x640E;
	s26 =	simm.s32 $0x640F;
	_ =	swait.ge [sflag:s31], $0x6400  }
0x20: {  	s28 =	simm.s32 $0x6400;
	s29 =	simm.s32 $0x0;
	[sflag:s31] =	ssyncset.done $0x0  }
0x21: {  	s1 =	simm.s32 $0x6408;
	s0 =	simm.s32 $0x6409;
	[sflag:s31] =	ssyncadd.s32 $0xFFFF9C00  }
.LBB2_2:
0x22: {  	s2 =	sshll.u32 s29, $0x4  }
0x23: {  	v0 =	vld [tilespmem:s2+$0x0];
	_ =	sdelay $0x4  }
0x24: {  	(v2sf) =	vpush v0, $0x0;
	_ =	sdelay $0xe  }
0x25: {  	s30 =	spop (v2sf)  }
0x26: {  	s2 =	sshll.u32 s30, $0x4  }
0x27: {  	s2 =	sand.u32 $0x1FFFFFF0, s2  }
0x28: {  	s31 =	sadd.s32 s4, s2  }
0x29: {  	s2 =	sadd.s32 $0x0, s31  }
0x2a: {  	[tilespmem:s28], [sflag:$0x1] =	stream.linear.gather [hbm4b:s2+s3], $0x1, $0x38;
	[tilespmem:$0xA400] =	vst v63  }
0x2b: {  	s18 =	smov.u32 s28;
	s2 =	simm.s32 $0x1  }
.LBB2_3:
0x2c: {  	p0 =	sne.s32 s2, $0x3F  }
.Ltmp2:
0x2d: {  	_ = 	snop;
	(pc) =	sbr.rel @p0 .LBB2_3-.Ltmp2, $4  }
0x2e: {  	_ = 	snop  }
0x2f: {  	s30 =	sshrl.u32 s2, $0x3;
	s2 =	sadd.s32 $0x1, s2  }
0x30: {  	s18 =	sadd.s32 $0x80, s18;
	s30 =	sadd.s32 s30, s31  }
0x31: {  	[tilespmem:s18], [sflag:$0x1] =	stream.linear.gather [hbm4b:s30+s3], $0x1, $0x38;
	[tilespmem:$0xA400] =	vst v63  }
0x32: {  	(v2sf) =	vpush v0, $0x1;
	_ =	sdelay $0xe  }
0x33: {  	s2 =	spop (v2sf)  }
0x34: {  	s2 =	sshll.u32 s2, $0x4  }
0x35: {  	s2 =	sand.u32 $0x1FFFFFF0, s2  }
0x36: {  	s31 =	sadd.s32 s4, s2  }
0x37: {  	s2 =	sadd.s32 $0x0, s31  }
0x38: {  	[tilespmem:s19], [sflag:$0x1] =	stream.linear.gather [hbm4b:s2+s3], $0x1, $0x38;
	[tilespmem:$0xA400] =	vst v63  }
0x39: {  	s18 =	smov.u32 s19;
	s2 =	simm.s32 $0x1  }
.LBB2_5:
0x3a: {  	p0 =	sne.s32 s2, $0x3F  }
.Ltmp3:
0x3b: {  	_ = 	snop;
	(pc) =	sbr.rel @p0 .LBB2_5-.Ltmp3, $4  }
0x3c: {  	_ = 	snop  }
0x3d: {  	s30 =	sshrl.u32 s2, $0x3;
	s2 =	sadd.s32 $0x1, s2  }
0x3e: {  	s18 =	sadd.s32 $0x80, s18;
	s30 =	sadd.s32 s30, s31  }
0x3f: {  	[tilespmem:s18], [sflag:$0x1] =	stream.linear.gather [hbm4b:s30+s3], $0x1, $0x38;
	[tilespmem:$0xA400] =	vst v63  }
0x40: {  	(v2sf) =	vpush v0, $0x2;
	_ =	sdelay $0xe  }
0x41: {  	s2 =	spop (v2sf)  }
0x42: {  	s2 =	sshll.u32 s2, $0x4  }
0x43: {  	s2 =	sand.u32 $0x1FFFFFF0, s2  }
0x44: {  	s31 =	sadd.s32 s4, s2  }
0x45: {  	s2 =	sadd.s32 $0x0, s31  }
0x46: {  	[tilespmem:s20], [sflag:$0x1] =	stream.linear.gather [hbm4b:s2+s3], $0x1, $0x38;
	[tilespmem:$0xA400] =	vst v63  }
0x47: {  	s18 =	smov.u32 s20;
	s2 =	simm.s32 $0x1  }
.LBB2_7:
0x48: {  	p0 =	sne.s32 s2, $0x3F  }
.Ltmp4:
0x49: {  	_ = 	snop;
	(pc) =	sbr.rel @p0 .LBB2_7-.Ltmp4, $4  }
0x4a: {  	_ = 	snop  }
0x4b: {  	s30 =	sshrl.u32 s2, $0x3;
	s2 =	sadd.s32 $0x1, s2  }
0x4c: {  	s18 =	sadd.s32 $0x80, s18;
	s30 =	sadd.s32 s30, s31  }
0x4d: {  	[tilespmem:s18], [sflag:$0x1] =	stream.linear.gather [hbm4b:s30+s3], $0x1, $0x38;
	[tilespmem:$0xA400] =	vst v63  }
0x4e: {  	(v2sf) =	vpush v0, $0x3;
	_ =	sdelay $0xe  }
0x4f: {  	s2 =	spop (v2sf)  }
0x50: {  	s2 =	sshll.u32 s2, $0x4  }
0x51: {  	s2 =	sand.u32 $0x1FFFFFF0, s2  }
0x52: {  	s31 =	sadd.s32 s4, s2  }
0x53: {  	s2 =	sadd.s32 $0x0, s31  }
0x54: {  	[tilespmem:s21], [sflag:$0x1] =	stream.linear.gather [hbm4b:s2+s3], $0x1, $0x38;
	[tilespmem:$0xA400] =	vst v63  }
0x55: {  	s18 =	smov.u32 s21;
	s2 =	simm.s32 $0x1  }
.LBB2_9:
0x56: {  	p0 =	sne.s32 s2, $0x3F  }
.Ltmp5:
0x57: {  	_ = 	snop;
	(pc) =	sbr.rel @p0 .LBB2_9-.Ltmp5, $4  }
0x58: {  	_ = 	snop  }
0x59: {  	s30 =	sshrl.u32 s2, $0x3;
	s2 =	sadd.s32 $0x1, s2  }
0x5a: {  	s18 =	sadd.s32 $0x80, s18;
	s30 =	sadd.s32 s30, s31  }
0x5b: {  	[tilespmem:s18], [sflag:$0x1] =	stream.linear.gather [hbm4b:s30+s3], $0x1, $0x38;
	[tilespmem:$0xA400] =	vst v63  }
0x5c: {  	(v2sf) =	vpush v0, $0x4;
	_ =	sdelay $0xe  }
0x5d: {  	s2 =	spop (v2sf)  }
0x5e: {  	s2 =	sshll.u32 s2, $0x4  }
0x5f: {  	s2 =	sand.u32 $0x1FFFFFF0, s2  }
0x60: {  	s31 =	sadd.s32 s4, s2  }
0x61: {  	s2 =	sadd.s32 $0x0, s31  }
0x62: {  	[tilespmem:s22], [sflag:$0x1] =	stream.linear.gather [hbm4b:s2+s3], $0x1, $0x38;
	[tilespmem:$0xA400] =	vst v63  }
0x63: {  	s18 =	smov.u32 s22;
	s2 =	simm.s32 $0x1  }
.LBB2_11:
0x64: {  	p0 =	sne.s32 s2, $0x3F  }
.Ltmp6:
0x65: {  	_ = 	snop;
	(pc) =	sbr.rel @p0 .LBB2_11-.Ltmp6, $4  }
0x66: {  	_ = 	snop  }
0x67: {  	s30 =	sshrl.u32 s2, $0x3;
	s2 =	sadd.s32 $0x1, s2  }
0x68: {  	s18 =	sadd.s32 $0x80, s18;
	s30 =	sadd.s32 s30, s31  }
0x69: {  	[tilespmem:s18], [sflag:$0x1] =	stream.linear.gather [hbm4b:s30+s3], $0x1, $0x38;
	[tilespmem:$0xA400] =	vst v63  }
0x6a: {  	(v2sf) =	vpush v0, $0x5;
	_ =	sdelay $0xe  }
0x6b: {  	s2 =	spop (v2sf)  }
0x6c: {  	s2 =	sshll.u32 s2, $0x4  }
0x6d: {  	s2 =	sand.u32 $0x1FFFFFF0, s2  }
0x6e: {  	s31 =	sadd.s32 s4, s2  }
0x6f: {  	s2 =	sadd.s32 $0x0, s31  }
0x70: {  	[tilespmem:s23], [sflag:$0x1] =	stream.linear.gather [hbm4b:s2+s3], $0x1, $0x38;
	[tilespmem:$0xA400] =	vst v63  }
0x71: {  	s18 =	smov.u32 s23;
	s2 =	simm.s32 $0x1  }
.LBB2_13:
0x72: {  	p0 =	sne.s32 s2, $0x3F  }
.Ltmp7:
0x73: {  	_ = 	snop;
	(pc) =	sbr.rel @p0 .LBB2_13-.Ltmp7, $4  }
0x74: {  	_ = 	snop  }
0x75: {  	s30 =	sshrl.u32 s2, $0x3;
	s2 =	sadd.s32 $0x1, s2  }
0x76: {  	s18 =	sadd.s32 $0x80, s18;
	s30 =	sadd.s32 s30, s31  }
0x77: {  	[tilespmem:s18], [sflag:$0x1] =	stream.linear.gather [hbm4b:s30+s3], $0x1, $0x38;
	[tilespmem:$0xA400] =	vst v63  }
0x78: {  	(v2sf) =	vpush v0, $0x6;
	_ =	sdelay $0xe  }
0x79: {  	s2 =	spop (v2sf)  }
0x7a: {  	s2 =	sshll.u32 s2, $0x4  }
0x7b: {  	s2 =	sand.u32 $0x1FFFFFF0, s2  }
0x7c: {  	s31 =	sadd.s32 s4, s2  }
0x7d: {  	s2 =	sadd.s32 $0x0, s31  }
0x7e: {  	[tilespmem:s24], [sflag:$0x1] =	stream.linear.gather [hbm4b:s2+s3], $0x1, $0x38;
	[tilespmem:$0xA400] =	vst v63  }
0x7f: {  	s18 =	smov.u32 s24;
	s2 =	simm.s32 $0x1  }
.LBB2_15:
0x80: {  	p0 =	sne.s32 s2, $0x3F  }
.Ltmp8:
0x81: {  	_ = 	snop;
	(pc) =	sbr.rel @p0 .LBB2_15-.Ltmp8, $4  }
0x82: {  	_ = 	snop  }
0x83: {  	s30 =	sshrl.u32 s2, $0x3;
	s2 =	sadd.s32 $0x1, s2  }
0x84: {  	s18 =	sadd.s32 $0x80, s18;
	s30 =	sadd.s32 s30, s31  }
0x85: {  	[tilespmem:s18], [sflag:$0x1] =	stream.linear.gather [hbm4b:s30+s3], $0x1, $0x38;
	[tilespmem:$0xA400] =	vst v63  }
0x86: {  	(v2sf) =	vpush v0, $0x7;
	_ =	sdelay $0xe  }
0x87: {  	s2 =	spop (v2sf)  }
0x88: {  	s2 =	sshll.u32 s2, $0x4  }
0x89: {  	s2 =	sand.u32 $0x1FFFFFF0, s2  }
0x8a: {  	s31 =	sadd.s32 s4, s2  }
0x8b: {  	s2 =	sadd.s32 $0x0, s31  }
0x8c: {  	[tilespmem:s25], [sflag:$0x1] =	stream.linear.gather [hbm4b:s2+s3], $0x1, $0x38;
	[tilespmem:$0xA400] =	vst v63  }
0x8d: {  	s18 =	smov.u32 s25;
	s2 =	simm.s32 $0x1  }
.LBB2_17:
0x8e: {  	p0 =	sne.s32 s2, $0x3F  }
.Ltmp9:
0x8f: {  	_ = 	snop;
	(pc) =	sbr.rel @p0 .LBB2_17-.Ltmp9, $4  }
0x90: {  	_ = 	snop  }
0x91: {  	s30 =	sshrl.u32 s2, $0x3;
	s2 =	sadd.s32 $0x1, s2  }
0x92: {  	s18 =	sadd.s32 $0x80, s18;
	s30 =	sadd.s32 s30, s31  }
0x93: {  	[tilespmem:s18], [sflag:$0x1] =	stream.linear.gather [hbm4b:s30+s3], $0x1, $0x38;
	[tilespmem:$0xA400] =	vst v63  }
0x94: {  	(v2sf) =	vpush v0, $0x8;
	_ =	sdelay $0xe  }
0x95: {  	s2 =	spop (v2sf)  }
0x96: {  	s2 =	sshll.u32 s2, $0x4  }
0x97: {  	s2 =	sand.u32 $0x1FFFFFF0, s2  }
0x98: {  	s31 =	sadd.s32 s4, s2  }
0x99: {  	s2 =	sadd.s32 $0x0, s31  }
0x9a: {  	[tilespmem:s1], [sflag:$0x1] =	stream.linear.gather [hbm4b:s2+s3], $0x1, $0x38;
	[tilespmem:$0xA400] =	vst v63  }
0x9b: {  	s18 =	smov.u32 s1;
	s2 =	simm.s32 $0x1  }
.LBB2_19:
0x9c: {  	p0 =	sne.s32 s2, $0x3F  }
.Ltmp10:
0x9d: {  	_ = 	snop;
	(pc) =	sbr.rel @p0 .LBB2_19-.Ltmp10, $4  }
0x9e: {  	_ = 	snop  }
0x9f: {  	s30 =	sshrl.u32 s2, $0x3;
	s2 =	sadd.s32 $0x1, s2  }
0xa0: {  	s18 =	sadd.s32 $0x80, s18;
	s30 =	sadd.s32 s30, s31  }
0xa1: {  	[tilespmem:s18], [sflag:$0x1] =	stream.linear.gather [hbm4b:s30+s3], $0x1, $0x38;
	[tilespmem:$0xA400] =	vst v63  }
0xa2: {  	(v2sf) =	vpush v0, $0x9;
	_ =	sdelay $0xe  }
0xa3: {  	s2 =	spop (v2sf)  }
0xa4: {  	s2 =	sshll.u32 s2, $0x4  }
0xa5: {  	s2 =	sand.u32 $0x1FFFFFF0, s2  }
0xa6: {  	s31 =	sadd.s32 s4, s2  }
0xa7: {  	s2 =	sadd.s32 $0x0, s31  }
0xa8: {  	[tilespmem:s0], [sflag:$0x1] =	stream.linear.gather [hbm4b:s2+s3], $0x1, $0x38;
	[tilespmem:$0xA400] =	vst v63  }
0xa9: {  	s18 =	smov.u32 s0;
	s2 =	simm.s32 $0x1  }
.LBB2_21:
0xaa: {  	p0 =	sne.s32 s2, $0x3F  }
.Ltmp11:
0xab: {  	_ = 	snop;
	(pc) =	sbr.rel @p0 .LBB2_21-.Ltmp11, $4  }
0xac: {  	_ = 	snop  }
0xad: {  	s30 =	sshrl.u32 s2, $0x3;
	s2 =	sadd.s32 $0x1, s2  }
0xae: {  	s18 =	sadd.s32 $0x80, s18;
	s30 =	sadd.s32 s30, s31  }
0xaf: {  	[tilespmem:s18], [sflag:$0x1] =	stream.linear.gather [hbm4b:s30+s3], $0x1, $0x38;
	[tilespmem:$0xA400] =	vst v63  }
0xb0: {  	(v2sf) =	vpush v0, $0xA;
	_ =	sdelay $0xe  }
0xb1: {  	s2 =	spop (v2sf)  }
0xb2: {  	s2 =	sshll.u32 s2, $0x4  }
0xb3: {  	s2 =	sand.u32 $0x1FFFFFF0, s2  }
0xb4: {  	s31 =	sadd.s32 s4, s2  }
0xb5: {  	s2 =	sadd.s32 $0x0, s31  }
0xb6: {  	[tilespmem:s15], [sflag:$0x1] =	stream.linear.gather [hbm4b:s2+s3], $0x1, $0x38;
	[tilespmem:$0xA400] =	vst v63  }
0xb7: {  	s18 =	smov.u32 s15;
	s2 =	simm.s32 $0x1  }
.LBB2_23:
0xb8: {  	p0 =	sne.s32 s2, $0x3F  }
.Ltmp12:
0xb9: {  	_ = 	snop;
	(pc) =	sbr.rel @p0 .LBB2_23-.Ltmp12, $4  }
0xba: {  	_ = 	snop  }
0xbb: {  	s30 =	sshrl.u32 s2, $0x3;
	s2 =	sadd.s32 $0x1, s2  }
0xbc: {  	s18 =	sadd.s32 $0x80, s18;
	s30 =	sadd.s32 s30, s31  }
0xbd: {  	[tilespmem:s18], [sflag:$0x1] =	stream.linear.gather [hbm4b:s30+s3], $0x1, $0x38;
	[tilespmem:$0xA400] =	vst v63  }
0xbe: {  	(v2sf) =	vpush v0, $0xB;
	_ =	sdelay $0xe  }
0xbf: {  	s2 =	spop (v2sf)  }
0xc0: {  	s2 =	sshll.u32 s2, $0x4  }
0xc1: {  	s2 =	sand.u32 $0x1FFFFFF0, s2  }
0xc2: {  	s31 =	sadd.s32 s4, s2  }
0xc3: {  	s2 =	sadd.s32 $0x0, s31  }
0xc4: {  	[tilespmem:s16], [sflag:$0x1] =	stream.linear.gather [hbm4b:s2+s3], $0x1, $0x38;
	[tilespmem:$0xA400] =	vst v63  }
0xc5: {  	s18 =	smov.u32 s16;
	s2 =	simm.s32 $0x1  }
.LBB2_25:
0xc6: {  	p0 =	sne.s32 s2, $0x3F  }
.Ltmp13:
0xc7: {  	_ = 	snop;
	(pc) =	sbr.rel @p0 .LBB2_25-.Ltmp13, $4  }
0xc8: {  	_ = 	snop  }
0xc9: {  	s30 =	sshrl.u32 s2, $0x3;
	s2 =	sadd.s32 $0x1, s2  }
0xca: {  	s18 =	sadd.s32 $0x80, s18;
	s30 =	sadd.s32 s30, s31  }
0xcb: {  	[tilespmem:s18], [sflag:$0x1] =	stream.linear.gather [hbm4b:s30+s3], $0x1, $0x38;
	[tilespmem:$0xA400] =	vst v63  }
0xcc: {  	(v2sf) =	vpush v0, $0xC;
	_ =	sdelay $0xe  }
0xcd: {  	s2 =	spop (v2sf)  }
0xce: {  	s2 =	sshll.u32 s2, $0x4  }
0xcf: {  	s2 =	sand.u32 $0x1FFFFFF0, s2  }
0xd0: {  	s31 =	sadd.s32 s4, s2  }
0xd1: {  	s2 =	sadd.s32 $0x0, s31  }
0xd2: {  	[tilespmem:s5], [sflag:$0x1] =	stream.linear.gather [hbm4b:s2+s3], $0x1, $0x38;
	[tilespmem:$0xA400] =	vst v63  }
0xd3: {  	s18 =	smov.u32 s5;
	s2 =	simm.s32 $0x1  }
.LBB2_27:
0xd4: {  	p0 =	sne.s32 s2, $0x3F  }
.Ltmp14:
0xd5: {  	_ = 	snop;
	(pc) =	sbr.rel @p0 .LBB2_27-.Ltmp14, $4  }
0xd6: {  	_ = 	snop  }
0xd7: {  	s30 =	sshrl.u32 s2, $0x3;
	s2 =	sadd.s32 $0x1, s2  }
0xd8: {  	s18 =	sadd.s32 $0x80, s18;
	s30 =	sadd.s32 s30, s31  }
0xd9: {  	[tilespmem:s18], [sflag:$0x1] =	stream.linear.gather [hbm4b:s30+s3], $0x1, $0x38;
	[tilespmem:$0xA400] =	vst v63  }
0xda: {  	(v2sf) =	vpush v0, $0xD;
	_ =	sdelay $0xe  }
0xdb: {  	s2 =	spop (v2sf)  }
0xdc: {  	s2 =	sshll.u32 s2, $0x4  }
0xdd: {  	s2 =	sand.u32 $0x1FFFFFF0, s2  }
0xde: {  	s31 =	sadd.s32 s4, s2  }
0xdf: {  	s2 =	sadd.s32 $0x0, s31  }
0xe0: {  	[tilespmem:s14], [sflag:$0x1] =	stream.linear.gather [hbm4b:s2+s3], $0x1, $0x38;
	[tilespmem:$0xA400] =	vst v63  }
0xe1: {  	s18 =	smov.u32 s14;
	s2 =	simm.s32 $0x1  }
.LBB2_29:
0xe2: {  	p0 =	sne.s32 s2, $0x3F  }
.Ltmp15:
0xe3: {  	_ = 	snop;
	(pc) =	sbr.rel @p0 .LBB2_29-.Ltmp15, $4  }
0xe4: {  	_ = 	snop  }
0xe5: {  	s30 =	sshrl.u32 s2, $0x3;
	s2 =	sadd.s32 $0x1, s2  }
0xe6: {  	s18 =	sadd.s32 $0x80, s18;
	s30 =	sadd.s32 s30, s31  }
0xe7: {  	[tilespmem:s18], [sflag:$0x1] =	stream.linear.gather [hbm4b:s30+s3], $0x1, $0x38;
	[tilespmem:$0xA400] =	vst v63  }
0xe8: {  	(v2sf) =	vpush v0, $0xE;
	_ =	sdelay $0xe  }
0xe9: {  	s2 =	spop (v2sf)  }
0xea: {  	s2 =	sshll.u32 s2, $0x4  }
0xeb: {  	s2 =	sand.u32 $0x1FFFFFF0, s2  }
0xec: {  	s31 =	sadd.s32 s4, s2  }
0xed: {  	s2 =	sadd.s32 $0x0, s31  }
0xee: {  	[tilespmem:s17], [sflag:$0x1] =	stream.linear.gather [hbm4b:s2+s3], $0x1, $0x38;
	[tilespmem:$0xA400] =	vst v63  }
0xef: {  	s18 =	smov.u32 s17;
	s2 =	simm.s32 $0x1  }
.LBB2_31:
0xf0: {  	p0 =	sne.s32 s2, $0x3F  }
.Ltmp16:
0xf1: {  	_ = 	snop;
	(pc) =	sbr.rel @p0 .LBB2_31-.Ltmp16, $4  }
0xf2: {  	_ = 	snop  }
0xf3: {  	s30 =	sshrl.u32 s2, $0x3;
	s2 =	sadd.s32 $0x1, s2  }
0xf4: {  	s18 =	sadd.s32 $0x80, s18;
	s30 =	sadd.s32 s30, s31  }
0xf5: {  	[tilespmem:s18], [sflag:$0x1] =	stream.linear.gather [hbm4b:s30+s3], $0x1, $0x38;
	[tilespmem:$0xA400] =	vst v63  }
0xf6: {  	(v2sf) =	vpush v0, $0xF;
	_ =	sdelay $0xe  }
0xf7: {  	s2 =	spop (v2sf)  }
0xf8: {  	s2 =	sshll.u32 s2, $0x4  }
0xf9: {  	s2 =	sand.u32 $0x1FFFFFF0, s2  }
0xfa: {  	s31 =	sadd.s32 s4, s2  }
0xfb: {  	s2 =	sadd.s32 $0x0, s31  }
0xfc: {  	[tilespmem:s26], [sflag:$0x1] =	stream.linear.gather [hbm4b:s2+s3], $0x1, $0x38;
	[tilespmem:$0xA400] =	vst v63  }
0xfd: {  	s18 =	smov.u32 s26;
	s2 =	simm.s32 $0x1  }
.LBB2_33:
0xfe: {  	p0 =	sne.s32 s2, $0x3F  }
.Ltmp17:
0xff: {  	_ = 	snop;
	(pc) =	sbr.rel @p0 .LBB2_33-.Ltmp17, $4  }
0x100: {  	_ = 	snop  }
0x101: {  	s30 =	sshrl.u32 s2, $0x3;
	s2 =	sadd.s32 $0x1, s2  }
0x102: {  	s18 =	sadd.s32 $0x80, s18;
	s30 =	sadd.s32 s30, s31  }
0x103: {  	[tilespmem:s18], [sflag:$0x1] =	stream.linear.gather [hbm4b:s30+s3], $0x1, $0x38;
	[tilespmem:$0xA400] =	vst v63  }
0x104: {  	s29 =	sadd.s32 $0x1, s29  }
0x105: {  	s28 =	sadd.s32 $0x10, s28;
	s19 =	sadd.s32 $0x10, s19;
	p0 =	sne.s32 s29, $0x8  }
.Ltmp18:
0x106: {  	s20 =	sadd.s32 $0x10, s20;
	s21 =	sadd.s32 $0x10, s21;
	(pc) =	sbr.rel @p0 .LBB2_2-.Ltmp18, $4  }
0x107: {  	s22 =	sadd.s32 $0x10, s22;
	s23 =	sadd.s32 $0x10, s23;
	s24 =	sadd.s32 $0x10, s24  }
0x108: {  	s25 =	sadd.s32 $0x10, s25;
	s1 =	sadd.s32 $0x10, s1;
	s0 =	sadd.s32 $0x10, s0  }
0x109: {  	s15 =	sadd.s32 $0x10, s15;
	s16 =	sadd.s32 $0x10, s16;
	s5 =	sadd.s32 $0x10, s5  }
0x10a: {  	s14 =	sadd.s32 $0x10, s14;
	s17 =	sadd.s32 $0x10, s17;
	s26 =	sadd.s32 $0x10, s26  }
.Ltmp19:
0x10b: {  	(pc) =	sbr.rel .LBB2_36-.Ltmp19, $2  }
0x10c: {  	_ =	sdelay $0x2  }
0x10d: {  	s19 =	simm.s32 $0x0  }
.LBB2_115:
0x10e: {  	s19 =	sadd.s32 $0x1, s19  }
0x10f: {  	p0 =	sne.s32 s19, $0xC8  }
.Ltmp20:
0x110: {  	_ = 	snop;
	(pc) =	sbr.rel @!p0 .LBB2_116-.Ltmp20, $1  }
0x111: {  	_ =	sdelay $0x3  }
.LBB2_36:
0x112: {  	s0 =	sand.u32 $0x1, s19  }
0x113: {  	p0 =	seq.s32 s0, $0x1  }
.Ltmp21:
0x114: {  	_ = 	snop;
	(pc) =	sbr.rel @!p0 .LBB2_37-.Ltmp21, $1  }
0x115: {  	_ =	sdelay $0x3  }
0x116: {  	p0 =	seq.s32 s19, $0xC7  }
.Ltmp22:
0x117: {  	_ = 	snop;
	(pc) =	sbr.rel @p0 .LBB2_112-.Ltmp22, $1  }
0x118: {  	_ =	sdelay $0x3  }
0x119: {  	s1 =	simm.s32 $0x3;
	s0 =	sshll.u32 s19, $0x7;
	s20 =	simm.s32 $0x0  }
0x11a: {  	s21 =	simm.s32 $0x6400;
	s22 =	simm.s32 $0x6401;
	s23 =	simm.s32 $0x6402  }
0x11b: {  	s24 =	simm.s32 $0x6403;
	s25 =	simm.s32 $0x6404;
	s26 =	simm.s32 $0x6405  }
0x11c: {  	s31 =	simm.s32 $0x6406;
	s15 =	simm.s32 $0x6409;
	s16 =	simm.s32 $0x640A  }
0x11d: {  	s5 =	simm.s32 $0x640B;
	s14 =	simm.s32 $0x640C;
	s17 =	simm.s32 $0x640D  }
0x11e: {  	s29 =	simm.s32 $0x640E;
	_ =	swait.ge [sflag:s1], $0x2000;
	s0 =	sand.u32 $0x3FFFFF80, s0  }
0x11f: {  	s28 =	simm.s32 $0x640F;
	[sflag:s1] =	ssyncset.done $0x0;
	s2 =	sadd.s32 $0x80, s0  }
0x120: {  	s0 =	simm.s32 $0x6408;
	[sflag:s1] =	ssyncadd.s32 $0xFFFFE000;
	s1 =	simm.s32 $0x6407;
	v0 =	vmov s2  }
.LBB2_79:
0x121: {  	_ =	sdelay $0x2  }
0x122: {  	s2 =	sshll.u32 s20, $0x4  }
0x123: {  	v1 =	vld.idx.msk [tilespmem:v0+s2+$0x0 ss:$0x1], $0xffff;
	_ =	sdelay $0x4  }
0x124: {  	(v2sf) =	vpush v1, $0x0;
	_ =	sdelay $0xe  }
0x125: {  	s18 =	spop (v2sf)  }
0x126: {  	s2 =	sshll.u32 s18, $0x4  }
0x127: {  	s2 =	sand.u32 $0x1FFFFFF0, s2  }
0x128: {  	s2 =	sadd.s32 s4, s2  }
0x129: {  	s30 =	smov.u32 s21;
	s18 =	simm.s32 $0x1;
	s6 =	sadd.s32 $0x0, s2  }
0x12a: {  	[tilespmem:s21], [sflag:$0x1] =	stream.linear.gather [hbm4b:s6+s3], $0x1, $0x38;
	[tilespmem:$0xA400] =	vst v63  }
.LBB2_80:
0x12b: {  	p0 =	sne.s32 s18, $0x3F  }
.Ltmp23:
0x12c: {  	_ = 	snop;
	(pc) =	sbr.rel @p0 .LBB2_80-.Ltmp23, $4  }
0x12d: {  	_ = 	snop  }
0x12e: {  	s6 =	sshrl.u32 s18, $0x3;
	s18 =	sadd.s32 $0x1, s18  }
0x12f: {  	s30 =	sadd.s32 $0x80, s30;
	s6 =	sadd.s32 s6, s2  }
0x130: {  	[tilespmem:s30], [sflag:$0x1] =	stream.linear.gather [hbm4b:s6+s3], $0x1, $0x38;
	[tilespmem:$0xA400] =	vst v63  }
0x131: {  	(v2sf) =	vpush v1, $0x1;
	_ =	sdelay $0xe  }
0x132: {  	s2 =	spop (v2sf)  }
0x133: {  	s2 =	sshll.u32 s2, $0x4  }
0x134: {  	s2 =	sand.u32 $0x1FFFFFF0, s2  }
0x135: {  	s2 =	sadd.s32 s4, s2  }
0x136: {  	s18 =	simm.s32 $0x1;
	s30 =	smov.u32 s22;
	s6 =	sadd.s32 $0x0, s2  }
0x137: {  	[tilespmem:s22], [sflag:$0x1] =	stream.linear.gather [hbm4b:s6+s3], $0x1, $0x38;
	[tilespmem:$0xA400] =	vst v63  }
.LBB2_82:
0x138: {  	p0 =	sne.s32 s18, $0x3F  }
.Ltmp24:
0x139: {  	_ = 	snop;
	(pc) =	sbr.rel @p0 .LBB2_82-.Ltmp24, $4  }
0x13a: {  	_ = 	snop  }
0x13b: {  	s6 =	sshrl.u32 s18, $0x3;
	s18 =	sadd.s32 $0x1, s18  }
0x13c: {  	s30 =	sadd.s32 $0x80, s30;
	s6 =	sadd.s32 s6, s2  }
0x13d: {  	[tilespmem:s30], [sflag:$0x1] =	stream.linear.gather [hbm4b:s6+s3], $0x1, $0x38;
	[tilespmem:$0xA400] =	vst v63  }
0x13e: {  	(v2sf) =	vpush v1, $0x2;
	_ =	sdelay $0xe  }
0x13f: {  	s2 =	spop (v2sf)  }
0x140: {  	s2 =	sshll.u32 s2, $0x4  }
0x141: {  	s2 =	sand.u32 $0x1FFFFFF0, s2  }
0x142: {  	s2 =	sadd.s32 s4, s2  }
0x143: {  	s18 =	simm.s32 $0x1;
	s30 =	smov.u32 s23;
	s6 =	sadd.s32 $0x0, s2  }
0x144: {  	[tilespmem:s23], [sflag:$0x1] =	stream.linear.gather [hbm4b:s6+s3], $0x1, $0x38;
	[tilespmem:$0xA400] =	vst v63  }
.LBB2_84:
0x145: {  	p0 =	sne.s32 s18, $0x3F  }
.Ltmp25:
0x146: {  	_ = 	snop;
	(pc) =	sbr.rel @p0 .LBB2_84-.Ltmp25, $4  }
0x147: {  	_ = 	snop  }
0x148: {  	s6 =	sshrl.u32 s18, $0x3;
	s18 =	sadd.s32 $0x1, s18  }
0x149: {  	s30 =	sadd.s32 $0x80, s30;
	s6 =	sadd.s32 s6, s2  }
0x14a: {  	[tilespmem:s30], [sflag:$0x1] =	stream.linear.gather [hbm4b:s6+s3], $0x1, $0x38;
	[tilespmem:$0xA400] =	vst v63  }
0x14b: {  	(v2sf) =	vpush v1, $0x3;
	_ =	sdelay $0xe  }
0x14c: {  	s2 =	spop (v2sf)  }
0x14d: {  	s2 =	sshll.u32 s2, $0x4  }
0x14e: {  	s2 =	sand.u32 $0x1FFFFFF0, s2  }
0x14f: {  	s2 =	sadd.s32 s4, s2  }
0x150: {  	s18 =	simm.s32 $0x1;
	s30 =	smov.u32 s24;
	s6 =	sadd.s32 $0x0, s2  }
0x151: {  	[tilespmem:s24], [sflag:$0x1] =	stream.linear.gather [hbm4b:s6+s3], $0x1, $0x38;
	[tilespmem:$0xA400] =	vst v63  }
.LBB2_86:
0x152: {  	p0 =	sne.s32 s18, $0x3F  }
.Ltmp26:
0x153: {  	_ = 	snop;
	(pc) =	sbr.rel @p0 .LBB2_86-.Ltmp26, $4  }
0x154: {  	_ = 	snop  }
0x155: {  	s6 =	sshrl.u32 s18, $0x3;
	s18 =	sadd.s32 $0x1, s18  }
0x156: {  	s30 =	sadd.s32 $0x80, s30;
	s6 =	sadd.s32 s6, s2  }
0x157: {  	[tilespmem:s30], [sflag:$0x1] =	stream.linear.gather [hbm4b:s6+s3], $0x1, $0x38;
	[tilespmem:$0xA400] =	vst v63  }
0x158: {  	(v2sf) =	vpush v1, $0x4;
	_ =	sdelay $0xe  }
0x159: {  	s2 =	spop (v2sf)  }
0x15a: {  	s2 =	sshll.u32 s2, $0x4  }
0x15b: {  	s2 =	sand.u32 $0x1FFFFFF0, s2  }
0x15c: {  	s2 =	sadd.s32 s4, s2  }
0x15d: {  	s18 =	simm.s32 $0x1;
	s30 =	smov.u32 s25;
	s6 =	sadd.s32 $0x0, s2  }
0x15e: {  	[tilespmem:s25], [sflag:$0x1] =	stream.linear.gather [hbm4b:s6+s3], $0x1, $0x38;
	[tilespmem:$0xA400] =	vst v63  }
.LBB2_88:
0x15f: {  	p0 =	sne.s32 s18, $0x3F  }
.Ltmp27:
0x160: {  	_ = 	snop;
	(pc) =	sbr.rel @p0 .LBB2_88-.Ltmp27, $4  }
0x161: {  	_ = 	snop  }
0x162: {  	s6 =	sshrl.u32 s18, $0x3;
	s18 =	sadd.s32 $0x1, s18  }
0x163: {  	s30 =	sadd.s32 $0x80, s30;
	s6 =	sadd.s32 s6, s2  }
0x164: {  	[tilespmem:s30], [sflag:$0x1] =	stream.linear.gather [hbm4b:s6+s3], $0x1, $0x38;
	[tilespmem:$0xA400] =	vst v63  }
0x165: {  	(v2sf) =	vpush v1, $0x5;
	_ =	sdelay $0xe  }
0x166: {  	s2 =	spop (v2sf)  }
0x167: {  	s2 =	sshll.u32 s2, $0x4  }
0x168: {  	s2 =	sand.u32 $0x1FFFFFF0, s2  }
0x169: {  	s2 =	sadd.s32 s4, s2  }
0x16a: {  	s18 =	simm.s32 $0x1;
	s30 =	smov.u32 s26;
	s6 =	sadd.s32 $0x0, s2  }
0x16b: {  	[tilespmem:s26], [sflag:$0x1] =	stream.linear.gather [hbm4b:s6+s3], $0x1, $0x38;
	[tilespmem:$0xA400] =	vst v63  }
.LBB2_90:
0x16c: {  	p0 =	sne.s32 s18, $0x3F  }
.Ltmp28:
0x16d: {  	_ = 	snop;
	(pc) =	sbr.rel @p0 .LBB2_90-.Ltmp28, $4  }
0x16e: {  	_ = 	snop  }
0x16f: {  	s6 =	sshrl.u32 s18, $0x3;
	s18 =	sadd.s32 $0x1, s18  }
0x170: {  	s30 =	sadd.s32 $0x80, s30;
	s6 =	sadd.s32 s6, s2  }
0x171: {  	[tilespmem:s30], [sflag:$0x1] =	stream.linear.gather [hbm4b:s6+s3], $0x1, $0x38;
	[tilespmem:$0xA400] =	vst v63  }
0x172: {  	(v2sf) =	vpush v1, $0x6;
	_ =	sdelay $0xe  }
0x173: {  	s2 =	spop (v2sf)  }
0x174: {  	s2 =	sshll.u32 s2, $0x4  }
0x175: {  	s2 =	sand.u32 $0x1FFFFFF0, s2  }
0x176: {  	s2 =	sadd.s32 s4, s2  }
0x177: {  	s18 =	simm.s32 $0x1;
	s30 =	smov.u32 s31;
	s6 =	sadd.s32 $0x0, s2  }
0x178: {  	[tilespmem:s31], [sflag:$0x1] =	stream.linear.gather [hbm4b:s6+s3], $0x1, $0x38;
	[tilespmem:$0xA400] =	vst v63  }
.LBB2_92:
0x179: {  	p0 =	sne.s32 s18, $0x3F  }
.Ltmp29:
0x17a: {  	_ = 	snop;
	(pc) =	sbr.rel @p0 .LBB2_92-.Ltmp29, $4  }
0x17b: {  	_ = 	snop  }
0x17c: {  	s6 =	sshrl.u32 s18, $0x3;
	s18 =	sadd.s32 $0x1, s18  }
0x17d: {  	s30 =	sadd.s32 $0x80, s30;
	s6 =	sadd.s32 s6, s2  }
0x17e: {  	[tilespmem:s30], [sflag:$0x1] =	stream.linear.gather [hbm4b:s6+s3], $0x1, $0x38;
	[tilespmem:$0xA400] =	vst v63  }
0x17f: {  	(v2sf) =	vpush v1, $0x7;
	_ =	sdelay $0xe  }
0x180: {  	s2 =	spop (v2sf)  }
0x181: {  	s2 =	sshll.u32 s2, $0x4  }
0x182: {  	s2 =	sand.u32 $0x1FFFFFF0, s2  }
0x183: {  	s2 =	sadd.s32 s4, s2  }
0x184: {  	s18 =	simm.s32 $0x1;
	s30 =	smov.u32 s1;
	s6 =	sadd.s32 $0x0, s2  }
0x185: {  	[tilespmem:s1], [sflag:$0x1] =	stream.linear.gather [hbm4b:s6+s3], $0x1, $0x38;
	[tilespmem:$0xA400] =	vst v63  }
.LBB2_94:
0x186: {  	p0 =	sne.s32 s18, $0x3F  }
.Ltmp30:
0x187: {  	_ = 	snop;
	(pc) =	sbr.rel @p0 .LBB2_94-.Ltmp30, $4  }
0x188: {  	_ = 	snop  }
0x189: {  	s6 =	sshrl.u32 s18, $0x3;
	s18 =	sadd.s32 $0x1, s18  }
0x18a: {  	s30 =	sadd.s32 $0x80, s30;
	s6 =	sadd.s32 s6, s2  }
0x18b: {  	[tilespmem:s30], [sflag:$0x1] =	stream.linear.gather [hbm4b:s6+s3], $0x1, $0x38;
	[tilespmem:$0xA400] =	vst v63  }
0x18c: {  	(v2sf) =	vpush v1, $0x8;
	_ =	sdelay $0xe  }
0x18d: {  	s2 =	spop (v2sf)  }
0x18e: {  	s2 =	sshll.u32 s2, $0x4  }
0x18f: {  	s2 =	sand.u32 $0x1FFFFFF0, s2  }
0x190: {  	s2 =	sadd.s32 s4, s2  }
0x191: {  	s18 =	simm.s32 $0x1;
	s30 =	smov.u32 s0;
	s6 =	sadd.s32 $0x0, s2  }
0x192: {  	[tilespmem:s0], [sflag:$0x1] =	stream.linear.gather [hbm4b:s6+s3], $0x1, $0x38;
	[tilespmem:$0xA400] =	vst v63  }
.LBB2_96:
0x193: {  	p0 =	sne.s32 s18, $0x3F  }
.Ltmp31:
0x194: {  	_ = 	snop;
	(pc) =	sbr.rel @p0 .LBB2_96-.Ltmp31, $4  }
0x195: {  	_ = 	snop  }
0x196: {  	s6 =	sshrl.u32 s18, $0x3;
	s18 =	sadd.s32 $0x1, s18  }
0x197: {  	s30 =	sadd.s32 $0x80, s30;
	s6 =	sadd.s32 s6, s2  }
0x198: {  	[tilespmem:s30], [sflag:$0x1] =	stream.linear.gather [hbm4b:s6+s3], $0x1, $0x38;
	[tilespmem:$0xA400] =	vst v63  }
0x199: {  	(v2sf) =	vpush v1, $0x9;
	_ =	sdelay $0xe  }
0x19a: {  	s2 =	spop (v2sf)  }
0x19b: {  	s2 =	sshll.u32 s2, $0x4  }
0x19c: {  	s2 =	sand.u32 $0x1FFFFFF0, s2  }
0x19d: {  	s2 =	sadd.s32 s4, s2  }
0x19e: {  	s18 =	simm.s32 $0x1;
	s30 =	smov.u32 s15;
	s6 =	sadd.s32 $0x0, s2  }
0x19f: {  	[tilespmem:s15], [sflag:$0x1] =	stream.linear.gather [hbm4b:s6+s3], $0x1, $0x38;
	[tilespmem:$0xA400] =	vst v63  }
.LBB2_98:
0x1a0: {  	p0 =	sne.s32 s18, $0x3F  }
.Ltmp32:
0x1a1: {  	_ = 	snop;
	(pc) =	sbr.rel @p0 .LBB2_98-.Ltmp32, $4  }
0x1a2: {  	_ = 	snop  }
0x1a3: {  	s6 =	sshrl.u32 s18, $0x3;
	s18 =	sadd.s32 $0x1, s18  }
0x1a4: {  	s30 =	sadd.s32 $0x80, s30;
	s6 =	sadd.s32 s6, s2  }
0x1a5: {  	[tilespmem:s30], [sflag:$0x1] =	stream.linear.gather [hbm4b:s6+s3], $0x1, $0x38;
	[tilespmem:$0xA400] =	vst v63  }
0x1a6: {  	(v2sf) =	vpush v1, $0xA;
	_ =	sdelay $0xe  }
0x1a7: {  	s2 =	spop (v2sf)  }
0x1a8: {  	s2 =	sshll.u32 s2, $0x4  }
0x1a9: {  	s2 =	sand.u32 $0x1FFFFFF0, s2  }
0x1aa: {  	s2 =	sadd.s32 s4, s2  }
0x1ab: {  	s18 =	simm.s32 $0x1;
	s30 =	smov.u32 s16;
	s6 =	sadd.s32 $0x0, s2  }
0x1ac: {  	[tilespmem:s16], [sflag:$0x1] =	stream.linear.gather [hbm4b:s6+s3], $0x1, $0x38;
	[tilespmem:$0xA400] =	vst v63  }
.LBB2_100:
0x1ad: {  	p0 =	sne.s32 s18, $0x3F  }
.Ltmp33:
0x1ae: {  	_ = 	snop;
	(pc) =	sbr.rel @p0 .LBB2_100-.Ltmp33, $4  }
0x1af: {  	_ = 	snop  }
0x1b0: {  	s6 =	sshrl.u32 s18, $0x3;
	s18 =	sadd.s32 $0x1, s18  }
0x1b1: {  	s30 =	sadd.s32 $0x80, s30;
	s6 =	sadd.s32 s6, s2  }
0x1b2: {  	[tilespmem:s30], [sflag:$0x1] =	stream.linear.gather [hbm4b:s6+s3], $0x1, $0x38;
	[tilespmem:$0xA400] =	vst v63  }
0x1b3: {  	(v2sf) =	vpush v1, $0xB;
	_ =	sdelay $0xe  }
0x1b4: {  	s2 =	spop (v2sf)  }
0x1b5: {  	s2 =	sshll.u32 s2, $0x4  }
0x1b6: {  	s2 =	sand.u32 $0x1FFFFFF0, s2  }
0x1b7: {  	s2 =	sadd.s32 s4, s2  }
0x1b8: {  	s18 =	simm.s32 $0x1;
	s30 =	smov.u32 s5;
	s6 =	sadd.s32 $0x0, s2  }
0x1b9: {  	[tilespmem:s5], [sflag:$0x1] =	stream.linear.gather [hbm4b:s6+s3], $0x1, $0x38;
	[tilespmem:$0xA400] =	vst v63  }
.LBB2_102:
0x1ba: {  	p0 =	sne.s32 s18, $0x3F  }
.Ltmp34:
0x1bb: {  	_ = 	snop;
	(pc) =	sbr.rel @p0 .LBB2_102-.Ltmp34, $4  }
0x1bc: {  	_ = 	snop  }
0x1bd: {  	s6 =	sshrl.u32 s18, $0x3;
	s18 =	sadd.s32 $0x1, s18  }
0x1be: {  	s30 =	sadd.s32 $0x80, s30;
	s6 =	sadd.s32 s6, s2  }
0x1bf: {  	[tilespmem:s30], [sflag:$0x1] =	stream.linear.gather [hbm4b:s6+s3], $0x1, $0x38;
	[tilespmem:$0xA400] =	vst v63  }
0x1c0: {  	(v2sf) =	vpush v1, $0xC;
	_ =	sdelay $0xe  }
0x1c1: {  	s2 =	spop (v2sf)  }
0x1c2: {  	s2 =	sshll.u32 s2, $0x4  }
0x1c3: {  	s2 =	sand.u32 $0x1FFFFFF0, s2  }
0x1c4: {  	s2 =	sadd.s32 s4, s2  }
0x1c5: {  	s18 =	simm.s32 $0x1;
	s30 =	smov.u32 s14;
	s6 =	sadd.s32 $0x0, s2  }
0x1c6: {  	[tilespmem:s14], [sflag:$0x1] =	stream.linear.gather [hbm4b:s6+s3], $0x1, $0x38;
	[tilespmem:$0xA400] =	vst v63  }
.LBB2_104:
0x1c7: {  	p0 =	sne.s32 s18, $0x3F  }
.Ltmp35:
0x1c8: {  	_ = 	snop;
	(pc) =	sbr.rel @p0 .LBB2_104-.Ltmp35, $4  }
0x1c9: {  	_ = 	snop  }
0x1ca: {  	s6 =	sshrl.u32 s18, $0x3;
	s18 =	sadd.s32 $0x1, s18  }
0x1cb: {  	s30 =	sadd.s32 $0x80, s30;
	s6 =	sadd.s32 s6, s2  }
0x1cc: {  	[tilespmem:s30], [sflag:$0x1] =	stream.linear.gather [hbm4b:s6+s3], $0x1, $0x38;
	[tilespmem:$0xA400] =	vst v63  }
0x1cd: {  	(v2sf) =	vpush v1, $0xD;
	_ =	sdelay $0xe  }
0x1ce: {  	s2 =	spop (v2sf)  }
0x1cf: {  	s2 =	sshll.u32 s2, $0x4  }
0x1d0: {  	s2 =	sand.u32 $0x1FFFFFF0, s2  }
0x1d1: {  	s2 =	sadd.s32 s4, s2  }
0x1d2: {  	s18 =	simm.s32 $0x1;
	s30 =	smov.u32 s17;
	s6 =	sadd.s32 $0x0, s2  }
0x1d3: {  	[tilespmem:s17], [sflag:$0x1] =	stream.linear.gather [hbm4b:s6+s3], $0x1, $0x38;
	[tilespmem:$0xA400] =	vst v63  }
.LBB2_106:
0x1d4: {  	p0 =	sne.s32 s18, $0x3F  }
.Ltmp36:
0x1d5: {  	_ = 	snop;
	(pc) =	sbr.rel @p0 .LBB2_106-.Ltmp36, $4  }
0x1d6: {  	_ = 	snop  }
0x1d7: {  	s6 =	sshrl.u32 s18, $0x3;
	s18 =	sadd.s32 $0x1, s18  }
0x1d8: {  	s30 =	sadd.s32 $0x80, s30;
	s6 =	sadd.s32 s6, s2  }
0x1d9: {  	[tilespmem:s30], [sflag:$0x1] =	stream.linear.gather [hbm4b:s6+s3], $0x1, $0x38;
	[tilespmem:$0xA400] =	vst v63  }
0x1da: {  	(v2sf) =	vpush v1, $0xE;
	_ =	sdelay $0xe  }
0x1db: {  	s2 =	spop (v2sf)  }
0x1dc: {  	s2 =	sshll.u32 s2, $0x4  }
0x1dd: {  	s2 =	sand.u32 $0x1FFFFFF0, s2  }
0x1de: {  	s2 =	sadd.s32 s4, s2  }
0x1df: {  	s18 =	simm.s32 $0x1;
	s30 =	smov.u32 s29;
	s6 =	sadd.s32 $0x0, s2  }
0x1e0: {  	[tilespmem:s29], [sflag:$0x1] =	stream.linear.gather [hbm4b:s6+s3], $0x1, $0x38;
	[tilespmem:$0xA400] =	vst v63  }
.LBB2_108:
0x1e1: {  	p0 =	sne.s32 s18, $0x3F  }
.Ltmp37:
0x1e2: {  	_ = 	snop;
	(pc) =	sbr.rel @p0 .LBB2_108-.Ltmp37, $4  }
0x1e3: {  	_ = 	snop  }
0x1e4: {  	s6 =	sshrl.u32 s18, $0x3;
	s18 =	sadd.s32 $0x1, s18  }
0x1e5: {  	s30 =	sadd.s32 $0x80, s30;
	s6 =	sadd.s32 s6, s2  }
0x1e6: {  	[tilespmem:s30], [sflag:$0x1] =	stream.linear.gather [hbm4b:s6+s3], $0x1, $0x38;
	[tilespmem:$0xA400] =	vst v63  }
0x1e7: {  	(v2sf) =	vpush v1, $0xF;
	_ =	sdelay $0xe  }
0x1e8: {  	s2 =	spop (v2sf)  }
0x1e9: {  	s2 =	sshll.u32 s2, $0x4  }
0x1ea: {  	s2 =	sand.u32 $0x1FFFFFF0, s2  }
0x1eb: {  	s2 =	sadd.s32 s4, s2  }
0x1ec: {  	s18 =	simm.s32 $0x1;
	s30 =	smov.u32 s28;
	s6 =	sadd.s32 $0x0, s2  }
0x1ed: {  	[tilespmem:s28], [sflag:$0x1] =	stream.linear.gather [hbm4b:s6+s3], $0x1, $0x38;
	[tilespmem:$0xA400] =	vst v63  }
.LBB2_110:
0x1ee: {  	p0 =	sne.s32 s18, $0x3F  }
.Ltmp38:
0x1ef: {  	_ = 	snop;
	(pc) =	sbr.rel @p0 .LBB2_110-.Ltmp38, $4  }
0x1f0: {  	_ = 	snop  }
0x1f1: {  	s6 =	sshrl.u32 s18, $0x3;
	s18 =	sadd.s32 $0x1, s18  }
0x1f2: {  	s30 =	sadd.s32 $0x80, s30;
	s6 =	sadd.s32 s6, s2  }
0x1f3: {  	[tilespmem:s30], [sflag:$0x1] =	stream.linear.gather [hbm4b:s6+s3], $0x1, $0x38;
	[tilespmem:$0xA400] =	vst v63  }
0x1f4: {  	s20 =	sadd.s32 $0x1, s20  }
0x1f5: {  	s21 =	sadd.s32 $0x10, s21;
	s22 =	sadd.s32 $0x10, s22;
	p0 =	sne.s32 s20, $0x8  }
.Ltmp39:
0x1f6: {  	s23 =	sadd.s32 $0x10, s23;
	s24 =	sadd.s32 $0x10, s24;
	(pc) =	sbr.rel @p0 .LBB2_79-.Ltmp39, $4  }
0x1f7: {  	s25 =	sadd.s32 $0x10, s25;
	s26 =	sadd.s32 $0x10, s26;
	s31 =	sadd.s32 $0x10, s31  }
0x1f8: {  	s1 =	sadd.s32 $0x10, s1;
	s0 =	sadd.s32 $0x10, s0;
	s15 =	sadd.s32 $0x10, s15  }
0x1f9: {  	s16 =	sadd.s32 $0x10, s16;
	s5 =	sadd.s32 $0x10, s5;
	s14 =	sadd.s32 $0x10, s14  }
0x1fa: {  	s17 =	sadd.s32 $0x10, s17;
	s29 =	sadd.s32 $0x10, s29;
	s28 =	sadd.s32 $0x10, s28  }
.LBB2_112:
0x1fb: {  	s0 =	simm.s32 $0x2  }
0x1fc: {  	_ =	swait.ge [sflag:s0], $0x2000  }
0x1fd: {  	[sflag:s0] =	ssyncset.done $0x0  }
0x1fe: {  	[sflag:s0] =	ssyncadd.s32 $0xFFFFE000;
	s0 =	simm.s32 $0x0  }
0x1ff: {  	v3 =	vld [tilespmem:s0+$0x8400]  }
0x200: {  	v5 =	vld [tilespmem:s0+$0x8410]  }
0x201: {  	v4 =	vld [tilespmem:s0+$0x8420]  }
0x202: {  	v2 =	vld [tilespmem:s0+$0x8430]  }
0x203: {  	v0 =	vld [tilespmem:s0+$0x8440]  }
0x204: {  	v1 =	vld [tilespmem:s0+$0x8450];
	v6 =	vmul.f32 $8.000000000e+00, v3  }
0x205: {  	s1 =	simm.s32 $0x200;
	v5 =	vmul.f32 $8.000000000e+00, v5;
	v3 =	vld [tilespmem:s0+$0x8460]  }
.LBB2_113:
0x206: {  	s2 =	sshra.s32 s1, $0x2;
	p0 =	sne.s32 s1, $0x7E00;
	[tilespmem:s0+$0x8400] =	vst v6;
	v4 =	vmul.f32 $8.000000000e+00, v4;
	v6 =	vld [tilespmem:s0+$0x8470]  }
0x207: {  	v7 =	vld [tilespmem:s2+$0x8400];
	[tilespmem:s0+$0x8410] =	vst v5;
	v2 =	vmul.f32 $8.000000000e+00, v2  }
0x208: {  	v5 =	vld [tilespmem:s2+$0x8410];
	[tilespmem:s0+$0x8420] =	vst v4;
	v0 =	vmul.f32 $8.000000000e+00, v0  }
.Ltmp40:
0x209: {  	v4 =	vld [tilespmem:s2+$0x8420];
	[tilespmem:s0+$0x8430] =	vst v2;
	v1 =	vmul.f32 $8.000000000e+00, v1;
	(pc) =	sbr.rel @p0 .LBB2_113-.Ltmp40, $4  }
0x20a: {  	v2 =	vld [tilespmem:s2+$0x8430];
	[tilespmem:s0+$0x8440] =	vst v0;
	v3 =	vmul.f32 $8.000000000e+00, v3  }
0x20b: {  	v0 =	vld [tilespmem:s2+$0x8440];
	[tilespmem:s0+$0x8450] =	vst v1;
	v8 =	vmul.f32 $8.000000000e+00, v6  }
0x20c: {  	v6 =	vmul.f32 $8.000000000e+00, v7;
	v1 =	vld [tilespmem:s2+$0x8450];
	[tilespmem:s0+$0x8460] =	vst v3  }
0x20d: {  	s1 =	sadd.s32 $0x200, s1;
	v5 =	vmul.f32 $8.000000000e+00, v5;
	v3 =	vld [tilespmem:s2+$0x8460];
	[tilespmem:s0+$0x8470] =	vst v8;
	s0 =	smov.u32 s2  }
0x20e: {  	[tilespmem:s0+$0x8400] =	vst v6;
	v4 =	vmul.f32 $8.000000000e+00, v4;
	v61 =	vld [tilespmem:s0+$0x8470]  }
0x20f: {  	[tilespmem:s0+$0x8410] =	vst v5;
	v2 =	vmul.f32 $8.000000000e+00, v2  }
0x210: {  	[tilespmem:s0+$0x8420] =	vst v4;
	v0 =	vmul.f32 $8.000000000e+00, v0  }
0x211: {  	[tilespmem:s0+$0x8430] =	vst v2;
	v1 =	vmul.f32 $8.000000000e+00, v1  }
0x212: {  	[tilespmem:s0+$0x8440] =	vst v0;
	v62 =	vmul.f32 $8.000000000e+00, v3  }
0x213: {  	s1 =	sshll.u32 s19, $0xF;
	s2 =	rddreg [dreg:$0x4];
	[tilespmem:s0+$0x8450] =	vst v1;
	v63 =	vmul.f32 $8.000000000e+00, v61  }
0x214: {  	s14 =	rddreg [dreg:$0x1];
	s1 =	sor.u32 s2, s1;
	[tilespmem:s0+$0x8460] =	vst v62  }
0x215: {  	s15 =	simm.s32 $0x8400;
	[tilespmem:s0+$0x8470] =	vst v63;
	s0 =	sadd.s32 s14, s1  }
0x216: {  	[hbm4b:s0+s3] =	stream.linear.scatter [tilespmem:s15], [sflag:$0x4], $0x400, $0x38;
	[tilespmem:$0xA400] =	vst v63  }
0x217: {  	s17 =	simm.s32 $0x8800;
	s16 =	sadd.s32 s1, s7  }
0x218: {  	[hbm4b:s16+s3] =	stream.linear.scatter [tilespmem:s17], [sflag:$0x4], $0x400, $0x38;
	[tilespmem:$0xA400] =	vst v63  }
0x219: {  	s20 =	simm.s32 $0x8C00;
	s18 =	sadd.s32 s1, s8  }
0x21a: {  	[hbm4b:s18+s3] =	stream.linear.scatter [tilespmem:s20], [sflag:$0x4], $0x400, $0x38;
	[tilespmem:$0xA400] =	vst v63  }
0x21b: {  	s22 =	simm.s32 $0x9000;
	s21 =	sadd.s32 s1, s9  }
0x21c: {  	[hbm4b:s21+s3] =	stream.linear.scatter [tilespmem:s22], [sflag:$0x4], $0x400, $0x38;
	[tilespmem:$0xA400] =	vst v63  }
0x21d: {  	s24 =	simm.s32 $0x9400;
	s23 =	sadd.s32 s1, s10  }
0x21e: {  	[hbm4b:s23+s3] =	stream.linear.scatter [tilespmem:s24], [sflag:$0x4], $0x400, $0x38;
	[tilespmem:$0xA400] =	vst v63  }
0x21f: {  	s26 =	simm.s32 $0x9800;
	s25 =	sadd.s32 s1, s11  }
0x220: {  	[hbm4b:s25+s3] =	stream.linear.scatter [tilespmem:s26], [sflag:$0x4], $0x400, $0x38;
	[tilespmem:$0xA400] =	vst v63  }
.Ltmp41:
0x221: {  	_ = 	snop;
	(pc) =	sbr.rel .LBB2_115-.Ltmp41, $4  }
0x222: {  	s29 =	simm.s32 $0x9C00;
	s28 =	sadd.s32 s1, s12  }
0x223: {  	[hbm4b:s28+s3] =	stream.linear.scatter [tilespmem:s29], [sflag:$0x4], $0x400, $0x38;
	[tilespmem:$0xA400] =	vst v63  }
0x224: {  	s31 =	simm.s32 $0xA000;
	s30 =	sadd.s32 s1, s13  }
0x225: {  	[hbm4b:s30+s3] =	stream.linear.scatter [tilespmem:s31], [sflag:$0x4], $0x400, $0x38;
	[tilespmem:$0xA400] =	vst v63  }
.LBB2_37:
0x226: {  	p0 =	seq.s32 s19, $0x0  }
.Ltmp42:
0x227: {  	_ = 	snop;
	(pc) =	sbr.rel @p0 .LBB2_40-.Ltmp42, $1  }
0x228: {  	_ =	sdelay $0x3  }
0x229: {  	p0 =	seq.s32 s19, $0xC7  }
.Ltmp43:
0x22a: {  	_ = 	snop;
	(pc) =	sbr.rel @p0 .LBB2_74-.Ltmp43, $1  }
0x22b: {  	_ =	sdelay $0x3  }
0x22c: {  	s0 =	simm.s32 $0x4  }
0x22d: {  	_ =	swait.ge [sflag:s0], $0x2000  }
0x22e: {  	[sflag:s0] =	ssyncset.done $0x0  }
0x22f: {  	[sflag:s0] =	ssyncadd.s32 $0xFFFFE000  }
.LBB2_40:
0x230: {  	s0 =	sshll.u32 s19, $0x7;
	s20 =	simm.s32 $0x0  }
0x231: {  	s30 =	simm.s32 $0x8400;
	s22 =	simm.s32 $0x8401;
	s23 =	simm.s32 $0x8402  }
0x232: {  	s24 =	simm.s32 $0x8403;
	s25 =	simm.s32 $0x8404;
	s26 =	simm.s32 $0x8405  }
0x233: {  	s31 =	simm.s32 $0x8406;
	s1 =	simm.s32 $0x8407;
	s15 =	simm.s32 $0x8409  }
0x234: {  	s16 =	simm.s32 $0x840A;
	s5 =	simm.s32 $0x840B;
	s0 =	sand.u32 $0x3FFFFF80, s0  }
0x235: {  	s14 =	simm.s32 $0x840C;
	s17 =	simm.s32 $0x840D;
	s2 =	sadd.s32 $0x80, s0  }
0x236: {  	s29 =	simm.s32 $0x840E;
	s28 =	simm.s32 $0x840F;
	s0 =	simm.s32 $0x8408;
	v0 =	vmov s2  }
.LBB2_41:
0x237: {  	_ =	sdelay $0x2  }
0x238: {  	s2 =	sshll.u32 s20, $0x4  }
0x239: {  	v1 =	vld.idx.msk [tilespmem:v0+s2+$0x0 ss:$0x1], $0xffff;
	_ =	sdelay $0x4  }
0x23a: {  	(v2sf) =	vpush v1, $0x0;
	_ =	sdelay $0xe  }
0x23b: {  	s21 =	spop (v2sf)  }
0x23c: {  	s2 =	sshll.u32 s21, $0x4  }
0x23d: {  	s2 =	sand.u32 $0x1FFFFFF0, s2  }
0x23e: {  	s2 =	sadd.s32 s4, s2  }
0x23f: {  	s18 =	sadd.s32 $0x0, s2  }
0x240: {  	[tilespmem:s30], [sflag:$0x2] =	stream.linear.gather [hbm4b:s18+s3], $0x1, $0x38;
	[tilespmem:$0xA400] =	vst v63  }
0x241: {  	s21 =	smov.u32 s30;
	s18 =	simm.s32 $0x1  }
.LBB2_42:
0x242: {  	p0 =	sne.s32 s18, $0x3F  }
.Ltmp44:
0x243: {  	_ = 	snop;
	(pc) =	sbr.rel @p0 .LBB2_42-.Ltmp44, $4  }
0x244: {  	_ = 	snop  }
0x245: {  	s6 =	sshrl.u32 s18, $0x3;
	s18 =	sadd.s32 $0x1, s18  }
0x246: {  	s21 =	sadd.s32 $0x80, s21;
	s6 =	sadd.s32 s6, s2  }
0x247: {  	[tilespmem:s21], [sflag:$0x2] =	stream.linear.gather [hbm4b:s6+s3], $0x1, $0x38;
	[tilespmem:$0xA400] =	vst v63  }
0x248: {  	(v2sf) =	vpush v1, $0x1;
	_ =	sdelay $0xe  }
0x249: {  	s2 =	spop (v2sf)  }
0x24a: {  	s2 =	sshll.u32 s2, $0x4  }
0x24b: {  	s2 =	sand.u32 $0x1FFFFFF0, s2  }
0x24c: {  	s2 =	sadd.s32 s4, s2  }
0x24d: {  	s18 =	simm.s32 $0x1;
	s21 =	smov.u32 s22;
	s6 =	sadd.s32 $0x0, s2  }
0x24e: {  	[tilespmem:s22], [sflag:$0x2] =	stream.linear.gather [hbm4b:s6+s3], $0x1, $0x38;
	[tilespmem:$0xA400] =	vst v63  }
.LBB2_44:
0x24f: {  	p0 =	sne.s32 s18, $0x3F  }
.Ltmp45:
0x250: {  	_ = 	snop;
	(pc) =	sbr.rel @p0 .LBB2_44-.Ltmp45, $4  }
0x251: {  	_ = 	snop  }
0x252: {  	s6 =	sshrl.u32 s18, $0x3;
	s18 =	sadd.s32 $0x1, s18  }
0x253: {  	s21 =	sadd.s32 $0x80, s21;
	s6 =	sadd.s32 s6, s2  }
0x254: {  	[tilespmem:s21], [sflag:$0x2] =	stream.linear.gather [hbm4b:s6+s3], $0x1, $0x38;
	[tilespmem:$0xA400] =	vst v63  }
0x255: {  	(v2sf) =	vpush v1, $0x2;
	_ =	sdelay $0xe  }
0x256: {  	s2 =	spop (v2sf)  }
0x257: {  	s2 =	sshll.u32 s2, $0x4  }
0x258: {  	s2 =	sand.u32 $0x1FFFFFF0, s2  }
0x259: {  	s2 =	sadd.s32 s4, s2  }
0x25a: {  	s18 =	simm.s32 $0x1;
	s21 =	smov.u32 s23;
	s6 =	sadd.s32 $0x0, s2  }
0x25b: {  	[tilespmem:s23], [sflag:$0x2] =	stream.linear.gather [hbm4b:s6+s3], $0x1, $0x38;
	[tilespmem:$0xA400] =	vst v63  }
.LBB2_46:
0x25c: {  	p0 =	sne.s32 s18, $0x3F  }
.Ltmp46:
0x25d: {  	_ = 	snop;
	(pc) =	sbr.rel @p0 .LBB2_46-.Ltmp46, $4  }
0x25e: {  	_ = 	snop  }
0x25f: {  	s6 =	sshrl.u32 s18, $0x3;
	s18 =	sadd.s32 $0x1, s18  }
0x260: {  	s21 =	sadd.s32 $0x80, s21;
	s6 =	sadd.s32 s6, s2  }
0x261: {  	[tilespmem:s21], [sflag:$0x2] =	stream.linear.gather [hbm4b:s6+s3], $0x1, $0x38;
	[tilespmem:$0xA400] =	vst v63  }
0x262: {  	(v2sf) =	vpush v1, $0x3;
	_ =	sdelay $0xe  }
0x263: {  	s2 =	spop (v2sf)  }
0x264: {  	s2 =	sshll.u32 s2, $0x4  }
0x265: {  	s2 =	sand.u32 $0x1FFFFFF0, s2  }
0x266: {  	s2 =	sadd.s32 s4, s2  }
0x267: {  	s18 =	simm.s32 $0x1;
	s21 =	smov.u32 s24;
	s6 =	sadd.s32 $0x0, s2  }
0x268: {  	[tilespmem:s24], [sflag:$0x2] =	stream.linear.gather [hbm4b:s6+s3], $0x1, $0x38;
	[tilespmem:$0xA400] =	vst v63  }
.LBB2_48:
0x269: {  	p0 =	sne.s32 s18, $0x3F  }
.Ltmp47:
0x26a: {  	_ = 	snop;
	(pc) =	sbr.rel @p0 .LBB2_48-.Ltmp47, $4  }
0x26b: {  	_ = 	snop  }
0x26c: {  	s6 =	sshrl.u32 s18, $0x3;
	s18 =	sadd.s32 $0x1, s18  }
0x26d: {  	s21 =	sadd.s32 $0x80, s21;
	s6 =	sadd.s32 s6, s2  }
0x26e: {  	[tilespmem:s21], [sflag:$0x2] =	stream.linear.gather [hbm4b:s6+s3], $0x1, $0x38;
	[tilespmem:$0xA400] =	vst v63  }
0x26f: {  	(v2sf) =	vpush v1, $0x4;
	_ =	sdelay $0xe  }
0x270: {  	s2 =	spop (v2sf)  }
0x271: {  	s2 =	sshll.u32 s2, $0x4  }
0x272: {  	s2 =	sand.u32 $0x1FFFFFF0, s2  }
0x273: {  	s2 =	sadd.s32 s4, s2  }
0x274: {  	s18 =	simm.s32 $0x1;
	s21 =	smov.u32 s25;
	s6 =	sadd.s32 $0x0, s2  }
0x275: {  	[tilespmem:s25], [sflag:$0x2] =	stream.linear.gather [hbm4b:s6+s3], $0x1, $0x38;
	[tilespmem:$0xA400] =	vst v63  }
.LBB2_50:
0x276: {  	p0 =	sne.s32 s18, $0x3F  }
.Ltmp48:
0x277: {  	_ = 	snop;
	(pc) =	sbr.rel @p0 .LBB2_50-.Ltmp48, $4  }
0x278: {  	_ = 	snop  }
0x279: {  	s6 =	sshrl.u32 s18, $0x3;
	s18 =	sadd.s32 $0x1, s18  }
0x27a: {  	s21 =	sadd.s32 $0x80, s21;
	s6 =	sadd.s32 s6, s2  }
0x27b: {  	[tilespmem:s21], [sflag:$0x2] =	stream.linear.gather [hbm4b:s6+s3], $0x1, $0x38;
	[tilespmem:$0xA400] =	vst v63  }
0x27c: {  	(v2sf) =	vpush v1, $0x5;
	_ =	sdelay $0xe  }
0x27d: {  	s2 =	spop (v2sf)  }
0x27e: {  	s2 =	sshll.u32 s2, $0x4  }
0x27f: {  	s2 =	sand.u32 $0x1FFFFFF0, s2  }
0x280: {  	s2 =	sadd.s32 s4, s2  }
0x281: {  	s18 =	simm.s32 $0x1;
	s21 =	smov.u32 s26;
	s6 =	sadd.s32 $0x0, s2  }
0x282: {  	[tilespmem:s26], [sflag:$0x2] =	stream.linear.gather [hbm4b:s6+s3], $0x1, $0x38;
	[tilespmem:$0xA400] =	vst v63  }
.LBB2_52:
0x283: {  	p0 =	sne.s32 s18, $0x3F  }
.Ltmp49:
0x284: {  	_ = 	snop;
	(pc) =	sbr.rel @p0 .LBB2_52-.Ltmp49, $4  }
0x285: {  	_ = 	snop  }
0x286: {  	s6 =	sshrl.u32 s18, $0x3;
	s18 =	sadd.s32 $0x1, s18  }
0x287: {  	s21 =	sadd.s32 $0x80, s21;
	s6 =	sadd.s32 s6, s2  }
0x288: {  	[tilespmem:s21], [sflag:$0x2] =	stream.linear.gather [hbm4b:s6+s3], $0x1, $0x38;
	[tilespmem:$0xA400] =	vst v63  }
0x289: {  	(v2sf) =	vpush v1, $0x6;
	_ =	sdelay $0xe  }
0x28a: {  	s2 =	spop (v2sf)  }
0x28b: {  	s2 =	sshll.u32 s2, $0x4  }
0x28c: {  	s2 =	sand.u32 $0x1FFFFFF0, s2  }
0x28d: {  	s2 =	sadd.s32 s4, s2  }
0x28e: {  	s18 =	simm.s32 $0x1;
	s21 =	smov.u32 s31;
	s6 =	sadd.s32 $0x0, s2  }
0x28f: {  	[tilespmem:s31], [sflag:$0x2] =	stream.linear.gather [hbm4b:s6+s3], $0x1, $0x38;
	[tilespmem:$0xA400] =	vst v63  }
.LBB2_54:
0x290: {  	p0 =	sne.s32 s18, $0x3F  }
.Ltmp50:
0x291: {  	_ = 	snop;
	(pc) =	sbr.rel @p0 .LBB2_54-.Ltmp50, $4  }
0x292: {  	_ = 	snop  }
0x293: {  	s6 =	sshrl.u32 s18, $0x3;
	s18 =	sadd.s32 $0x1, s18  }
0x294: {  	s21 =	sadd.s32 $0x80, s21;
	s6 =	sadd.s32 s6, s2  }
0x295: {  	[tilespmem:s21], [sflag:$0x2] =	stream.linear.gather [hbm4b:s6+s3], $0x1, $0x38;
	[tilespmem:$0xA400] =	vst v63  }
0x296: {  	(v2sf) =	vpush v1, $0x7;
	_ =	sdelay $0xe  }
0x297: {  	s2 =	spop (v2sf)  }
0x298: {  	s2 =	sshll.u32 s2, $0x4  }
0x299: {  	s2 =	sand.u32 $0x1FFFFFF0, s2  }
0x29a: {  	s2 =	sadd.s32 s4, s2  }
0x29b: {  	s18 =	simm.s32 $0x1;
	s21 =	smov.u32 s1;
	s6 =	sadd.s32 $0x0, s2  }
0x29c: {  	[tilespmem:s1], [sflag:$0x2] =	stream.linear.gather [hbm4b:s6+s3], $0x1, $0x38;
	[tilespmem:$0xA400] =	vst v63  }
.LBB2_56:
0x29d: {  	p0 =	sne.s32 s18, $0x3F  }
.Ltmp51:
0x29e: {  	_ = 	snop;
	(pc) =	sbr.rel @p0 .LBB2_56-.Ltmp51, $4  }
0x29f: {  	_ = 	snop  }
0x2a0: {  	s6 =	sshrl.u32 s18, $0x3;
	s18 =	sadd.s32 $0x1, s18  }
0x2a1: {  	s21 =	sadd.s32 $0x80, s21;
	s6 =	sadd.s32 s6, s2  }
0x2a2: {  	[tilespmem:s21], [sflag:$0x2] =	stream.linear.gather [hbm4b:s6+s3], $0x1, $0x38;
	[tilespmem:$0xA400] =	vst v63  }
0x2a3: {  	(v2sf) =	vpush v1, $0x8;
	_ =	sdelay $0xe  }
0x2a4: {  	s2 =	spop (v2sf)  }
0x2a5: {  	s2 =	sshll.u32 s2, $0x4  }
0x2a6: {  	s2 =	sand.u32 $0x1FFFFFF0, s2  }
0x2a7: {  	s2 =	sadd.s32 s4, s2  }
0x2a8: {  	s18 =	simm.s32 $0x1;
	s21 =	smov.u32 s0;
	s6 =	sadd.s32 $0x0, s2  }
0x2a9: {  	[tilespmem:s0], [sflag:$0x2] =	stream.linear.gather [hbm4b:s6+s3], $0x1, $0x38;
	[tilespmem:$0xA400] =	vst v63  }
.LBB2_58:
0x2aa: {  	p0 =	sne.s32 s18, $0x3F  }
.Ltmp52:
0x2ab: {  	_ = 	snop;
	(pc) =	sbr.rel @p0 .LBB2_58-.Ltmp52, $4  }
0x2ac: {  	_ = 	snop  }
0x2ad: {  	s6 =	sshrl.u32 s18, $0x3;
	s18 =	sadd.s32 $0x1, s18  }
0x2ae: {  	s21 =	sadd.s32 $0x80, s21;
	s6 =	sadd.s32 s6, s2  }
0x2af: {  	[tilespmem:s21], [sflag:$0x2] =	stream.linear.gather [hbm4b:s6+s3], $0x1, $0x38;
	[tilespmem:$0xA400] =	vst v63  }
0x2b0: {  	(v2sf) =	vpush v1, $0x9;
	_ =	sdelay $0xe  }
0x2b1: {  	s2 =	spop (v2sf)  }
0x2b2: {  	s2 =	sshll.u32 s2, $0x4  }
0x2b3: {  	s2 =	sand.u32 $0x1FFFFFF0, s2  }
0x2b4: {  	s2 =	sadd.s32 s4, s2  }
0x2b5: {  	s18 =	simm.s32 $0x1;
	s21 =	smov.u32 s15;
	s6 =	sadd.s32 $0x0, s2  }
0x2b6: {  	[tilespmem:s15], [sflag:$0x2] =	stream.linear.gather [hbm4b:s6+s3], $0x1, $0x38;
	[tilespmem:$0xA400] =	vst v63  }
.LBB2_60:
0x2b7: {  	p0 =	sne.s32 s18, $0x3F  }
.Ltmp53:
0x2b8: {  	_ = 	snop;
	(pc) =	sbr.rel @p0 .LBB2_60-.Ltmp53, $4  }
0x2b9: {  	_ = 	snop  }
0x2ba: {  	s6 =	sshrl.u32 s18, $0x3;
	s18 =	sadd.s32 $0x1, s18  }
0x2bb: {  	s21 =	sadd.s32 $0x80, s21;
	s6 =	sadd.s32 s6, s2  }
0x2bc: {  	[tilespmem:s21], [sflag:$0x2] =	stream.linear.gather [hbm4b:s6+s3], $0x1, $0x38;
	[tilespmem:$0xA400] =	vst v63  }
0x2bd: {  	(v2sf) =	vpush v1, $0xA;
	_ =	sdelay $0xe  }
0x2be: {  	s2 =	spop (v2sf)  }
0x2bf: {  	s2 =	sshll.u32 s2, $0x4  }
0x2c0: {  	s2 =	sand.u32 $0x1FFFFFF0, s2  }
0x2c1: {  	s2 =	sadd.s32 s4, s2  }
0x2c2: {  	s18 =	simm.s32 $0x1;
	s21 =	smov.u32 s16;
	s6 =	sadd.s32 $0x0, s2  }
0x2c3: {  	[tilespmem:s16], [sflag:$0x2] =	stream.linear.gather [hbm4b:s6+s3], $0x1, $0x38;
	[tilespmem:$0xA400] =	vst v63  }
.LBB2_62:
0x2c4: {  	p0 =	sne.s32 s18, $0x3F  }
.Ltmp54:
0x2c5: {  	_ = 	snop;
	(pc) =	sbr.rel @p0 .LBB2_62-.Ltmp54, $4  }
0x2c6: {  	_ = 	snop  }
0x2c7: {  	s6 =	sshrl.u32 s18, $0x3;
	s18 =	sadd.s32 $0x1, s18  }
0x2c8: {  	s21 =	sadd.s32 $0x80, s21;
	s6 =	sadd.s32 s6, s2  }
0x2c9: {  	[tilespmem:s21], [sflag:$0x2] =	stream.linear.gather [hbm4b:s6+s3], $0x1, $0x38;
	[tilespmem:$0xA400] =	vst v63  }
0x2ca: {  	(v2sf) =	vpush v1, $0xB;
	_ =	sdelay $0xe  }
0x2cb: {  	s2 =	spop (v2sf)  }
0x2cc: {  	s2 =	sshll.u32 s2, $0x4  }
0x2cd: {  	s2 =	sand.u32 $0x1FFFFFF0, s2  }
0x2ce: {  	s2 =	sadd.s32 s4, s2  }
0x2cf: {  	s18 =	simm.s32 $0x1;
	s21 =	smov.u32 s5;
	s6 =	sadd.s32 $0x0, s2  }
0x2d0: {  	[tilespmem:s5], [sflag:$0x2] =	stream.linear.gather [hbm4b:s6+s3], $0x1, $0x38;
	[tilespmem:$0xA400] =	vst v63  }
.LBB2_64:
0x2d1: {  	p0 =	sne.s32 s18, $0x3F  }
.Ltmp55:
0x2d2: {  	_ = 	snop;
	(pc) =	sbr.rel @p0 .LBB2_64-.Ltmp55, $4  }
0x2d3: {  	_ = 	snop  }
0x2d4: {  	s6 =	sshrl.u32 s18, $0x3;
	s18 =	sadd.s32 $0x1, s18  }
0x2d5: {  	s21 =	sadd.s32 $0x80, s21;
	s6 =	sadd.s32 s6, s2  }
0x2d6: {  	[tilespmem:s21], [sflag:$0x2] =	stream.linear.gather [hbm4b:s6+s3], $0x1, $0x38;
	[tilespmem:$0xA400] =	vst v63  }
0x2d7: {  	(v2sf) =	vpush v1, $0xC;
	_ =	sdelay $0xe  }
0x2d8: {  	s2 =	spop (v2sf)  }
0x2d9: {  	s2 =	sshll.u32 s2, $0x4  }
0x2da: {  	s2 =	sand.u32 $0x1FFFFFF0, s2  }
0x2db: {  	s2 =	sadd.s32 s4, s2  }
0x2dc: {  	s18 =	simm.s32 $0x1;
	s21 =	smov.u32 s14;
	s6 =	sadd.s32 $0x0, s2  }
0x2dd: {  	[tilespmem:s14], [sflag:$0x2] =	stream.linear.gather [hbm4b:s6+s3], $0x1, $0x38;
	[tilespmem:$0xA400] =	vst v63  }
.LBB2_66:
0x2de: {  	p0 =	sne.s32 s18, $0x3F  }
.Ltmp56:
0x2df: {  	_ = 	snop;
	(pc) =	sbr.rel @p0 .LBB2_66-.Ltmp56, $4  }
0x2e0: {  	_ = 	snop  }
0x2e1: {  	s6 =	sshrl.u32 s18, $0x3;
	s18 =	sadd.s32 $0x1, s18  }
0x2e2: {  	s21 =	sadd.s32 $0x80, s21;
	s6 =	sadd.s32 s6, s2  }
0x2e3: {  	[tilespmem:s21], [sflag:$0x2] =	stream.linear.gather [hbm4b:s6+s3], $0x1, $0x38;
	[tilespmem:$0xA400] =	vst v63  }
0x2e4: {  	(v2sf) =	vpush v1, $0xD;
	_ =	sdelay $0xe  }
0x2e5: {  	s2 =	spop (v2sf)  }
0x2e6: {  	s2 =	sshll.u32 s2, $0x4  }
0x2e7: {  	s2 =	sand.u32 $0x1FFFFFF0, s2  }
0x2e8: {  	s2 =	sadd.s32 s4, s2  }
0x2e9: {  	s18 =	simm.s32 $0x1;
	s21 =	smov.u32 s17;
	s6 =	sadd.s32 $0x0, s2  }
0x2ea: {  	[tilespmem:s17], [sflag:$0x2] =	stream.linear.gather [hbm4b:s6+s3], $0x1, $0x38;
	[tilespmem:$0xA400] =	vst v63  }
.LBB2_68:
0x2eb: {  	p0 =	sne.s32 s18, $0x3F  }
.Ltmp57:
0x2ec: {  	_ = 	snop;
	(pc) =	sbr.rel @p0 .LBB2_68-.Ltmp57, $4  }
0x2ed: {  	_ = 	snop  }
0x2ee: {  	s6 =	sshrl.u32 s18, $0x3;
	s18 =	sadd.s32 $0x1, s18  }
0x2ef: {  	s21 =	sadd.s32 $0x80, s21;
	s6 =	sadd.s32 s6, s2  }
0x2f0: {  	[tilespmem:s21], [sflag:$0x2] =	stream.linear.gather [hbm4b:s6+s3], $0x1, $0x38;
	[tilespmem:$0xA400] =	vst v63  }
0x2f1: {  	(v2sf) =	vpush v1, $0xE;
	_ =	sdelay $0xe  }
0x2f2: {  	s2 =	spop (v2sf)  }
0x2f3: {  	s2 =	sshll.u32 s2, $0x4  }
0x2f4: {  	s2 =	sand.u32 $0x1FFFFFF0, s2  }
0x2f5: {  	s2 =	sadd.s32 s4, s2  }
0x2f6: {  	s18 =	simm.s32 $0x1;
	s21 =	smov.u32 s29;
	s6 =	sadd.s32 $0x0, s2  }
0x2f7: {  	[tilespmem:s29], [sflag:$0x2] =	stream.linear.gather [hbm4b:s6+s3], $0x1, $0x38;
	[tilespmem:$0xA400] =	vst v63  }
.LBB2_70:
0x2f8: {  	p0 =	sne.s32 s18, $0x3F  }
.Ltmp58:
0x2f9: {  	_ = 	snop;
	(pc) =	sbr.rel @p0 .LBB2_70-.Ltmp58, $4  }
0x2fa: {  	_ = 	snop  }
0x2fb: {  	s6 =	sshrl.u32 s18, $0x3;
	s18 =	sadd.s32 $0x1, s18  }
0x2fc: {  	s21 =	sadd.s32 $0x80, s21;
	s6 =	sadd.s32 s6, s2  }
0x2fd: {  	[tilespmem:s21], [sflag:$0x2] =	stream.linear.gather [hbm4b:s6+s3], $0x1, $0x38;
	[tilespmem:$0xA400] =	vst v63  }
0x2fe: {  	(v2sf) =	vpush v1, $0xF;
	_ =	sdelay $0xe  }
0x2ff: {  	s2 =	spop (v2sf)  }
0x300: {  	s2 =	sshll.u32 s2, $0x4  }
0x301: {  	s2 =	sand.u32 $0x1FFFFFF0, s2  }
0x302: {  	s2 =	sadd.s32 s4, s2  }
0x303: {  	s18 =	simm.s32 $0x1;
	s21 =	smov.u32 s28;
	s6 =	sadd.s32 $0x0, s2  }
0x304: {  	[tilespmem:s28], [sflag:$0x2] =	stream.linear.gather [hbm4b:s6+s3], $0x1, $0x38;
	[tilespmem:$0xA400] =	vst v63  }
.LBB2_72:
0x305: {  	p0 =	sne.s32 s18, $0x3F  }
.Ltmp59:
0x306: {  	_ = 	snop;
	(pc) =	sbr.rel @p0 .LBB2_72-.Ltmp59, $4  }
0x307: {  	_ = 	snop  }
0x308: {  	s6 =	sshrl.u32 s18, $0x3;
	s18 =	sadd.s32 $0x1, s18  }
0x309: {  	s21 =	sadd.s32 $0x80, s21;
	s6 =	sadd.s32 s6, s2  }
0x30a: {  	[tilespmem:s21], [sflag:$0x2] =	stream.linear.gather [hbm4b:s6+s3], $0x1, $0x38;
	[tilespmem:$0xA400] =	vst v63  }
0x30b: {  	s20 =	sadd.s32 $0x1, s20  }
0x30c: {  	s30 =	sadd.s32 $0x10, s30;
	s22 =	sadd.s32 $0x10, s22;
	p0 =	sne.s32 s20, $0x8  }
.Ltmp60:
0x30d: {  	s23 =	sadd.s32 $0x10, s23;
	s24 =	sadd.s32 $0x10, s24;
	(pc) =	sbr.rel @p0 .LBB2_41-.Ltmp60, $4  }
0x30e: {  	s25 =	sadd.s32 $0x10, s25;
	s26 =	sadd.s32 $0x10, s26;
	s31 =	sadd.s32 $0x10, s31  }
0x30f: {  	s1 =	sadd.s32 $0x10, s1;
	s0 =	sadd.s32 $0x10, s0;
	s15 =	sadd.s32 $0x10, s15  }
0x310: {  	s16 =	sadd.s32 $0x10, s16;
	s5 =	sadd.s32 $0x10, s5;
	s14 =	sadd.s32 $0x10, s14  }
0x311: {  	s17 =	sadd.s32 $0x10, s17;
	s29 =	sadd.s32 $0x10, s29;
	s28 =	sadd.s32 $0x10, s28  }
.LBB2_74:
0x312: {  	s0 =	simm.s32 $0x1  }
0x313: {  	_ =	swait.ge [sflag:s0], $0x2000  }
0x314: {  	[sflag:s0] =	ssyncset.done $0x0  }
0x315: {  	[sflag:s0] =	ssyncadd.s32 $0xFFFFE000;
	s0 =	simm.s32 $0x0  }
0x316: {  	v3 =	vld [tilespmem:s0+$0x6400]  }
0x317: {  	v5 =	vld [tilespmem:s0+$0x6410]  }
0x318: {  	v4 =	vld [tilespmem:s0+$0x6420]  }
0x319: {  	v2 =	vld [tilespmem:s0+$0x6430]  }
0x31a: {  	v0 =	vld [tilespmem:s0+$0x6440]  }
0x31b: {  	v1 =	vld [tilespmem:s0+$0x6450];
	v6 =	vmul.f32 $8.000000000e+00, v3  }
0x31c: {  	s1 =	simm.s32 $0x200;
	v5 =	vmul.f32 $8.000000000e+00, v5;
	v3 =	vld [tilespmem:s0+$0x6460]  }
.LBB2_75:
0x31d: {  	s2 =	sshra.s32 s1, $0x2;
	p0 =	sne.s32 s1, $0x7E00;
	[tilespmem:s0+$0x6400] =	vst v6;
	v4 =	vmul.f32 $8.000000000e+00, v4;
	v6 =	vld [tilespmem:s0+$0x6470]  }
0x31e: {  	v7 =	vld [tilespmem:s2+$0x6400];
	[tilespmem:s0+$0x6410] =	vst v5;
	v2 =	vmul.f32 $8.000000000e+00, v2  }
0x31f: {  	v5 =	vld [tilespmem:s2+$0x6410];
	[tilespmem:s0+$0x6420] =	vst v4;
	v0 =	vmul.f32 $8.000000000e+00, v0  }
.Ltmp61:
0x320: {  	v4 =	vld [tilespmem:s2+$0x6420];
	[tilespmem:s0+$0x6430] =	vst v2;
	v1 =	vmul.f32 $8.000000000e+00, v1;
	(pc) =	sbr.rel @p0 .LBB2_75-.Ltmp61, $4  }
0x321: {  	v2 =	vld [tilespmem:s2+$0x6430];
	[tilespmem:s0+$0x6440] =	vst v0;
	v3 =	vmul.f32 $8.000000000e+00, v3  }
0x322: {  	v0 =	vld [tilespmem:s2+$0x6440];
	[tilespmem:s0+$0x6450] =	vst v1;
	v8 =	vmul.f32 $8.000000000e+00, v6  }
0x323: {  	v6 =	vmul.f32 $8.000000000e+00, v7;
	v1 =	vld [tilespmem:s2+$0x6450];
	[tilespmem:s0+$0x6460] =	vst v3  }
0x324: {  	s1 =	sadd.s32 $0x200, s1;
	v5 =	vmul.f32 $8.000000000e+00, v5;
	v3 =	vld [tilespmem:s2+$0x6460];
	[tilespmem:s0+$0x6470] =	vst v8;
	s0 =	smov.u32 s2  }
0x325: {  	[tilespmem:s0+$0x6400] =	vst v6;
	v4 =	vmul.f32 $8.000000000e+00, v4;
	v61 =	vld [tilespmem:s0+$0x6470]  }
0x326: {  	[tilespmem:s0+$0x6410] =	vst v5;
	v2 =	vmul.f32 $8.000000000e+00, v2  }
0x327: {  	[tilespmem:s0+$0x6420] =	vst v4;
	v0 =	vmul.f32 $8.000000000e+00, v0  }
0x328: {  	[tilespmem:s0+$0x6430] =	vst v2;
	v1 =	vmul.f32 $8.000000000e+00, v1  }
0x329: {  	[tilespmem:s0+$0x6440] =	vst v0;
	v62 =	vmul.f32 $8.000000000e+00, v3  }
0x32a: {  	s1 =	sshll.u32 s19, $0xF;
	s2 =	rddreg [dreg:$0x4];
	[tilespmem:s0+$0x6450] =	vst v1;
	v63 =	vmul.f32 $8.000000000e+00, v61  }
0x32b: {  	s14 =	rddreg [dreg:$0x1];
	s1 =	sor.u32 s2, s1;
	[tilespmem:s0+$0x6460] =	vst v62  }
0x32c: {  	s15 =	simm.s32 $0x6400;
	[tilespmem:s0+$0x6470] =	vst v63;
	s0 =	sadd.s32 s14, s1  }
0x32d: {  	[hbm4b:s0+s3] =	stream.linear.scatter [tilespmem:s15], [sflag:$0x3], $0x400, $0x38;
	[tilespmem:$0xA400] =	vst v63  }
0x32e: {  	s17 =	simm.s32 $0x6800;
	s16 =	sadd.s32 s1, s7  }
0x32f: {  	[hbm4b:s16+s3] =	stream.linear.scatter [tilespmem:s17], [sflag:$0x3], $0x400, $0x38;
	[tilespmem:$0xA400] =	vst v63  }
0x330: {  	s20 =	simm.s32 $0x6C00;
	s18 =	sadd.s32 s1, s8  }
0x331: {  	[hbm4b:s18+s3] =	stream.linear.scatter [tilespmem:s20], [sflag:$0x3], $0x400, $0x38;
	[tilespmem:$0xA400] =	vst v63  }
0x332: {  	s22 =	simm.s32 $0x7000;
	s21 =	sadd.s32 s1, s9  }
0x333: {  	[hbm4b:s21+s3] =	stream.linear.scatter [tilespmem:s22], [sflag:$0x3], $0x400, $0x38;
	[tilespmem:$0xA400] =	vst v63  }
0x334: {  	s24 =	simm.s32 $0x7400;
	s23 =	sadd.s32 s1, s10  }
0x335: {  	[hbm4b:s23+s3] =	stream.linear.scatter [tilespmem:s24], [sflag:$0x3], $0x400, $0x38;
	[tilespmem:$0xA400] =	vst v63  }
0x336: {  	s26 =	simm.s32 $0x7800;
	s25 =	sadd.s32 s1, s11  }
0x337: {  	[hbm4b:s25+s3] =	stream.linear.scatter [tilespmem:s26], [sflag:$0x3], $0x400, $0x38;
	[tilespmem:$0xA400] =	vst v63  }
.Ltmp62:
0x338: {  	_ = 	snop;
	(pc) =	sbr.rel .LBB2_115-.Ltmp62, $4  }
0x339: {  	s29 =	simm.s32 $0x7C00;
	s28 =	sadd.s32 s1, s12  }
0x33a: {  	[hbm4b:s28+s3] =	stream.linear.scatter [tilespmem:s29], [sflag:$0x3], $0x400, $0x38;
	[tilespmem:$0xA400] =	vst v63  }
0x33b: {  	s31 =	simm.s32 $0x8000;
	s30 =	sadd.s32 s1, s13  }
0x33c: {  	[hbm4b:s30+s3] =	stream.linear.scatter [tilespmem:s31], [sflag:$0x3], $0x400, $0x38;
	[tilespmem:$0xA400] =	vst v63  }
.LBB2_117:
0x33d: {  	_ =	sfence.sel $0x180000  }
0x33e: {  	[bflag:$0x0] =	sbarrier.arrive $0xFFFF  }
0x33f: {  	_ =	strace $0x90000047  }
0x340: {  	s0 =	stileid.u32;
	[bflag:$0x2] =	sbarrier.arrive $0xFFFF  }
0x341: {  	p0 =	sne.s32 s0, $0x0;
	s0 =	rddreg [dreg:$0x2]  }
0x342: {  	s0 =	sadd.s32 @!p0 $0x100000, s0  }
0x343: {  	[sflag:s0] =	ssyncadd.tile.s32 @!p0 $0x1;
	_ =	shalt  }
.Lfunc_end2:
_tile_overlayer_lowered:
.L_overlay_start_2:
0x344: {  	(tag) =	ssettag $0x2  }
0x345: {  	s0 =	rddreg [dreg:$0x0];
	s2 =	stileid.u32  }
0x346: {  	s1 =	rddreg [dreg:$0x1];
	p0 =	sne.s32 s2, $0x0  }
0x347: {  	s3 =	rddreg [dreg:$0x2];
	[bflag:$0x3] =	sbarrier.arrive $0xFFFF;
	s2 =	simm.s32 @!p0 $0x1C05  }
0x348: {  	[timem:s3], [sflag:s2] =	dma.local @!p0 [hbm:s0], s1  }
0x349: {  	s0 =	simm.s32 @!p0 $0x5  }
0x34a: {  	_ =	swait.ge @!p0 [sflag:s0], s1  }
0x34b: {  	s1 =	ssub.s32 @!p0 $0x0, s1;
	[sflag:s0] =	ssyncset.done @!p0 $0x0  }
0x34c: {  	[sflag:s0] =	ssyncadd.s32 @!p0 s1  }
0x34d: {  	[bflag:$0x3] =	sbarrier.arrive $0xFFFF  }
0x34e: {  	_ =	shalt  }

</sc_bundles>
